<compile_context>
chip_gen: v7x
topology: tpu7x:2x2x1
jax: 0.10.2.dev20260603
libtpu: 0.0.44.dev20260713+nightly
codegen_flags: <defaults>
</compile_context>

<pallas_src>
import functools

import jax
import jax.numpy as jnp
from jax import lax
from jax.experimental import pallas as pl
from jax.experimental.pallas import tpu as pltpu
from jax.experimental.pallas import tpu_sc as plsc

_NC = 2
_NS = 16
_NW = _NC * _NS
_L = 16


def _trig_body(rel_ref, cs_ref):
    hd = rel_ref.shape[1]
    x = rel_ref[...]
    cs_ref[:, 0:hd] = jnp.cos(x)
    cs_ref[:, hd:2 * hd] = jnp.sin(x)


def _score_body(C, D, ROWS, NCHUNK,
                h_hbm, r_hbm, t_hbm, ent_hbm, cs_hbm, out_hbm,
                hidx, ridx, tidx, hrows, trows, csrows, outv, sem0, sem1):
    HD = D // 2
    G = HD // _L
    wid = lax.axis_index("s") * _NC + lax.axis_index("c")
    base = wid * ROWS

    for k in range(NCHUNK):
        pltpu.sync_copy(h_hbm.at[pl.ds(base + k * C, C)], hidx.at[k])
        pltpu.sync_copy(t_hbm.at[pl.ds(base + k * C, C)], tidx.at[k])
        pltpu.sync_copy(r_hbm.at[pl.ds(base + k * C, C)], ridx.at[k])

    sems = (sem0, sem1)

    def issue(k):
        b = k % 2
        return (pltpu.async_copy(ent_hbm.at[hidx.at[k]], hrows.at[b], sems[b]),
                pltpu.async_copy(ent_hbm.at[tidx.at[k]], trows.at[b], sems[b]),
                pltpu.async_copy(cs_hbm.at[ridx.at[k]], csrows.at[b], sems[b]))

    pending = issue(0)
    for k in range(NCHUNK):
        b = k % 2
        nxt = issue(k + 1) if k + 1 < NCHUNK else None
        for cp in pending:
            cp.wait()
        pending = nxt

        last_lane = lax.broadcasted_iota(jnp.int32, (_L,), 0) == (_L - 1)

        @plsc.parallel_loop(0, C, unroll=2)
        def row_fn(i):
            acc = None
            for g in range(G):
                hr = hrows[b, i, pl.ds(g * _L, _L)]
                hi = hrows[b, i, pl.ds(HD + g * _L, _L)]
                tr = trows[b, i, pl.ds(g * _L, _L)]
                ti = trows[b, i, pl.ds(HD + g * _L, _L)]
                c = csrows[b, i, pl.ds(g * _L, _L)]
                s = csrows[b, i, pl.ds(HD + g * _L, _L)]
                dr = hr * c - hi * s - tr
                di = hr * s + hi * c - ti
                sq = dr * dr + di * di
                acc = sq if acc is None else acc + sq
            cum = plsc.cumsum(acc)
            plsc.store_compressed(outv.at[pl.ds(k * C + i, _L)], cum, mask=last_lane)

    pltpu.sync_copy(outv.at[pl.ds(0, ROWS)], out_hbm.at[pl.ds(base, ROWS)])


def kernel(h, r, t, entity_embeddings, relation_embeddings):
    B = h.shape[0]
    R, HD = relation_embeddings.shape
    D = 2 * HD

    cs_table = pl.pallas_call(
        _trig_body,
        out_shape=jax.ShapeDtypeStruct((R, D), jnp.float32),
    )(relation_embeddings)

    ROWS = B // _NW
    C = min(128, ROWS)
    NCHUNK = ROWS // C

    mesh = plsc.VectorSubcoreMesh(core_axis_name="c", subcore_axis_name="s",
                                  num_cores=_NC, num_subcores=_NS)
    body = functools.partial(_score_body, C, D, ROWS, NCHUNK)
    score = pl.kernel(
        body,
        out_type=jax.ShapeDtypeStruct((B,), jnp.float32),
        mesh=mesh,
        compiler_params=pltpu.CompilerParams(needs_layout_passes=False),
        scratch_types=[
            pltpu.VMEM((NCHUNK, C), jnp.int32),
            pltpu.VMEM((NCHUNK, C), jnp.int32),
            pltpu.VMEM((NCHUNK, C), jnp.int32),
            pltpu.VMEM((2, C, D), jnp.float32),
            pltpu.VMEM((2, C, D), jnp.float32),
            pltpu.VMEM((2, C, D), jnp.float32),
            pltpu.VMEM((ROWS + _L,), jnp.float32),
            pltpu.SemaphoreType.DMA,
            pltpu.SemaphoreType.DMA,
        ],
    )(h, r, t, entity_embeddings, cs_table)
    return score

# --- scband reference (transcript-rebuilt; emitter-appended) ---
"""Pipeline reference for scband-rotat-euncertainty-41652592837343 (READ-ONLY COPY).

The authoritative reference and input builder live on the scoring server;
editing this copy changes nothing except your own understanding.
"""

import jax, jax.numpy as jnp
import numpy as np

NUM_ENTITIES = 1000000
NUM_RELATIONS = 1000
EMBEDDING_DIM = 128
HALF_DIM = EMBEDDING_DIM // 2
BATCH = 16384


def setup_inputs(seed: int = 0) -> dict:
    key = jax.random.key(seed)
    k1, k2, k3, k4, k5 = jax.random.split(key, 5)
    h = jax.random.randint(k1, (BATCH,), 0, NUM_ENTITIES, dtype=jnp.int64 if jax.config.jax_enable_x64 else jnp.int32).astype(jnp.int32)
    r = jax.random.randint(k2, (BATCH,), 0, NUM_RELATIONS).astype(jnp.int32)
    t = jax.random.randint(k3, (BATCH,), 0, NUM_ENTITIES).astype(jnp.int32)
    entity_embeddings = jax.random.uniform(k4, (NUM_ENTITIES, EMBEDDING_DIM), dtype=jnp.float32, minval=-0.1, maxval=0.1)
    relation_embeddings = jax.random.uniform(k5, (NUM_RELATIONS, HALF_DIM), dtype=jnp.float32, minval=-3.14, maxval=3.14)
    return {"h": h, "r": r, "t": t, "entity_embeddings": entity_embeddings, "relation_embeddings": relation_embeddings}


def reference(h, r, t, entity_embeddings, relation_embeddings):
    head = jnp.take(entity_embeddings, h, axis=0)
    tail = jnp.take(entity_embeddings, t, axis=0)
    relation = jnp.take(relation_embeddings, r, axis=0)
    head_real, head_imag = jnp.split(head, 2, axis=1)
    tail_real, tail_imag = jnp.split(tail, 2, axis=1)
    cos_r = jnp.cos(relation)
    sin_r = jnp.sin(relation)
    rotated_head_real = head_real * cos_r - head_imag * sin_r
    rotated_head_imag = head_real * sin_r + head_imag * cos_r
    score = (rotated_head_real - tail_real) ** 2 + (rotated_head_imag - tail_imag) ** 2
    score = jnp.sum(score, axis=1)
    return score

if __name__ == "__main__":
    import jax
    _d = setup_inputs()
    print(jax.jit(kernel)(*tuple(_d.values())))

</pallas_src>

<mosaic_0001>
#map = affine_map<(d0, d1) -> (0)>
#map1 = affine_map<(d0, d1) -> (0, 0)>
module attributes {stable_mosaic.version = 14 : i64} {
  func.func @_score_body(%arg0: i32, %arg1: i32, %arg2: memref<16384xi32, #tpu.memory_space<hbm>>, %arg3: memref<16384xi32, #tpu.memory_space<hbm>>, %arg4: memref<16384xi32, #tpu.memory_space<hbm>>, %arg5: memref<1000000x128xf32, #tpu.memory_space<hbm>>, %arg6: memref<1000x128xf32, #tpu.memory_space<hbm>>, %arg7: memref<16384xf32, #tpu.memory_space<hbm>>, %arg8: memref<4x128xi32, #tpu.memory_space<vmem>>, %arg9: memref<4x128xi32, #tpu.memory_space<vmem>>, %arg10: memref<4x128xi32, #tpu.memory_space<vmem>>, %arg11: memref<2x128x128xf32, #tpu.memory_space<vmem>>, %arg12: memref<2x128x128xf32, #tpu.memory_space<vmem>>, %arg13: memref<2x128x128xf32, #tpu.memory_space<vmem>>, %arg14: memref<528xf32, #tpu.memory_space<vmem>>, %arg15: memref<!tpu.dma_semaphore, #tpu.memory_space<semaphore_mem>>, %arg16: memref<!tpu.dma_semaphore, #tpu.memory_space<semaphore_mem>>) attributes {dimension_semantics = [#tpu.dimension_semantics<core_parallel>, #tpu.dimension_semantics<subcore_parallel>], iteration_bounds = array<i64: 2, 16>, scalar_prefetch = 0 : i64, scratch_operands = 9 : i64, tpu.core_type = #tpu.core_type<sc_vector_subcore>, window_params = [{transform_indices = #map}, {transform_indices = #map}, {transform_indices = #map}, {transform_indices = #map1}, {transform_indices = #map1}, {transform_indices = #map}]} {
    %mul3A = arith.constant 2 : i32
    %mul3A_0 = arith.muli %arg1, %mul3A : i32
    %add3A = arith.addi %mul3A_0, %arg0 : i32
    %mul3A_1 = arith.constant 512 : i32
    %mul3A_2 = arith.muli %add3A, %mul3A_1 : i32
    %add3A_3 = arith.constant 0 : i32
    %add3A_4 = arith.addi %mul3A_2, %add3A_3 : i32
    %run_scoped3A = arith.constant 0 : i32
    "tpu.region"() ({
      %run_scoped3A_349 = tpu.sem_alloc : memref<!tpu.dma_semaphore, #tpu.memory_space<semaphore_mem>>
      %dma_start3A_350 = arith.constant 0 : i32
      %dma_start3A_351 = tpu.memref_slice %arg8[%run_scoped3A, %dma_start3A_350] : memref<4x128xi32, #tpu.memory_space<vmem>> -> memref<1x128xi32, #tpu.memory_space<vmem>>
      %dma_start3A_352 = tpu.memref_squeeze %dma_start3A_351 : memref<1x128xi32, #tpu.memory_space<vmem>> -> memref<128xi32, #tpu.memory_space<vmem>>
      %dma_start3A_353 = tpu.memref_slice %arg2[%add3A_4] : memref<16384xi32, #tpu.memory_space<hbm>> -> memref<128xi32, #tpu.memory_space<hbm>>
      %dma_start3A_354 = arith.constant 0 : i32
      %dma_start3A_355 = tpu.memref_slice %arg8[%run_scoped3A, %dma_start3A_354] : memref<4x128xi32, #tpu.memory_space<vmem>> -> memref<1x128xi32, #tpu.memory_space<vmem>>
      %dma_start3A_356 = tpu.memref_squeeze %dma_start3A_355 : memref<1x128xi32, #tpu.memory_space<vmem>> -> memref<128xi32, #tpu.memory_space<vmem>>
      %dma_start3A_357 = tpu.memref_slice %arg2[%add3A_4] : memref<16384xi32, #tpu.memory_space<hbm>> -> memref<128xi32, #tpu.memory_space<hbm>>
      tpu.enqueue_dma source(%dma_start3A_357 : memref<128xi32, #tpu.memory_space<hbm>>) target(%dma_start3A_356 : memref<128xi32, #tpu.memory_space<vmem>>) target_semaphore(%run_scoped3A_349 : memref<!tpu.dma_semaphore, #tpu.memory_space<semaphore_mem>>)
      %dma_wait3A_358 = arith.constant 0 : i32
      %dma_wait3A_359 = tpu.memref_slice %arg8[%run_scoped3A, %dma_wait3A_358] : memref<4x128xi32, #tpu.memory_space<vmem>> -> memref<1x128xi32, #tpu.memory_space<vmem>>
      %dma_wait3A_360 = tpu.memref_squeeze %dma_wait3A_359 : memref<1x128xi32, #tpu.memory_space<vmem>> -> memref<128xi32, #tpu.memory_space<vmem>>
      %dma_wait3A_361 = tpu.memref_slice %arg2[%add3A_4] : memref<16384xi32, #tpu.memory_space<hbm>> -> memref<128xi32, #tpu.memory_space<hbm>>
      %dma_wait3A_362 = arith.constant 0 : i32
      %dma_wait3A_363 = tpu.memref_slice %arg8[%run_scoped3A, %dma_wait3A_362] : memref<4x128xi32, #tpu.memory_space<vmem>> -> memref<1x128xi32, #tpu.memory_space<vmem>>
      %dma_wait3A_364 = tpu.memref_squeeze %dma_wait3A_363 : memref<1x128xi32, #tpu.memory_space<vmem>> -> memref<128xi32, #tpu.memory_space<vmem>>
      %dma_wait3A_365 = tpu.memref_slice %arg2[%add3A_4] : memref<16384xi32, #tpu.memory_space<hbm>> -> memref<128xi32, #tpu.memory_space<hbm>>
      tpu.wait_dma2 semaphore(%run_scoped3A_349 : memref<!tpu.dma_semaphore, #tpu.memory_space<semaphore_mem>>) src(%dma_wait3A_365 : memref<128xi32, #tpu.memory_space<hbm>>) dst(%dma_wait3A_364 : memref<128xi32, #tpu.memory_space<vmem>>)
      tpu.yield
    }) : () -> ()
    %add3A_5 = arith.constant 0 : i32
    %add3A_6 = arith.addi %mul3A_2, %add3A_5 : i32
    %run_scoped3A_7 = arith.constant 0 : i32
    "tpu.region"() ({
      %run_scoped3A_349 = tpu.sem_alloc : memref<!tpu.dma_semaphore, #tpu.memory_space<semaphore_mem>>
      %dma_start3A_350 = arith.constant 0 : i32
      %dma_start3A_351 = tpu.memref_slice %arg10[%run_scoped3A_7, %dma_start3A_350] : memref<4x128xi32, #tpu.memory_space<vmem>> -> memref<1x128xi32, #tpu.memory_space<vmem>>
      %dma_start3A_352 = tpu.memref_squeeze %dma_start3A_351 : memref<1x128xi32, #tpu.memory_space<vmem>> -> memref<128xi32, #tpu.memory_space<vmem>>
      %dma_start3A_353 = tpu.memref_slice %arg4[%add3A_6] : memref<16384xi32, #tpu.memory_space<hbm>> -> memref<128xi32, #tpu.memory_space<hbm>>
      %dma_start3A_354 = arith.constant 0 : i32
      %dma_start3A_355 = tpu.memref_slice %arg10[%run_scoped3A_7, %dma_start3A_354] : memref<4x128xi32, #tpu.memory_space<vmem>> -> memref<1x128xi32, #tpu.memory_space<vmem>>
      %dma_start3A_356 = tpu.memref_squeeze %dma_start3A_355 : memref<1x128xi32, #tpu.memory_space<vmem>> -> memref<128xi32, #tpu.memory_space<vmem>>
      %dma_start3A_357 = tpu.memref_slice %arg4[%add3A_6] : memref<16384xi32, #tpu.memory_space<hbm>> -> memref<128xi32, #tpu.memory_space<hbm>>
      tpu.enqueue_dma source(%dma_start3A_357 : memref<128xi32, #tpu.memory_space<hbm>>) target(%dma_start3A_356 : memref<128xi32, #tpu.memory_space<vmem>>) target_semaphore(%run_scoped3A_349 : memref<!tpu.dma_semaphore, #tpu.memory_space<semaphore_mem>>)
      %dma_wait3A_358 = arith.constant 0 : i32
      %dma_wait3A_359 = tpu.memref_slice %arg10[%run_scoped3A_7, %dma_wait3A_358] : memref<4x128xi32, #tpu.memory_space<vmem>> -> memref<1x128xi32, #tpu.memory_space<vmem>>
      %dma_wait3A_360 = tpu.memref_squeeze %dma_wait3A_359 : memref<1x128xi32, #tpu.memory_space<vmem>> -> memref<128xi32, #tpu.memory_space<vmem>>
      %dma_wait3A_361 = tpu.memref_slice %arg4[%add3A_6] : memref<16384xi32, #tpu.memory_space<hbm>> -> memref<128xi32, #tpu.memory_space<hbm>>
      %dma_wait3A_362 = arith.constant 0 : i32
      %dma_wait3A_363 = tpu.memref_slice %arg10[%run_scoped3A_7, %dma_wait3A_362] : memref<4x128xi32, #tpu.memory_space<vmem>> -> memref<1x128xi32, #tpu.memory_space<vmem>>
      %dma_wait3A_364 = tpu.memref_squeeze %dma_wait3A_363 : memref<1x128xi32, #tpu.memory_space<vmem>> -> memref<128xi32, #tpu.memory_space<vmem>>
      %dma_wait3A_365 = tpu.memref_slice %arg4[%add3A_6] : memref<16384xi32, #tpu.memory_space<hbm>> -> memref<128xi32, #tpu.memory_space<hbm>>
      tpu.wait_dma2 semaphore(%run_scoped3A_349 : memref<!tpu.dma_semaphore, #tpu.memory_space<semaphore_mem>>) src(%dma_wait3A_365 : memref<128xi32, #tpu.memory_space<hbm>>) dst(%dma_wait3A_364 : memref<128xi32, #tpu.memory_space<vmem>>)
      tpu.yield
    }) : () -> ()
    %add3A_8 = arith.constant 0 : i32
    %add3A_9 = arith.addi %mul3A_2, %add3A_8 : i32
    %run_scoped3A_10 = arith.constant 0 : i32
    "tpu.region"() ({
      %run_scoped3A_349 = tpu.sem_alloc : memref<!tpu.dma_semaphore, #tpu.memory_space<semaphore_mem>>
      %dma_start3A_350 = arith.constant 0 : i32
      %dma_start3A_351 = tpu.memref_slice %arg9[%run_scoped3A_10, %dma_start3A_350] : memref<4x128xi32, #tpu.memory_space<vmem>> -> memref<1x128xi32, #tpu.memory_space<vmem>>
      %dma_start3A_352 = tpu.memref_squeeze %dma_start3A_351 : memref<1x128xi32, #tpu.memory_space<vmem>> -> memref<128xi32, #tpu.memory_space<vmem>>
      %dma_start3A_353 = tpu.memref_slice %arg3[%add3A_9] : memref<16384xi32, #tpu.memory_space<hbm>> -> memref<128xi32, #tpu.memory_space<hbm>>
      %dma_start3A_354 = arith.constant 0 : i32
      %dma_start3A_355 = tpu.memref_slice %arg9[%run_scoped3A_10, %dma_start3A_354] : memref<4x128xi32, #tpu.memory_space<vmem>> -> memref<1x128xi32, #tpu.memory_space<vmem>>
      %dma_start3A_356 = tpu.memref_squeeze %dma_start3A_355 : memref<1x128xi32, #tpu.memory_space<vmem>> -> memref<128xi32, #tpu.memory_space<vmem>>
      %dma_start3A_357 = tpu.memref_slice %arg3[%add3A_9] : memref<16384xi32, #tpu.memory_space<hbm>> -> memref<128xi32, #tpu.memory_space<hbm>>
      tpu.enqueue_dma source(%dma_start3A_357 : memref<128xi32, #tpu.memory_space<hbm>>) target(%dma_start3A_356 : memref<128xi32, #tpu.memory_space<vmem>>) target_semaphore(%run_scoped3A_349 : memref<!tpu.dma_semaphore, #tpu.memory_space<semaphore_mem>>)
      %dma_wait3A_358 = arith.constant 0 : i32
      %dma_wait3A_359 = tpu.memref_slice %arg9[%run_scoped3A_10, %dma_wait3A_358] : memref<4x128xi32, #tpu.memory_space<vmem>> -> memref<1x128xi32, #tpu.memory_space<vmem>>
      %dma_wait3A_360 = tpu.memref_squeeze %dma_wait3A_359 : memref<1x128xi32, #tpu.memory_space<vmem>> -> memref<128xi32, #tpu.memory_space<vmem>>
      %dma_wait3A_361 = tpu.memref_slice %arg3[%add3A_9] : memref<16384xi32, #tpu.memory_space<hbm>> -> memref<128xi32, #tpu.memory_space<hbm>>
      %dma_wait3A_362 = arith.constant 0 : i32
      %dma_wait3A_363 = tpu.memref_slice %arg9[%run_scoped3A_10, %dma_wait3A_362] : memref<4x128xi32, #tpu.memory_space<vmem>> -> memref<1x128xi32, #tpu.memory_space<vmem>>
      %dma_wait3A_364 = tpu.memref_squeeze %dma_wait3A_363 : memref<1x128xi32, #tpu.memory_space<vmem>> -> memref<128xi32, #tpu.memory_space<vmem>>
      %dma_wait3A_365 = tpu.memref_slice %arg3[%add3A_9] : memref<16384xi32, #tpu.memory_space<hbm>> -> memref<128xi32, #tpu.memory_space<hbm>>
      tpu.wait_dma2 semaphore(%run_scoped3A_349 : memref<!tpu.dma_semaphore, #tpu.memory_space<semaphore_mem>>) src(%dma_wait3A_365 : memref<128xi32, #tpu.memory_space<hbm>>) dst(%dma_wait3A_364 : memref<128xi32, #tpu.memory_space<vmem>>)
      tpu.yield
    }) : () -> ()
    %add3A_11 = arith.constant 128 : i32
    %add3A_12 = arith.addi %mul3A_2, %add3A_11 : i32
    %run_scoped3A_13 = arith.constant 1 : i32
    "tpu.region"() ({
      %run_scoped3A_349 = tpu.sem_alloc : memref<!tpu.dma_semaphore, #tpu.memory_space<semaphore_mem>>
      %dma_start3A_350 = arith.constant 0 : i32
      %dma_start3A_351 = tpu.memref_slice %arg8[%run_scoped3A_13, %dma_start3A_350] : memref<4x128xi32, #tpu.memory_space<vmem>> -> memref<1x128xi32, #tpu.memory_space<vmem>>
      %dma_start3A_352 = tpu.memref_squeeze %dma_start3A_351 : memref<1x128xi32, #tpu.memory_space<vmem>> -> memref<128xi32, #tpu.memory_space<vmem>>
      %dma_start3A_353 = tpu.memref_slice %arg2[%add3A_12] : memref<16384xi32, #tpu.memory_space<hbm>> -> memref<128xi32, #tpu.memory_space<hbm>>
      %dma_start3A_354 = arith.constant 0 : i32
      %dma_start3A_355 = tpu.memref_slice %arg8[%run_scoped3A_13, %dma_start3A_354] : memref<4x128xi32, #tpu.memory_space<vmem>> -> memref<1x128xi32, #tpu.memory_space<vmem>>
      %dma_start3A_356 = tpu.memref_squeeze %dma_start3A_355 : memref<1x128xi32, #tpu.memory_space<vmem>> -> memref<128xi32, #tpu.memory_space<vmem>>
      %dma_start3A_357 = tpu.memref_slice %arg2[%add3A_12] : memref<16384xi32, #tpu.memory_space<hbm>> -> memref<128xi32, #tpu.memory_space<hbm>>
      tpu.enqueue_dma source(%dma_start3A_357 : memref<128xi32, #tpu.memory_space<hbm>>) target(%dma_start3A_356 : memref<128xi32, #tpu.memory_space<vmem>>) target_semaphore(%run_scoped3A_349 : memref<!tpu.dma_semaphore, #tpu.memory_space<semaphore_mem>>)
      %dma_wait3A_358 = arith.constant 0 : i32
      %dma_wait3A_359 = tpu.memref_slice %arg8[%run_scoped3A_13, %dma_wait3A_358] : memref<4x128xi32, #tpu.memory_space<vmem>> -> memref<1x128xi32, #tpu.memory_space<vmem>>
      %dma_wait3A_360 = tpu.memref_squeeze %dma_wait3A_359 : memref<1x128xi32, #tpu.memory_space<vmem>> -> memref<128xi32, #tpu.memory_space<vmem>>
      %dma_wait3A_361 = tpu.memref_slice %arg2[%add3A_12] : memref<16384xi32, #tpu.memory_space<hbm>> -> memref<128xi32, #tpu.memory_space<hbm>>
      %dma_wait3A_362 = arith.constant 0 : i32
      %dma_wait3A_363 = tpu.memref_slice %arg8[%run_scoped3A_13, %dma_wait3A_362] : memref<4x128xi32, #tpu.memory_space<vmem>> -> memref<1x128xi32, #tpu.memory_space<vmem>>
      %dma_wait3A_364 = tpu.memref_squeeze %dma_wait3A_363 : memref<1x128xi32, #tpu.memory_space<vmem>> -> memref<128xi32, #tpu.memory_space<vmem>>
      %dma_wait3A_365 = tpu.memref_slice %arg2[%add3A_12] : memref<16384xi32, #tpu.memory_space<hbm>> -> memref<128xi32, #tpu.memory_space<hbm>>
      tpu.wait_dma2 semaphore(%run_scoped3A_349 : memref<!tpu.dma_semaphore, #tpu.memory_space<semaphore_mem>>) src(%dma_wait3A_365 : memref<128xi32, #tpu.memory_space<hbm>>) dst(%dma_wait3A_364 : memref<128xi32, #tpu.memory_space<vmem>>)
      tpu.yield
    }) : () -> ()
    %add3A_14 = arith.constant 128 : i32
    %add3A_15 = arith.addi %mul3A_2, %add3A_14 : i32
    %run_scoped3A_16 = arith.constant 1 : i32
    "tpu.region"() ({
      %run_scoped3A_349 = tpu.sem_alloc : memref<!tpu.dma_semaphore, #tpu.memory_space<semaphore_mem>>
      %dma_start3A_350 = arith.constant 0 : i32
      %dma_start3A_351 = tpu.memref_slice %arg10[%run_scoped3A_16, %dma_start3A_350] : memref<4x128xi32, #tpu.memory_space<vmem>> -> memref<1x128xi32, #tpu.memory_space<vmem>>
      %dma_start3A_352 = tpu.memref_squeeze %dma_start3A_351 : memref<1x128xi32, #tpu.memory_space<vmem>> -> memref<128xi32, #tpu.memory_space<vmem>>
      %dma_start3A_353 = tpu.memref_slice %arg4[%add3A_15] : memref<16384xi32, #tpu.memory_space<hbm>> -> memref<128xi32, #tpu.memory_space<hbm>>
      %dma_start3A_354 = arith.constant 0 : i32
      %dma_start3A_355 = tpu.memref_slice %arg10[%run_scoped3A_16, %dma_start3A_354] : memref<4x128xi32, #tpu.memory_space<vmem>> -> memref<1x128xi32, #tpu.memory_space<vmem>>
      %dma_start3A_356 = tpu.memref_squeeze %dma_start3A_355 : memref<1x128xi32, #tpu.memory_space<vmem>> -> memref<128xi32, #tpu.memory_space<vmem>>
      %dma_start3A_357 = tpu.memref_slice %arg4[%add3A_15] : memref<16384xi32, #tpu.memory_space<hbm>> -> memref<128xi32, #tpu.memory_space<hbm>>
      tpu.enqueue_dma source(%dma_start3A_357 : memref<128xi32, #tpu.memory_space<hbm>>) target(%dma_start3A_356 : memref<128xi32, #tpu.memory_space<vmem>>) target_semaphore(%run_scoped3A_349 : memref<!tpu.dma_semaphore, #tpu.memory_space<semaphore_mem>>)
      %dma_wait3A_358 = arith.constant 0 : i32
      %dma_wait3A_359 = tpu.memref_slice %arg10[%run_scoped3A_16, %dma_wait3A_358] : memref<4x128xi32, #tpu.memory_space<vmem>> -> memref<1x128xi32, #tpu.memory_space<vmem>>
      %dma_wait3A_360 = tpu.memref_squeeze %dma_wait3A_359 : memref<1x128xi32, #tpu.memory_space<vmem>> -> memref<128xi32, #tpu.memory_space<vmem>>
      %dma_wait3A_361 = tpu.memref_slice %arg4[%add3A_15] : memref<16384xi32, #tpu.memory_space<hbm>> -> memref<128xi32, #tpu.memory_space<hbm>>
      %dma_wait3A_362 = arith.constant 0 : i32
      %dma_wait3A_363 = tpu.memref_slice %arg10[%run_scoped3A_16, %dma_wait3A_362] : memref<4x128xi32, #tpu.memory_space<vmem>> -> memref<1x128xi32, #tpu.memory_space<vmem>>
      %dma_wait3A_364 = tpu.memref_squeeze %dma_wait3A_363 : memref<1x128xi32, #tpu.memory_space<vmem>> -> memref<128xi32, #tpu.memory_space<vmem>>
      %dma_wait3A_365 = tpu.memref_slice %arg4[%add3A_15] : memref<16384xi32, #tpu.memory_space<hbm>> -> memref<128xi32, #tpu.memory_space<hbm>>
      tpu.wait_dma2 semaphore(%run_scoped3A_349 : memref<!tpu.dma_semaphore, #tpu.memory_space<semaphore_mem>>) src(%dma_wait3A_365 : memref<128xi32, #tpu.memory_space<hbm>>) dst(%dma_wait3A_364 : memref<128xi32, #tpu.memory_space<vmem>>)
      tpu.yield
    }) : () -> ()
    %add3A_17 = arith.constant 128 : i32
    %add3A_18 = arith.addi %mul3A_2, %add3A_17 : i32
    %run_scoped3A_19 = arith.constant 1 : i32
    "tpu.region"() ({
      %run_scoped3A_349 = tpu.sem_alloc : memref<!tpu.dma_semaphore, #tpu.memory_space<semaphore_mem>>
      %dma_start3A_350 = arith.constant 0 : i32
      %dma_start3A_351 = tpu.memref_slice %arg9[%run_scoped3A_19, %dma_start3A_350] : memref<4x128xi32, #tpu.memory_space<vmem>> -> memref<1x128xi32, #tpu.memory_space<vmem>>
      %dma_start3A_352 = tpu.memref_squeeze %dma_start3A_351 : memref<1x128xi32, #tpu.memory_space<vmem>> -> memref<128xi32, #tpu.memory_space<vmem>>
      %dma_start3A_353 = tpu.memref_slice %arg3[%add3A_18] : memref<16384xi32, #tpu.memory_space<hbm>> -> memref<128xi32, #tpu.memory_space<hbm>>
      %dma_start3A_354 = arith.constant 0 : i32
      %dma_start3A_355 = tpu.memref_slice %arg9[%run_scoped3A_19, %dma_start3A_354] : memref<4x128xi32, #tpu.memory_space<vmem>> -> memref<1x128xi32, #tpu.memory_space<vmem>>
      %dma_start3A_356 = tpu.memref_squeeze %dma_start3A_355 : memref<1x128xi32, #tpu.memory_space<vmem>> -> memref<128xi32, #tpu.memory_space<vmem>>
      %dma_start3A_357 = tpu.memref_slice %arg3[%add3A_18] : memref<16384xi32, #tpu.memory_space<hbm>> -> memref<128xi32, #tpu.memory_space<hbm>>
      tpu.enqueue_dma source(%dma_start3A_357 : memref<128xi32, #tpu.memory_space<hbm>>) target(%dma_start3A_356 : memref<128xi32, #tpu.memory_space<vmem>>) target_semaphore(%run_scoped3A_349 : memref<!tpu.dma_semaphore, #tpu.memory_space<semaphore_mem>>)
      %dma_wait3A_358 = arith.constant 0 : i32
      %dma_wait3A_359 = tpu.memref_slice %arg9[%run_scoped3A_19, %dma_wait3A_358] : memref<4x128xi32, #tpu.memory_space<vmem>> -> memref<1x128xi32, #tpu.memory_space<vmem>>
      %dma_wait3A_360 = tpu.memref_squeeze %dma_wait3A_359 : memref<1x128xi32, #tpu.memory_space<vmem>> -> memref<128xi32, #tpu.memory_space<vmem>>
      %dma_wait3A_361 = tpu.memref_slice %arg3[%add3A_18] : memref<16384xi32, #tpu.memory_space<hbm>> -> memref<128xi32, #tpu.memory_space<hbm>>
      %dma_wait3A_362 = arith.constant 0 : i32
      %dma_wait3A_363 = tpu.memref_slice %arg9[%run_scoped3A_19, %dma_wait3A_362] : memref<4x128xi32, #tpu.memory_space<vmem>> -> memref<1x128xi32, #tpu.memory_space<vmem>>
      %dma_wait3A_364 = tpu.memref_squeeze %dma_wait3A_363 : memref<1x128xi32, #tpu.memory_space<vmem>> -> memref<128xi32, #tpu.memory_space<vmem>>
      %dma_wait3A_365 = tpu.memref_slice %arg3[%add3A_18] : memref<16384xi32, #tpu.memory_space<hbm>> -> memref<128xi32, #tpu.memory_space<hbm>>
      tpu.wait_dma2 semaphore(%run_scoped3A_349 : memref<!tpu.dma_semaphore, #tpu.memory_space<semaphore_mem>>) src(%dma_wait3A_365 : memref<128xi32, #tpu.memory_space<hbm>>) dst(%dma_wait3A_364 : memref<128xi32, #tpu.memory_space<vmem>>)
      tpu.yield
    }) : () -> ()
    %add3A_20 = arith.constant 256 : i32
    %add3A_21 = arith.addi %mul3A_2, %add3A_20 : i32
    %run_scoped3A_22 = arith.constant 2 : i32
    "tpu.region"() ({
      %run_scoped3A_349 = tpu.sem_alloc : memref<!tpu.dma_semaphore, #tpu.memory_space<semaphore_mem>>
      %dma_start3A_350 = arith.constant 0 : i32
      %dma_start3A_351 = tpu.memref_slice %arg8[%run_scoped3A_22, %dma_start3A_350] : memref<4x128xi32, #tpu.memory_space<vmem>> -> memref<1x128xi32, #tpu.memory_space<vmem>>
      %dma_start3A_352 = tpu.memref_squeeze %dma_start3A_351 : memref<1x128xi32, #tpu.memory_space<vmem>> -> memref<128xi32, #tpu.memory_space<vmem>>
      %dma_start3A_353 = tpu.memref_slice %arg2[%add3A_21] : memref<16384xi32, #tpu.memory_space<hbm>> -> memref<128xi32, #tpu.memory_space<hbm>>
      %dma_start3A_354 = arith.constant 0 : i32
      %dma_start3A_355 = tpu.memref_slice %arg8[%run_scoped3A_22, %dma_start3A_354] : memref<4x128xi32, #tpu.memory_space<vmem>> -> memref<1x128xi32, #tpu.memory_space<vmem>>
      %dma_start3A_356 = tpu.memref_squeeze %dma_start3A_355 : memref<1x128xi32, #tpu.memory_space<vmem>> -> memref<128xi32, #tpu.memory_space<vmem>>
      %dma_start3A_357 = tpu.memref_slice %arg2[%add3A_21] : memref<16384xi32, #tpu.memory_space<hbm>> -> memref<128xi32, #tpu.memory_space<hbm>>
      tpu.enqueue_dma source(%dma_start3A_357 : memref<128xi32, #tpu.memory_space<hbm>>) target(%dma_start3A_356 : memref<128xi32, #tpu.memory_space<vmem>>) target_semaphore(%run_scoped3A_349 : memref<!tpu.dma_semaphore, #tpu.memory_space<semaphore_mem>>)
      %dma_wait3A_358 = arith.constant 0 : i32
      %dma_wait3A_359 = tpu.memref_slice %arg8[%run_scoped3A_22, %dma_wait3A_358] : memref<4x128xi32, #tpu.memory_space<vmem>> -> memref<1x128xi32, #tpu.memory_space<vmem>>
      %dma_wait3A_360 = tpu.memref_squeeze %dma_wait3A_359 : memref<1x128xi32, #tpu.memory_space<vmem>> -> memref<128xi32, #tpu.memory_space<vmem>>
      %dma_wait3A_361 = tpu.memref_slice %arg2[%add3A_21] : memref<16384xi32, #tpu.memory_space<hbm>> -> memref<128xi32, #tpu.memory_space<hbm>>
      %dma_wait3A_362 = arith.constant 0 : i32
      %dma_wait3A_363 = tpu.memref_slice %arg8[%run_scoped3A_22, %dma_wait3A_362] : memref<4x128xi32, #tpu.memory_space<vmem>> -> memref<1x128xi32, #tpu.memory_space<vmem>>
      %dma_wait3A_364 = tpu.memref_squeeze %dma_wait3A_363 : memref<1x128xi32, #tpu.memory_space<vmem>> -> memref<128xi32, #tpu.memory_space<vmem>>
      %dma_wait3A_365 = tpu.memref_slice %arg2[%add3A_21] : memref<16384xi32, #tpu.memory_space<hbm>> -> memref<128xi32, #tpu.memory_space<hbm>>
      tpu.wait_dma2 semaphore(%run_scoped3A_349 : memref<!tpu.dma_semaphore, #tpu.memory_space<semaphore_mem>>) src(%dma_wait3A_365 : memref<128xi32, #tpu.memory_space<hbm>>) dst(%dma_wait3A_364 : memref<128xi32, #tpu.memory_space<vmem>>)
      tpu.yield
    }) : () -> ()
    %add3A_23 = arith.constant 256 : i32
    %add3A_24 = arith.addi %mul3A_2, %add3A_23 : i32
    %run_scoped3A_25 = arith.constant 2 : i32
    "tpu.region"() ({
      %run_scoped3A_349 = tpu.sem_alloc : memref<!tpu.dma_semaphore, #tpu.memory_space<semaphore_mem>>
      %dma_start3A_350 = arith.constant 0 : i32
      %dma_start3A_351 = tpu.memref_slice %arg10[%run_scoped3A_25, %dma_start3A_350] : memref<4x128xi32, #tpu.memory_space<vmem>> -> memref<1x128xi32, #tpu.memory_space<vmem>>
      %dma_start3A_352 = tpu.memref_squeeze %dma_start3A_351 : memref<1x128xi32, #tpu.memory_space<vmem>> -> memref<128xi32, #tpu.memory_space<vmem>>
      %dma_start3A_353 = tpu.memref_slice %arg4[%add3A_24] : memref<16384xi32, #tpu.memory_space<hbm>> -> memref<128xi32, #tpu.memory_space<hbm>>
      %dma_start3A_354 = arith.constant 0 : i32
      %dma_start3A_355 = tpu.memref_slice %arg10[%run_scoped3A_25, %dma_start3A_354] : memref<4x128xi32, #tpu.memory_space<vmem>> -> memref<1x128xi32, #tpu.memory_space<vmem>>
      %dma_start3A_356 = tpu.memref_squeeze %dma_start3A_355 : memref<1x128xi32, #tpu.memory_space<vmem>> -> memref<128xi32, #tpu.memory_space<vmem>>
      %dma_start3A_357 = tpu.memref_slice %arg4[%add3A_24] : memref<16384xi32, #tpu.memory_space<hbm>> -> memref<128xi32, #tpu.memory_space<hbm>>
      tpu.enqueue_dma source(%dma_start3A_357 : memref<128xi32, #tpu.memory_space<hbm>>) target(%dma_start3A_356 : memref<128xi32, #tpu.memory_space<vmem>>) target_semaphore(%run_scoped3A_349 : memref<!tpu.dma_semaphore, #tpu.memory_space<semaphore_mem>>)
      %dma_wait3A_358 = arith.constant 0 : i32
      %dma_wait3A_359 = tpu.memref_slice %arg10[%run_scoped3A_25, %dma_wait3A_358] : memref<4x128xi32, #tpu.memory_space<vmem>> -> memref<1x128xi32, #tpu.memory_space<vmem>>
      %dma_wait3A_360 = tpu.memref_squeeze %dma_wait3A_359 : memref<1x128xi32, #tpu.memory_space<vmem>> -> memref<128xi32, #tpu.memory_space<vmem>>
      %dma_wait3A_361 = tpu.memref_slice %arg4[%add3A_24] : memref<16384xi32, #tpu.memory_space<hbm>> -> memref<128xi32, #tpu.memory_space<hbm>>
      %dma_wait3A_362 = arith.constant 0 : i32
      %dma_wait3A_363 = tpu.memref_slice %arg10[%run_scoped3A_25, %dma_wait3A_362] : memref<4x128xi32, #tpu.memory_space<vmem>> -> memref<1x128xi32, #tpu.memory_space<vmem>>
      %dma_wait3A_364 = tpu.memref_squeeze %dma_wait3A_363 : memref<1x128xi32, #tpu.memory_space<vmem>> -> memref<128xi32, #tpu.memory_space<vmem>>
      %dma_wait3A_365 = tpu.memref_slice %arg4[%add3A_24] : memref<16384xi32, #tpu.memory_space<hbm>> -> memref<128xi32, #tpu.memory_space<hbm>>
      tpu.wait_dma2 semaphore(%run_scoped3A_349 : memref<!tpu.dma_semaphore, #tpu.memory_space<semaphore_mem>>) src(%dma_wait3A_365 : memref<128xi32, #tpu.memory_space<hbm>>) dst(%dma_wait3A_364 : memref<128xi32, #tpu.memory_space<vmem>>)
      tpu.yield
    }) : () -> ()
    %add3A_26 = arith.constant 256 : i32
    %add3A_27 = arith.addi %mul3A_2, %add3A_26 : i32
    %run_scoped3A_28 = arith.constant 2 : i32
    "tpu.region"() ({
      %run_scoped3A_349 = tpu.sem_alloc : memref<!tpu.dma_semaphore, #tpu.memory_space<semaphore_mem>>
      %dma_start3A_350 = arith.constant 0 : i32
      %dma_start3A_351 = tpu.memref_slice %arg9[%run_scoped3A_28, %dma_start3A_350] : memref<4x128xi32, #tpu.memory_space<vmem>> -> memref<1x128xi32, #tpu.memory_space<vmem>>
      %dma_start3A_352 = tpu.memref_squeeze %dma_start3A_351 : memref<1x128xi32, #tpu.memory_space<vmem>> -> memref<128xi32, #tpu.memory_space<vmem>>
      %dma_start3A_353 = tpu.memref_slice %arg3[%add3A_27] : memref<16384xi32, #tpu.memory_space<hbm>> -> memref<128xi32, #tpu.memory_space<hbm>>
      %dma_start3A_354 = arith.constant 0 : i32
      %dma_start3A_355 = tpu.memref_slice %arg9[%run_scoped3A_28, %dma_start3A_354] : memref<4x128xi32, #tpu.memory_space<vmem>> -> memref<1x128xi32, #tpu.memory_space<vmem>>
      %dma_start3A_356 = tpu.memref_squeeze %dma_start3A_355 : memref<1x128xi32, #tpu.memory_space<vmem>> -> memref<128xi32, #tpu.memory_space<vmem>>
      %dma_start3A_357 = tpu.memref_slice %arg3[%add3A_27] : memref<16384xi32, #tpu.memory_space<hbm>> -> memref<128xi32, #tpu.memory_space<hbm>>
      tpu.enqueue_dma source(%dma_start3A_357 : memref<128xi32, #tpu.memory_space<hbm>>) target(%dma_start3A_356 : memref<128xi32, #tpu.memory_space<vmem>>) target_semaphore(%run_scoped3A_349 : memref<!tpu.dma_semaphore, #tpu.memory_space<semaphore_mem>>)
      %dma_wait3A_358 = arith.constant 0 : i32
      %dma_wait3A_359 = tpu.memref_slice %arg9[%run_scoped3A_28, %dma_wait3A_358] : memref<4x128xi32, #tpu.memory_space<vmem>> -> memref<1x128xi32, #tpu.memory_space<vmem>>
      %dma_wait3A_360 = tpu.memref_squeeze %dma_wait3A_359 : memref<1x128xi32, #tpu.memory_space<vmem>> -> memref<128xi32, #tpu.memory_space<vmem>>
      %dma_wait3A_361 = tpu.memref_slice %arg3[%add3A_27] : memref<16384xi32, #tpu.memory_space<hbm>> -> memref<128xi32, #tpu.memory_space<hbm>>
      %dma_wait3A_362 = arith.constant 0 : i32
      %dma_wait3A_363 = tpu.memref_slice %arg9[%run_scoped3A_28, %dma_wait3A_362] : memref<4x128xi32, #tpu.memory_space<vmem>> -> memref<1x128xi32, #tpu.memory_space<vmem>>
      %dma_wait3A_364 = tpu.memref_squeeze %dma_wait3A_363 : memref<1x128xi32, #tpu.memory_space<vmem>> -> memref<128xi32, #tpu.memory_space<vmem>>
      %dma_wait3A_365 = tpu.memref_slice %arg3[%add3A_27] : memref<16384xi32, #tpu.memory_space<hbm>> -> memref<128xi32, #tpu.memory_space<hbm>>
      tpu.wait_dma2 semaphore(%run_scoped3A_349 : memref<!tpu.dma_semaphore, #tpu.memory_space<semaphore_mem>>) src(%dma_wait3A_365 : memref<128xi32, #tpu.memory_space<hbm>>) dst(%dma_wait3A_364 : memref<128xi32, #tpu.memory_space<vmem>>)
      tpu.yield
    }) : () -> ()
    %add3A_29 = arith.constant 384 : i32
    %add3A_30 = arith.addi %mul3A_2, %add3A_29 : i32
    %run_scoped3A_31 = arith.constant 3 : i32
    "tpu.region"() ({
      %run_scoped3A_349 = tpu.sem_alloc : memref<!tpu.dma_semaphore, #tpu.memory_space<semaphore_mem>>
      %dma_start3A_350 = arith.constant 0 : i32
      %dma_start3A_351 = tpu.memref_slice %arg8[%run_scoped3A_31, %dma_start3A_350] : memref<4x128xi32, #tpu.memory_space<vmem>> -> memref<1x128xi32, #tpu.memory_space<vmem>>
      %dma_start3A_352 = tpu.memref_squeeze %dma_start3A_351 : memref<1x128xi32, #tpu.memory_space<vmem>> -> memref<128xi32, #tpu.memory_space<vmem>>
      %dma_start3A_353 = tpu.memref_slice %arg2[%add3A_30] : memref<16384xi32, #tpu.memory_space<hbm>> -> memref<128xi32, #tpu.memory_space<hbm>>
      %dma_start3A_354 = arith.constant 0 : i32
      %dma_start3A_355 = tpu.memref_slice %arg8[%run_scoped3A_31, %dma_start3A_354] : memref<4x128xi32, #tpu.memory_space<vmem>> -> memref<1x128xi32, #tpu.memory_space<vmem>>
      %dma_start3A_356 = tpu.memref_squeeze %dma_start3A_355 : memref<1x128xi32, #tpu.memory_space<vmem>> -> memref<128xi32, #tpu.memory_space<vmem>>
      %dma_start3A_357 = tpu.memref_slice %arg2[%add3A_30] : memref<16384xi32, #tpu.memory_space<hbm>> -> memref<128xi32, #tpu.memory_space<hbm>>
      tpu.enqueue_dma source(%dma_start3A_357 : memref<128xi32, #tpu.memory_space<hbm>>) target(%dma_start3A_356 : memref<128xi32, #tpu.memory_space<vmem>>) target_semaphore(%run_scoped3A_349 : memref<!tpu.dma_semaphore, #tpu.memory_space<semaphore_mem>>)
      %dma_wait3A_358 = arith.constant 0 : i32
      %dma_wait3A_359 = tpu.memref_slice %arg8[%run_scoped3A_31, %dma_wait3A_358] : memref<4x128xi32, #tpu.memory_space<vmem>> -> memref<1x128xi32, #tpu.memory_space<vmem>>
      %dma_wait3A_360 = tpu.memref_squeeze %dma_wait3A_359 : memref<1x128xi32, #tpu.memory_space<vmem>> -> memref<128xi32, #tpu.memory_space<vmem>>
      %dma_wait3A_361 = tpu.memref_slice %arg2[%add3A_30] : memref<16384xi32, #tpu.memory_space<hbm>> -> memref<128xi32, #tpu.memory_space<hbm>>
      %dma_wait3A_362 = arith.constant 0 : i32
      %dma_wait3A_363 = tpu.memref_slice %arg8[%run_scoped3A_31, %dma_wait3A_362] : memref<4x128xi32, #tpu.memory_space<vmem>> -> memref<1x128xi32, #tpu.memory_space<vmem>>
      %dma_wait3A_364 = tpu.memref_squeeze %dma_wait3A_363 : memref<1x128xi32, #tpu.memory_space<vmem>> -> memref<128xi32, #tpu.memory_space<vmem>>
      %dma_wait3A_365 = tpu.memref_slice %arg2[%add3A_30] : memref<16384xi32, #tpu.memory_space<hbm>> -> memref<128xi32, #tpu.memory_space<hbm>>
      tpu.wait_dma2 semaphore(%run_scoped3A_349 : memref<!tpu.dma_semaphore, #tpu.memory_space<semaphore_mem>>) src(%dma_wait3A_365 : memref<128xi32, #tpu.memory_space<hbm>>) dst(%dma_wait3A_364 : memref<128xi32, #tpu.memory_space<vmem>>)
      tpu.yield
    }) : () -> ()
    %add3A_32 = arith.constant 384 : i32
    %add3A_33 = arith.addi %mul3A_2, %add3A_32 : i32
    %run_scoped3A_34 = arith.constant 3 : i32
    "tpu.region"() ({
      %run_scoped3A_349 = tpu.sem_alloc : memref<!tpu.dma_semaphore, #tpu.memory_space<semaphore_mem>>
      %dma_start3A_350 = arith.constant 0 : i32
      %dma_start3A_351 = tpu.memref_slice %arg10[%run_scoped3A_34, %dma_start3A_350] : memref<4x128xi32, #tpu.memory_space<vmem>> -> memref<1x128xi32, #tpu.memory_space<vmem>>
      %dma_start3A_352 = tpu.memref_squeeze %dma_start3A_351 : memref<1x128xi32, #tpu.memory_space<vmem>> -> memref<128xi32, #tpu.memory_space<vmem>>
      %dma_start3A_353 = tpu.memref_slice %arg4[%add3A_33] : memref<16384xi32, #tpu.memory_space<hbm>> -> memref<128xi32, #tpu.memory_space<hbm>>
      %dma_start3A_354 = arith.constant 0 : i32
      %dma_start3A_355 = tpu.memref_slice %arg10[%run_scoped3A_34, %dma_start3A_354] : memref<4x128xi32, #tpu.memory_space<vmem>> -> memref<1x128xi32, #tpu.memory_space<vmem>>
      %dma_start3A_356 = tpu.memref_squeeze %dma_start3A_355 : memref<1x128xi32, #tpu.memory_space<vmem>> -> memref<128xi32, #tpu.memory_space<vmem>>
      %dma_start3A_357 = tpu.memref_slice %arg4[%add3A_33] : memref<16384xi32, #tpu.memory_space<hbm>> -> memref<128xi32, #tpu.memory_space<hbm>>
      tpu.enqueue_dma source(%dma_start3A_357 : memref<128xi32, #tpu.memory_space<hbm>>) target(%dma_start3A_356 : memref<128xi32, #tpu.memory_space<vmem>>) target_semaphore(%run_scoped3A_349 : memref<!tpu.dma_semaphore, #tpu.memory_space<semaphore_mem>>)
      %dma_wait3A_358 = arith.constant 0 : i32
      %dma_wait3A_359 = tpu.memref_slice %arg10[%run_scoped3A_34, %dma_wait3A_358] : memref<4x128xi32, #tpu.memory_space<vmem>> -> memref<1x128xi32, #tpu.memory_space<vmem>>
      %dma_wait3A_360 = tpu.memref_squeeze %dma_wait3A_359 : memref<1x128xi32, #tpu.memory_space<vmem>> -> memref<128xi32, #tpu.memory_space<vmem>>
      %dma_wait3A_361 = tpu.memref_slice %arg4[%add3A_33] : memref<16384xi32, #tpu.memory_space<hbm>> -> memref<128xi32, #tpu.memory_space<hbm>>
      %dma_wait3A_362 = arith.constant 0 : i32
      %dma_wait3A_363 = tpu.memref_slice %arg10[%run_scoped3A_34, %dma_wait3A_362] : memref<4x128xi32, #tpu.memory_space<vmem>> -> memref<1x128xi32, #tpu.memory_space<vmem>>
      %dma_wait3A_364 = tpu.memref_squeeze %dma_wait3A_363 : memref<1x128xi32, #tpu.memory_space<vmem>> -> memref<128xi32, #tpu.memory_space<vmem>>
      %dma_wait3A_365 = tpu.memref_slice %arg4[%add3A_33] : memref<16384xi32, #tpu.memory_space<hbm>> -> memref<128xi32, #tpu.memory_space<hbm>>
      tpu.wait_dma2 semaphore(%run_scoped3A_349 : memref<!tpu.dma_semaphore, #tpu.memory_space<semaphore_mem>>) src(%dma_wait3A_365 : memref<128xi32, #tpu.memory_space<hbm>>) dst(%dma_wait3A_364 : memref<128xi32, #tpu.memory_space<vmem>>)
      tpu.yield
    }) : () -> ()
    %add3A_35 = arith.constant 384 : i32
    %add3A_36 = arith.addi %mul3A_2, %add3A_35 : i32
    %run_scoped3A_37 = arith.constant 3 : i32
    "tpu.region"() ({
      %run_scoped3A_349 = tpu.sem_alloc : memref<!tpu.dma_semaphore, #tpu.memory_space<semaphore_mem>>
      %dma_start3A_350 = arith.constant 0 : i32
      %dma_start3A_351 = tpu.memref_slice %arg9[%run_scoped3A_37, %dma_start3A_350] : memref<4x128xi32, #tpu.memory_space<vmem>> -> memref<1x128xi32, #tpu.memory_space<vmem>>
      %dma_start3A_352 = tpu.memref_squeeze %dma_start3A_351 : memref<1x128xi32, #tpu.memory_space<vmem>> -> memref<128xi32, #tpu.memory_space<vmem>>
      %dma_start3A_353 = tpu.memref_slice %arg3[%add3A_36] : memref<16384xi32, #tpu.memory_space<hbm>> -> memref<128xi32, #tpu.memory_space<hbm>>
      %dma_start3A_354 = arith.constant 0 : i32
      %dma_start3A_355 = tpu.memref_slice %arg9[%run_scoped3A_37, %dma_start3A_354] : memref<4x128xi32, #tpu.memory_space<vmem>> -> memref<1x128xi32, #tpu.memory_space<vmem>>
      %dma_start3A_356 = tpu.memref_squeeze %dma_start3A_355 : memref<1x128xi32, #tpu.memory_space<vmem>> -> memref<128xi32, #tpu.memory_space<vmem>>
      %dma_start3A_357 = tpu.memref_slice %arg3[%add3A_36] : memref<16384xi32, #tpu.memory_space<hbm>> -> memref<128xi32, #tpu.memory_space<hbm>>
      tpu.enqueue_dma source(%dma_start3A_357 : memref<128xi32, #tpu.memory_space<hbm>>) target(%dma_start3A_356 : memref<128xi32, #tpu.memory_space<vmem>>) target_semaphore(%run_scoped3A_349 : memref<!tpu.dma_semaphore, #tpu.memory_space<semaphore_mem>>)
      %dma_wait3A_358 = arith.constant 0 : i32
      %dma_wait3A_359 = tpu.memref_slice %arg9[%run_scoped3A_37, %dma_wait3A_358] : memref<4x128xi32, #tpu.memory_space<vmem>> -> memref<1x128xi32, #tpu.memory_space<vmem>>
      %dma_wait3A_360 = tpu.memref_squeeze %dma_wait3A_359 : memref<1x128xi32, #tpu.memory_space<vmem>> -> memref<128xi32, #tpu.memory_space<vmem>>
      %dma_wait3A_361 = tpu.memref_slice %arg3[%add3A_36] : memref<16384xi32, #tpu.memory_space<hbm>> -> memref<128xi32, #tpu.memory_space<hbm>>
      %dma_wait3A_362 = arith.constant 0 : i32
      %dma_wait3A_363 = tpu.memref_slice %arg9[%run_scoped3A_37, %dma_wait3A_362] : memref<4x128xi32, #tpu.memory_space<vmem>> -> memref<1x128xi32, #tpu.memory_space<vmem>>
      %dma_wait3A_364 = tpu.memref_squeeze %dma_wait3A_363 : memref<1x128xi32, #tpu.memory_space<vmem>> -> memref<128xi32, #tpu.memory_space<vmem>>
      %dma_wait3A_365 = tpu.memref_slice %arg3[%add3A_36] : memref<16384xi32, #tpu.memory_space<hbm>> -> memref<128xi32, #tpu.memory_space<hbm>>
      tpu.wait_dma2 semaphore(%run_scoped3A_349 : memref<!tpu.dma_semaphore, #tpu.memory_space<semaphore_mem>>) src(%dma_wait3A_365 : memref<128xi32, #tpu.memory_space<hbm>>) dst(%dma_wait3A_364 : memref<128xi32, #tpu.memory_space<vmem>>)
      tpu.yield
    }) : () -> ()
    %dma_start3A = arith.constant 0 : i32
    %dma_start3A_38 = arith.constant 0 : i32
    %dma_start3A_39 = arith.constant 0 : i32
    %dma_start3A_40 = arith.constant 0 : i32
    %dma_start3A_41 = tpu.memref_slice %arg11[%dma_start3A_38, %dma_start3A_39, %dma_start3A_40] : memref<2x128x128xf32, #tpu.memory_space<vmem>> -> memref<1x128x128xf32, #tpu.memory_space<vmem>>
    %dma_start3A_42 = tpu.memref_squeeze %dma_start3A_41 : memref<1x128x128xf32, #tpu.memory_space<vmem>> -> memref<128x128xf32, #tpu.memory_space<vmem>>
    %dma_start3A_43 = arith.constant 0 : i32
    %dma_start3A_44 = tpu.memref_slice %arg8[%dma_start3A, %dma_start3A_43] : memref<4x128xi32, #tpu.memory_space<vmem>> -> memref<1x128xi32, #tpu.memory_space<vmem>>
    %dma_start3A_45 = tpu.memref_squeeze %dma_start3A_44 : memref<1x128xi32, #tpu.memory_space<vmem>> -> memref<128xi32, #tpu.memory_space<vmem>>
    %dma_start3A_46 = arith.constant 0 : i32
    %dma_start3A_47 = arith.constant 0 : i32
    %dma_start3A_48 = tpu.memref_slice %arg5[%dma_start3A_46, %dma_start3A_47] : memref<1000000x128xf32, #tpu.memory_space<hbm>> -> memref<1000000x128xf32, #tpu.memory_space<hbm>>
    tpu.enqueue_indirect_dma source(%dma_start3A_48 : memref<1000000x128xf32, #tpu.memory_space<hbm>>) target(%dma_start3A_42 : memref<128x128xf32, #tpu.memory_space<vmem>>) offsets(%dma_start3A_45 : memref<128xi32, #tpu.memory_space<vmem>>) semaphore(%arg15 : memref<!tpu.dma_semaphore, #tpu.memory_space<semaphore_mem>>)
    %dma_start3A_49 = arith.constant 0 : i32
    %dma_start3A_50 = arith.constant 0 : i32
    %dma_start3A_51 = arith.constant 0 : i32
    %dma_start3A_52 = arith.constant 0 : i32
    %dma_start3A_53 = tpu.memref_slice %arg12[%dma_start3A_50, %dma_start3A_51, %dma_start3A_52] : memref<2x128x128xf32, #tpu.memory_space<vmem>> -> memref<1x128x128xf32, #tpu.memory_space<vmem>>
    %dma_start3A_54 = tpu.memref_squeeze %dma_start3A_53 : memref<1x128x128xf32, #tpu.memory_space<vmem>> -> memref<128x128xf32, #tpu.memory_space<vmem>>
    %dma_start3A_55 = arith.constant 0 : i32
    %dma_start3A_56 = tpu.memref_slice %arg10[%dma_start3A_49, %dma_start3A_55] : memref<4x128xi32, #tpu.memory_space<vmem>> -> memref<1x128xi32, #tpu.memory_space<vmem>>
    %dma_start3A_57 = tpu.memref_squeeze %dma_start3A_56 : memref<1x128xi32, #tpu.memory_space<vmem>> -> memref<128xi32, #tpu.memory_space<vmem>>
    %dma_start3A_58 = arith.constant 0 : i32
    %dma_start3A_59 = arith.constant 0 : i32
    %dma_start3A_60 = tpu.memref_slice %arg5[%dma_start3A_58, %dma_start3A_59] : memref<1000000x128xf32, #tpu.memory_space<hbm>> -> memref<1000000x128xf32, #tpu.memory_space<hbm>>
    tpu.enqueue_indirect_dma source(%dma_start3A_60 : memref<1000000x128xf32, #tpu.memory_space<hbm>>) target(%dma_start3A_54 : memref<128x128xf32, #tpu.memory_space<vmem>>) offsets(%dma_start3A_57 : memref<128xi32, #tpu.memory_space<vmem>>) semaphore(%arg15 : memref<!tpu.dma_semaphore, #tpu.memory_space<semaphore_mem>>)
    %dma_start3A_61 = arith.constant 0 : i32
    %dma_start3A_62 = arith.constant 0 : i32
    %dma_start3A_63 = arith.constant 0 : i32
    %dma_start3A_64 = arith.constant 0 : i32
    %dma_start3A_65 = tpu.memref_slice %arg13[%dma_start3A_62, %dma_start3A_63, %dma_start3A_64] : memref<2x128x128xf32, #tpu.memory_space<vmem>> -> memref<1x128x128xf32, #tpu.memory_space<vmem>>
    %dma_start3A_66 = tpu.memref_squeeze %dma_start3A_65 : memref<1x128x128xf32, #tpu.memory_space<vmem>> -> memref<128x128xf32, #tpu.memory_space<vmem>>
    %dma_start3A_67 = arith.constant 0 : i32
    %dma_start3A_68 = tpu.memref_slice %arg9[%dma_start3A_61, %dma_start3A_67] : memref<4x128xi32, #tpu.memory_space<vmem>> -> memref<1x128xi32, #tpu.memory_space<vmem>>
    %dma_start3A_69 = tpu.memref_squeeze %dma_start3A_68 : memref<1x128xi32, #tpu.memory_space<vmem>> -> memref<128xi32, #tpu.memory_space<vmem>>
    %dma_start3A_70 = arith.constant 0 : i32
    %dma_start3A_71 = arith.constant 0 : i32
    %dma_start3A_72 = tpu.memref_slice %arg6[%dma_start3A_70, %dma_start3A_71] : memref<1000x128xf32, #tpu.memory_space<hbm>> -> memref<1000x128xf32, #tpu.memory_space<hbm>>
    tpu.enqueue_indirect_dma source(%dma_start3A_72 : memref<1000x128xf32, #tpu.memory_space<hbm>>) target(%dma_start3A_66 : memref<128x128xf32, #tpu.memory_space<vmem>>) offsets(%dma_start3A_69 : memref<128xi32, #tpu.memory_space<vmem>>) semaphore(%arg15 : memref<!tpu.dma_semaphore, #tpu.memory_space<semaphore_mem>>)
    %dma_start3A_73 = arith.constant 1 : i32
    %dma_start3A_74 = arith.constant 1 : i32
    %dma_start3A_75 = arith.constant 0 : i32
    %dma_start3A_76 = arith.constant 0 : i32
    %dma_start3A_77 = tpu.memref_slice %arg11[%dma_start3A_74, %dma_start3A_75, %dma_start3A_76] : memref<2x128x128xf32, #tpu.memory_space<vmem>> -> memref<1x128x128xf32, #tpu.memory_space<vmem>>
    %dma_start3A_78 = tpu.memref_squeeze %dma_start3A_77 : memref<1x128x128xf32, #tpu.memory_space<vmem>> -> memref<128x128xf32, #tpu.memory_space<vmem>>
    %dma_start3A_79 = arith.constant 0 : i32
    %dma_start3A_80 = tpu.memref_slice %arg8[%dma_start3A_73, %dma_start3A_79] : memref<4x128xi32, #tpu.memory_space<vmem>> -> memref<1x128xi32, #tpu.memory_space<vmem>>
    %dma_start3A_81 = tpu.memref_squeeze %dma_start3A_80 : memref<1x128xi32, #tpu.memory_space<vmem>> -> memref<128xi32, #tpu.memory_space<vmem>>
    %dma_start3A_82 = arith.constant 0 : i32
    %dma_start3A_83 = arith.constant 0 : i32
    %dma_start3A_84 = tpu.memref_slice %arg5[%dma_start3A_82, %dma_start3A_83] : memref<1000000x128xf32, #tpu.memory_space<hbm>> -> memref<1000000x128xf32, #tpu.memory_space<hbm>>
    tpu.enqueue_indirect_dma source(%dma_start3A_84 : memref<1000000x128xf32, #tpu.memory_space<hbm>>) target(%dma_start3A_78 : memref<128x128xf32, #tpu.memory_space<vmem>>) offsets(%dma_start3A_81 : memref<128xi32, #tpu.memory_space<vmem>>) semaphore(%arg16 : memref<!tpu.dma_semaphore, #tpu.memory_space<semaphore_mem>>)
    %dma_start3A_85 = arith.constant 1 : i32
    %dma_start3A_86 = arith.constant 1 : i32
    %dma_start3A_87 = arith.constant 0 : i32
    %dma_start3A_88 = arith.constant 0 : i32
    %dma_start3A_89 = tpu.memref_slice %arg12[%dma_start3A_86, %dma_start3A_87, %dma_start3A_88] : memref<2x128x128xf32, #tpu.memory_space<vmem>> -> memref<1x128x128xf32, #tpu.memory_space<vmem>>
    %dma_start3A_90 = tpu.memref_squeeze %dma_start3A_89 : memref<1x128x128xf32, #tpu.memory_space<vmem>> -> memref<128x128xf32, #tpu.memory_space<vmem>>
    %dma_start3A_91 = arith.constant 0 : i32
    %dma_start3A_92 = tpu.memref_slice %arg10[%dma_start3A_85, %dma_start3A_91] : memref<4x128xi32, #tpu.memory_space<vmem>> -> memref<1x128xi32, #tpu.memory_space<vmem>>
    %dma_start3A_93 = tpu.memref_squeeze %dma_start3A_92 : memref<1x128xi32, #tpu.memory_space<vmem>> -> memref<128xi32, #tpu.memory_space<vmem>>
    %dma_start3A_94 = arith.constant 0 : i32
    %dma_start3A_95 = arith.constant 0 : i32
    %dma_start3A_96 = tpu.memref_slice %arg5[%dma_start3A_94, %dma_start3A_95] : memref<1000000x128xf32, #tpu.memory_space<hbm>> -> memref<1000000x128xf32, #tpu.memory_space<hbm>>
    tpu.enqueue_indirect_dma source(%dma_start3A_96 : memref<1000000x128xf32, #tpu.memory_space<hbm>>) target(%dma_start3A_90 : memref<128x128xf32, #tpu.memory_space<vmem>>) offsets(%dma_start3A_93 : memref<128xi32, #tpu.memory_space<vmem>>) semaphore(%arg16 : memref<!tpu.dma_semaphore, #tpu.memory_space<semaphore_mem>>)
    %dma_start3A_97 = arith.constant 1 : i32
    %dma_start3A_98 = arith.constant 1 : i32
    %dma_start3A_99 = arith.constant 0 : i32
    %dma_start3A_100 = arith.constant 0 : i32
    %dma_start3A_101 = tpu.memref_slice %arg13[%dma_start3A_98, %dma_start3A_99, %dma_start3A_100] : memref<2x128x128xf32, #tpu.memory_space<vmem>> -> memref<1x128x128xf32, #tpu.memory_space<vmem>>
    %dma_start3A_102 = tpu.memref_squeeze %dma_start3A_101 : memref<1x128x128xf32, #tpu.memory_space<vmem>> -> memref<128x128xf32, #tpu.memory_space<vmem>>
    %dma_start3A_103 = arith.constant 0 : i32
    %dma_start3A_104 = tpu.memref_slice %arg9[%dma_start3A_97, %dma_start3A_103] : memref<4x128xi32, #tpu.memory_space<vmem>> -> memref<1x128xi32, #tpu.memory_space<vmem>>
    %dma_start3A_105 = tpu.memref_squeeze %dma_start3A_104 : memref<1x128xi32, #tpu.memory_space<vmem>> -> memref<128xi32, #tpu.memory_space<vmem>>
    %dma_start3A_106 = arith.constant 0 : i32
    %dma_start3A_107 = arith.constant 0 : i32
    %dma_start3A_108 = tpu.memref_slice %arg6[%dma_start3A_106, %dma_start3A_107] : memref<1000x128xf32, #tpu.memory_space<hbm>> -> memref<1000x128xf32, #tpu.memory_space<hbm>>
    tpu.enqueue_indirect_dma source(%dma_start3A_108 : memref<1000x128xf32, #tpu.memory_space<hbm>>) target(%dma_start3A_102 : memref<128x128xf32, #tpu.memory_space<vmem>>) offsets(%dma_start3A_105 : memref<128xi32, #tpu.memory_space<vmem>>) semaphore(%arg16 : memref<!tpu.dma_semaphore, #tpu.memory_space<semaphore_mem>>)
    %dma_wait3A = arith.constant 0 : i32
    %dma_wait3A_109 = arith.constant 0 : i32
    %dma_wait3A_110 = arith.constant 0 : i32
    %dma_wait3A_111 = arith.constant 0 : i32
    %dma_wait3A_112 = tpu.memref_slice %arg11[%dma_wait3A_109, %dma_wait3A_110, %dma_wait3A_111] : memref<2x128x128xf32, #tpu.memory_space<vmem>> -> memref<1x128x128xf32, #tpu.memory_space<vmem>>
    %dma_wait3A_113 = tpu.memref_squeeze %dma_wait3A_112 : memref<1x128x128xf32, #tpu.memory_space<vmem>> -> memref<128x128xf32, #tpu.memory_space<vmem>>
    %dma_wait3A_114 = arith.constant 0 : i32
    %dma_wait3A_115 = tpu.memref_slice %arg8[%dma_wait3A, %dma_wait3A_114] : memref<4x128xi32, #tpu.memory_space<vmem>> -> memref<1x128xi32, #tpu.memory_space<vmem>>
    %dma_wait3A_116 = tpu.memref_squeeze %dma_wait3A_115 : memref<1x128xi32, #tpu.memory_space<vmem>> -> memref<128xi32, #tpu.memory_space<vmem>>
    %dma_wait3A_117 = arith.constant 0 : i32
    %dma_wait3A_118 = arith.constant 0 : i32
    %dma_wait3A_119 = tpu.memref_slice %arg5[%dma_wait3A_117, %dma_wait3A_118] : memref<1000000x128xf32, #tpu.memory_space<hbm>> -> memref<1000000x128xf32, #tpu.memory_space<hbm>>
    tpu.wait_indirect_dma semaphore(%arg15 : memref<!tpu.dma_semaphore, #tpu.memory_space<semaphore_mem>>) src(%dma_wait3A_119 : memref<1000000x128xf32, #tpu.memory_space<hbm>>) dst(%dma_wait3A_113 : memref<128x128xf32, #tpu.memory_space<vmem>>)
    %dma_wait3A_120 = arith.constant 0 : i32
    %dma_wait3A_121 = arith.constant 0 : i32
    %dma_wait3A_122 = arith.constant 0 : i32
    %dma_wait3A_123 = arith.constant 0 : i32
    %dma_wait3A_124 = tpu.memref_slice %arg12[%dma_wait3A_121, %dma_wait3A_122, %dma_wait3A_123] : memref<2x128x128xf32, #tpu.memory_space<vmem>> -> memref<1x128x128xf32, #tpu.memory_space<vmem>>
    %dma_wait3A_125 = tpu.memref_squeeze %dma_wait3A_124 : memref<1x128x128xf32, #tpu.memory_space<vmem>> -> memref<128x128xf32, #tpu.memory_space<vmem>>
    %dma_wait3A_126 = arith.constant 0 : i32
    %dma_wait3A_127 = tpu.memref_slice %arg10[%dma_wait3A_120, %dma_wait3A_126] : memref<4x128xi32, #tpu.memory_space<vmem>> -> memref<1x128xi32, #tpu.memory_space<vmem>>
    %dma_wait3A_128 = tpu.memref_squeeze %dma_wait3A_127 : memref<1x128xi32, #tpu.memory_space<vmem>> -> memref<128xi32, #tpu.memory_space<vmem>>
    %dma_wait3A_129 = arith.constant 0 : i32
    %dma_wait3A_130 = arith.constant 0 : i32
    %dma_wait3A_131 = tpu.memref_slice %arg5[%dma_wait3A_129, %dma_wait3A_130] : memref<1000000x128xf32, #tpu.memory_space<hbm>> -> memref<1000000x128xf32, #tpu.memory_space<hbm>>
    tpu.wait_indirect_dma semaphore(%arg15 : memref<!tpu.dma_semaphore, #tpu.memory_space<semaphore_mem>>) src(%dma_wait3A_131 : memref<1000000x128xf32, #tpu.memory_space<hbm>>) dst(%dma_wait3A_125 : memref<128x128xf32, #tpu.memory_space<vmem>>)
    %dma_wait3A_132 = arith.constant 0 : i32
    %dma_wait3A_133 = arith.constant 0 : i32
    %dma_wait3A_134 = arith.constant 0 : i32
    %dma_wait3A_135 = arith.constant 0 : i32
    %dma_wait3A_136 = tpu.memref_slice %arg13[%dma_wait3A_133, %dma_wait3A_134, %dma_wait3A_135] : memref<2x128x128xf32, #tpu.memory_space<vmem>> -> memref<1x128x128xf32, #tpu.memory_space<vmem>>
    %dma_wait3A_137 = tpu.memref_squeeze %dma_wait3A_136 : memref<1x128x128xf32, #tpu.memory_space<vmem>> -> memref<128x128xf32, #tpu.memory_space<vmem>>
    %dma_wait3A_138 = arith.constant 0 : i32
    %dma_wait3A_139 = tpu.memref_slice %arg9[%dma_wait3A_132, %dma_wait3A_138] : memref<4x128xi32, #tpu.memory_space<vmem>> -> memref<1x128xi32, #tpu.memory_space<vmem>>
    %dma_wait3A_140 = tpu.memref_squeeze %dma_wait3A_139 : memref<1x128xi32, #tpu.memory_space<vmem>> -> memref<128xi32, #tpu.memory_space<vmem>>
    %dma_wait3A_141 = arith.constant 0 : i32
    %dma_wait3A_142 = arith.constant 0 : i32
    %dma_wait3A_143 = tpu.memref_slice %arg6[%dma_wait3A_141, %dma_wait3A_142] : memref<1000x128xf32, #tpu.memory_space<hbm>> -> memref<1000x128xf32, #tpu.memory_space<hbm>>
    tpu.wait_indirect_dma semaphore(%arg15 : memref<!tpu.dma_semaphore, #tpu.memory_space<semaphore_mem>>) src(%dma_wait3A_143 : memref<1000x128xf32, #tpu.memory_space<hbm>>) dst(%dma_wait3A_137 : memref<128x128xf32, #tpu.memory_space<vmem>>)
    %iota3A = tpu.iota {dimensions = array<i32: 0>} : vector<16xi32>
    %eq3A = arith.constant 15 : i32
    %eq3A_144 = vector.broadcast %eq3A : i32 to vector<16xi32>
    %eq3A_145 = arith.cmpi eq, %iota3A, %eq3A_144 : vector<16xi32>
    %parallel_loop3A = arith.constant 0 : i32
    %parallel_loop3A_146 = arith.constant 128 : i32
    %parallel_loop3A_147 = arith.constant 1 : i32
    scf.for %parallel_loop3A_349 = %parallel_loop3A to %parallel_loop3A_146 step %parallel_loop3A_147  : i32 {
      %parallel_loop3A_350 = arith.constant 0 : i32
      %parallel_loop3A_351 = arith.index_cast %parallel_loop3A_350 : i32 to index
      %parallel_loop3A_352 = arith.index_cast %parallel_loop3A_349 : i32 to index
      %parallel_loop3A_353 = arith.constant 0 : index
      %parallel_loop3A_354 = tpu.vector_load %arg11[%parallel_loop3A_351, %parallel_loop3A_352, %parallel_loop3A_353] {strides = array<i32>} : memref<2x128x128xf32, #tpu.memory_space<vmem>>, vector<16xf32>,
      %parallel_loop3A_355 = arith.constant 0 : i32
      %parallel_loop3A_356 = arith.index_cast %parallel_loop3A_355 : i32 to index
      %parallel_loop3A_357 = arith.index_cast %parallel_loop3A_349 : i32 to index
      %parallel_loop3A_358 = arith.constant 64 : index
      %parallel_loop3A_359 = tpu.vector_load %arg11[%parallel_loop3A_356, %parallel_loop3A_357, %parallel_loop3A_358] {strides = array<i32>} : memref<2x128x128xf32, #tpu.memory_space<vmem>>, vector<16xf32>,
      %parallel_loop3A_360 = arith.constant 0 : i32
      %parallel_loop3A_361 = arith.index_cast %parallel_loop3A_360 : i32 to index
      %parallel_loop3A_362 = arith.index_cast %parallel_loop3A_349 : i32 to index
      %parallel_loop3A_363 = arith.constant 0 : index
      %parallel_loop3A_364 = tpu.vector_load %arg12[%parallel_loop3A_361, %parallel_loop3A_362, %parallel_loop3A_363] {strides = array<i32>} : memref<2x128x128xf32, #tpu.memory_space<vmem>>, vector<16xf32>,
      %parallel_loop3A_365 = arith.constant 0 : i32
      %parallel_loop3A_366 = arith.index_cast %parallel_loop3A_365 : i32 to index
      %parallel_loop3A_367 = arith.index_cast %parallel_loop3A_349 : i32 to index
      %parallel_loop3A_368 = arith.constant 64 : index
      %parallel_loop3A_369 = tpu.vector_load %arg12[%parallel_loop3A_366, %parallel_loop3A_367, %parallel_loop3A_368] {strides = array<i32>} : memref<2x128x128xf32, #tpu.memory_space<vmem>>, vector<16xf32>,
      %parallel_loop3A_370 = arith.constant 0 : i32
      %parallel_loop3A_371 = arith.index_cast %parallel_loop3A_370 : i32 to index
      %parallel_loop3A_372 = arith.index_cast %parallel_loop3A_349 : i32 to index
      %parallel_loop3A_373 = arith.constant 0 : index
      %parallel_loop3A_374 = tpu.vector_load %arg13[%parallel_loop3A_371, %parallel_loop3A_372, %parallel_loop3A_373] {strides = array<i32>} : memref<2x128x128xf32, #tpu.memory_space<vmem>>, vector<16xf32>,
      %parallel_loop3A_375 = arith.constant 0 : i32
      %parallel_loop3A_376 = arith.index_cast %parallel_loop3A_375 : i32 to index
      %parallel_loop3A_377 = arith.index_cast %parallel_loop3A_349 : i32 to index
      %parallel_loop3A_378 = arith.constant 64 : index
      %parallel_loop3A_379 = tpu.vector_load %arg13[%parallel_loop3A_376, %parallel_loop3A_377, %parallel_loop3A_378] {strides = array<i32>} : memref<2x128x128xf32, #tpu.memory_space<vmem>>, vector<16xf32>,
      %parallel_loop3A_380 = arith.mulf %parallel_loop3A_354, %parallel_loop3A_374 : vector<16xf32>
      %parallel_loop3A_381 = arith.mulf %parallel_loop3A_359, %parallel_loop3A_379 : vector<16xf32>
      %parallel_loop3A_382 = arith.subf %parallel_loop3A_380, %parallel_loop3A_381 : vector<16xf32>
      %parallel_loop3A_383 = arith.subf %parallel_loop3A_382, %parallel_loop3A_364 : vector<16xf32>
      %parallel_loop3A_384 = arith.mulf %parallel_loop3A_354, %parallel_loop3A_379 : vector<16xf32>
      %parallel_loop3A_385 = arith.mulf %parallel_loop3A_359, %parallel_loop3A_374 : vector<16xf32>
      %parallel_loop3A_386 = arith.addf %parallel_loop3A_384, %parallel_loop3A_385 : vector<16xf32>
      %parallel_loop3A_387 = arith.subf %parallel_loop3A_386, %parallel_loop3A_369 : vector<16xf32>
      %parallel_loop3A_388 = arith.mulf %parallel_loop3A_383, %parallel_loop3A_383 : vector<16xf32>
      %parallel_loop3A_389 = arith.mulf %parallel_loop3A_387, %parallel_loop3A_387 : vector<16xf32>
      %parallel_loop3A_390 = arith.addf %parallel_loop3A_388, %parallel_loop3A_389 : vector<16xf32>
      %parallel_loop3A_391 = arith.constant 0 : i32
      %parallel_loop3A_392 = arith.index_cast %parallel_loop3A_391 : i32 to index
      %parallel_loop3A_393 = arith.index_cast %parallel_loop3A_349 : i32 to index
      %parallel_loop3A_394 = arith.constant 16 : index
      %parallel_loop3A_395 = tpu.vector_load %arg11[%parallel_loop3A_392, %parallel_loop3A_393, %parallel_loop3A_394] {strides = array<i32>} : memref<2x128x128xf32, #tpu.memory_space<vmem>>, vector<16xf32>,
      %parallel_loop3A_396 = arith.constant 0 : i32
      %parallel_loop3A_397 = arith.index_cast %parallel_loop3A_396 : i32 to index
      %parallel_loop3A_398 = arith.index_cast %parallel_loop3A_349 : i32 to index
      %parallel_loop3A_399 = arith.constant 80 : index
      %parallel_loop3A_400 = tpu.vector_load %arg11[%parallel_loop3A_397, %parallel_loop3A_398, %parallel_loop3A_399] {strides = array<i32>} : memref<2x128x128xf32, #tpu.memory_space<vmem>>, vector<16xf32>,
      %parallel_loop3A_401 = arith.constant 0 : i32
      %parallel_loop3A_402 = arith.index_cast %parallel_loop3A_401 : i32 to index
      %parallel_loop3A_403 = arith.index_cast %parallel_loop3A_349 : i32 to index
      %parallel_loop3A_404 = arith.constant 16 : index
      %parallel_loop3A_405 = tpu.vector_load %arg12[%parallel_loop3A_402, %parallel_loop3A_403, %parallel_loop3A_404] {strides = array<i32>} : memref<2x128x128xf32, #tpu.memory_space<vmem>>, vector<16xf32>,
      %parallel_loop3A_406 = arith.constant 0 : i32
      %parallel_loop3A_407 = arith.index_cast %parallel_loop3A_406 : i32 to index
      %parallel_loop3A_408 = arith.index_cast %parallel_loop3A_349 : i32 to index
      %parallel_loop3A_409 = arith.constant 80 : index
      %parallel_loop3A_410 = tpu.vector_load %arg12[%parallel_loop3A_407, %parallel_loop3A_408, %parallel_loop3A_409] {strides = array<i32>} : memref<2x128x128xf32, #tpu.memory_space<vmem>>, vector<16xf32>,
      %parallel_loop3A_411 = arith.constant 0 : i32
      %parallel_loop3A_412 = arith.index_cast %parallel_loop3A_411 : i32 to index
      %parallel_loop3A_413 = arith.index_cast %parallel_loop3A_349 : i32 to index
      %parallel_loop3A_414 = arith.constant 16 : index
      %parallel_loop3A_415 = tpu.vector_load %arg13[%parallel_loop3A_412, %parallel_loop3A_413, %parallel_loop3A_414] {strides = array<i32>} : memref<2x128x128xf32, #tpu.memory_space<vmem>>, vector<16xf32>,
      %parallel_loop3A_416 = arith.constant 0 : i32
      %parallel_loop3A_417 = arith.index_cast %parallel_loop3A_416 : i32 to index
      %parallel_loop3A_418 = arith.index_cast %parallel_loop3A_349 : i32 to index
      %parallel_loop3A_419 = arith.constant 80 : index
      %parallel_loop3A_420 = tpu.vector_load %arg13[%parallel_loop3A_417, %parallel_loop3A_418, %parallel_loop3A_419] {strides = array<i32>} : memref<2x128x128xf32, #tpu.memory_space<vmem>>, vector<16xf32>,
      %parallel_loop3A_421 = arith.mulf %parallel_loop3A_395, %parallel_loop3A_415 : vector<16xf32>
      %parallel_loop3A_422 = arith.mulf %parallel_loop3A_400, %parallel_loop3A_420 : vector<16xf32>
      %parallel_loop3A_423 = arith.subf %parallel_loop3A_421, %parallel_loop3A_422 : vector<16xf32>
      %parallel_loop3A_424 = arith.subf %parallel_loop3A_423, %parallel_loop3A_405 : vector<16xf32>
      %parallel_loop3A_425 = arith.mulf %parallel_loop3A_395, %parallel_loop3A_420 : vector<16xf32>
      %parallel_loop3A_426 = arith.mulf %parallel_loop3A_400, %parallel_loop3A_415 : vector<16xf32>
      %parallel_loop3A_427 = arith.addf %parallel_loop3A_425, %parallel_loop3A_426 : vector<16xf32>
      %parallel_loop3A_428 = arith.subf %parallel_loop3A_427, %parallel_loop3A_410 : vector<16xf32>
      %parallel_loop3A_429 = arith.mulf %parallel_loop3A_424, %parallel_loop3A_424 : vector<16xf32>
      %parallel_loop3A_430 = arith.mulf %parallel_loop3A_428, %parallel_loop3A_428 : vector<16xf32>
      %parallel_loop3A_431 = arith.addf %parallel_loop3A_429, %parallel_loop3A_430 : vector<16xf32>
      %parallel_loop3A_432 = arith.addf %parallel_loop3A_390, %parallel_loop3A_431 : vector<16xf32>
      %parallel_loop3A_433 = arith.constant 0 : i32
      %parallel_loop3A_434 = arith.index_cast %parallel_loop3A_433 : i32 to index
      %parallel_loop3A_435 = arith.index_cast %parallel_loop3A_349 : i32 to index
      %parallel_loop3A_436 = arith.constant 32 : index
      %parallel_loop3A_437 = tpu.vector_load %arg11[%parallel_loop3A_434, %parallel_loop3A_435, %parallel_loop3A_436] {strides = array<i32>} : memref<2x128x128xf32, #tpu.memory_space<vmem>>, vector<16xf32>,
      %parallel_loop3A_438 = arith.constant 0 : i32
      %parallel_loop3A_439 = arith.index_cast %parallel_loop3A_438 : i32 to index
      %parallel_loop3A_440 = arith.index_cast %parallel_loop3A_349 : i32 to index
      %parallel_loop3A_441 = arith.constant 96 : index
      %parallel_loop3A_442 = tpu.vector_load %arg11[%parallel_loop3A_439, %parallel_loop3A_440, %parallel_loop3A_441] {strides = array<i32>} : memref<2x128x128xf32, #tpu.memory_space<vmem>>, vector<16xf32>,
      %parallel_loop3A_443 = arith.constant 0 : i32
      %parallel_loop3A_444 = arith.index_cast %parallel_loop3A_443 : i32 to index
      %parallel_loop3A_445 = arith.index_cast %parallel_loop3A_349 : i32 to index
      %parallel_loop3A_446 = arith.constant 32 : index
      %parallel_loop3A_447 = tpu.vector_load %arg12[%parallel_loop3A_444, %parallel_loop3A_445, %parallel_loop3A_446] {strides = array<i32>} : memref<2x128x128xf32, #tpu.memory_space<vmem>>, vector<16xf32>,
      %parallel_loop3A_448 = arith.constant 0 : i32
      %parallel_loop3A_449 = arith.index_cast %parallel_loop3A_448 : i32 to index
      %parallel_loop3A_450 = arith.index_cast %parallel_loop3A_349 : i32 to index
      %parallel_loop3A_451 = arith.constant 96 : index
      %parallel_loop3A_452 = tpu.vector_load %arg12[%parallel_loop3A_449, %parallel_loop3A_450, %parallel_loop3A_451] {strides = array<i32>} : memref<2x128x128xf32, #tpu.memory_space<vmem>>, vector<16xf32>,
      %parallel_loop3A_453 = arith.constant 0 : i32
      %parallel_loop3A_454 = arith.index_cast %parallel_loop3A_453 : i32 to index
      %parallel_loop3A_455 = arith.index_cast %parallel_loop3A_349 : i32 to index
      %parallel_loop3A_456 = arith.constant 32 : index
      %parallel_loop3A_457 = tpu.vector_load %arg13[%parallel_loop3A_454, %parallel_loop3A_455, %parallel_loop3A_456] {strides = array<i32>} : memref<2x128x128xf32, #tpu.memory_space<vmem>>, vector<16xf32>,
      %parallel_loop3A_458 = arith.constant 0 : i32
      %parallel_loop3A_459 = arith.index_cast %parallel_loop3A_458 : i32 to index
      %parallel_loop3A_460 = arith.index_cast %parallel_loop3A_349 : i32 to index
      %parallel_loop3A_461 = arith.constant 96 : index
      %parallel_loop3A_462 = tpu.vector_load %arg13[%parallel_loop3A_459, %parallel_loop3A_460, %parallel_loop3A_461] {strides = array<i32>} : memref<2x128x128xf32, #tpu.memory_space<vmem>>, vector<16xf32>,
      %parallel_loop3A_463 = arith.mulf %parallel_loop3A_437, %parallel_loop3A_457 : vector<16xf32>
      %parallel_loop3A_464 = arith.mulf %parallel_loop3A_442, %parallel_loop3A_462 : vector<16xf32>
      %parallel_loop3A_465 = arith.subf %parallel_loop3A_463, %parallel_loop3A_464 : vector<16xf32>
      %parallel_loop3A_466 = arith.subf %parallel_loop3A_465, %parallel_loop3A_447 : vector<16xf32>
      %parallel_loop3A_467 = arith.mulf %parallel_loop3A_437, %parallel_loop3A_462 : vector<16xf32>
      %parallel_loop3A_468 = arith.mulf %parallel_loop3A_442, %parallel_loop3A_457 : vector<16xf32>
      %parallel_loop3A_469 = arith.addf %parallel_loop3A_467, %parallel_loop3A_468 : vector<16xf32>
      %parallel_loop3A_470 = arith.subf %parallel_loop3A_469, %parallel_loop3A_452 : vector<16xf32>
      %parallel_loop3A_471 = arith.mulf %parallel_loop3A_466, %parallel_loop3A_466 : vector<16xf32>
      %parallel_loop3A_472 = arith.mulf %parallel_loop3A_470, %parallel_loop3A_470 : vector<16xf32>
      %parallel_loop3A_473 = arith.addf %parallel_loop3A_471, %parallel_loop3A_472 : vector<16xf32>
      %parallel_loop3A_474 = arith.addf %parallel_loop3A_432, %parallel_loop3A_473 : vector<16xf32>
      %parallel_loop3A_475 = arith.constant 0 : i32
      %parallel_loop3A_476 = arith.index_cast %parallel_loop3A_475 : i32 to index
      %parallel_loop3A_477 = arith.index_cast %parallel_loop3A_349 : i32 to index
      %parallel_loop3A_478 = arith.constant 48 : index
      %parallel_loop3A_479 = tpu.vector_load %arg11[%parallel_loop3A_476, %parallel_loop3A_477, %parallel_loop3A_478] {strides = array<i32>} : memref<2x128x128xf32, #tpu.memory_space<vmem>>, vector<16xf32>,
      %parallel_loop3A_480 = arith.constant 0 : i32
      %parallel_loop3A_481 = arith.index_cast %parallel_loop3A_480 : i32 to index
      %parallel_loop3A_482 = arith.index_cast %parallel_loop3A_349 : i32 to index
      %parallel_loop3A_483 = arith.constant 112 : index
      %parallel_loop3A_484 = tpu.vector_load %arg11[%parallel_loop3A_481, %parallel_loop3A_482, %parallel_loop3A_483] {strides = array<i32>} : memref<2x128x128xf32, #tpu.memory_space<vmem>>, vector<16xf32>,
      %parallel_loop3A_485 = arith.constant 0 : i32
      %parallel_loop3A_486 = arith.index_cast %parallel_loop3A_485 : i32 to index
      %parallel_loop3A_487 = arith.index_cast %parallel_loop3A_349 : i32 to index
      %parallel_loop3A_488 = arith.constant 48 : index
      %parallel_loop3A_489 = tpu.vector_load %arg12[%parallel_loop3A_486, %parallel_loop3A_487, %parallel_loop3A_488] {strides = array<i32>} : memref<2x128x128xf32, #tpu.memory_space<vmem>>, vector<16xf32>,
      %parallel_loop3A_490 = arith.constant 0 : i32
      %parallel_loop3A_491 = arith.index_cast %parallel_loop3A_490 : i32 to index
      %parallel_loop3A_492 = arith.index_cast %parallel_loop3A_349 : i32 to index
      %parallel_loop3A_493 = arith.constant 112 : index
      %parallel_loop3A_494 = tpu.vector_load %arg12[%parallel_loop3A_491, %parallel_loop3A_492, %parallel_loop3A_493] {strides = array<i32>} : memref<2x128x128xf32, #tpu.memory_space<vmem>>, vector<16xf32>,
      %parallel_loop3A_495 = arith.constant 0 : i32
      %parallel_loop3A_496 = arith.index_cast %parallel_loop3A_495 : i32 to index
      %parallel_loop3A_497 = arith.index_cast %parallel_loop3A_349 : i32 to index
      %parallel_loop3A_498 = arith.constant 48 : index
      %parallel_loop3A_499 = tpu.vector_load %arg13[%parallel_loop3A_496, %parallel_loop3A_497, %parallel_loop3A_498] {strides = array<i32>} : memref<2x128x128xf32, #tpu.memory_space<vmem>>, vector<16xf32>,
      %parallel_loop3A_500 = arith.constant 0 : i32
      %parallel_loop3A_501 = arith.index_cast %parallel_loop3A_500 : i32 to index
      %parallel_loop3A_502 = arith.index_cast %parallel_loop3A_349 : i32 to index
      %parallel_loop3A_503 = arith.constant 112 : index
      %parallel_loop3A_504 = tpu.vector_load %arg13[%parallel_loop3A_501, %parallel_loop3A_502, %parallel_loop3A_503] {strides = array<i32>} : memref<2x128x128xf32, #tpu.memory_space<vmem>>, vector<16xf32>,
      %parallel_loop3A_505 = arith.mulf %parallel_loop3A_479, %parallel_loop3A_499 : vector<16xf32>
      %parallel_loop3A_506 = arith.mulf %parallel_loop3A_484, %parallel_loop3A_504 : vector<16xf32>
      %parallel_loop3A_507 = arith.subf %parallel_loop3A_505, %parallel_loop3A_506 : vector<16xf32>
      %parallel_loop3A_508 = arith.subf %parallel_loop3A_507, %parallel_loop3A_489 : vector<16xf32>
      %parallel_loop3A_509 = arith.mulf %parallel_loop3A_479, %parallel_loop3A_504 : vector<16xf32>
      %parallel_loop3A_510 = arith.mulf %parallel_loop3A_484, %parallel_loop3A_499 : vector<16xf32>
      %parallel_loop3A_511 = arith.addf %parallel_loop3A_509, %parallel_loop3A_510 : vector<16xf32>
      %parallel_loop3A_512 = arith.subf %parallel_loop3A_511, %parallel_loop3A_494 : vector<16xf32>
      %parallel_loop3A_513 = arith.mulf %parallel_loop3A_508, %parallel_loop3A_508 : vector<16xf32>
      %parallel_loop3A_514 = arith.mulf %parallel_loop3A_512, %parallel_loop3A_512 : vector<16xf32>
      %parallel_loop3A_515 = arith.addf %parallel_loop3A_513, %parallel_loop3A_514 : vector<16xf32>
      %parallel_loop3A_516 = arith.addf %parallel_loop3A_474, %parallel_loop3A_515 : vector<16xf32>
      %parallel_loop3A_517 = arith.constant true
      %parallel_loop3A_518 = vector.broadcast %parallel_loop3A_517 : i1 to vector<16xi1>
      %parallel_loop3A_519 = tpu.scan <sum>, %parallel_loop3A_516 masked %parallel_loop3A_518 : vector<16xf32>, vector<16xi1> -> vector<16xf32>
      %parallel_loop3A_520 = arith.constant 0 : i32
      %parallel_loop3A_521 = arith.addi %parallel_loop3A_520, %parallel_loop3A_349 : i32
      %parallel_loop3A_522 = arith.index_cast %parallel_loop3A_521 : i32 to index
      %parallel_loop3A_523 = tpu.vector_load %arg14[%parallel_loop3A_522] masked %eq3A_145 {strides = array<i32>} : memref<528xf32, #tpu.memory_space<vmem>>, vector<16xf32>, vector<16xi1>
      tpu.vector_store %arg14[%parallel_loop3A_522], %parallel_loop3A_519 masked %eq3A_145 {strides = array<i32>} : memref<528xf32, #tpu.memory_space<vmem>>, vector<16xf32>, vector<16xi1>
    } {sc.loop_unroll_factor = 2 : i64, sc.parallel_access}
    %dma_start3A_148 = arith.constant 2 : i32
    %dma_start3A_149 = arith.constant 0 : i32
    %dma_start3A_150 = arith.constant 0 : i32
    %dma_start3A_151 = arith.constant 0 : i32
    %dma_start3A_152 = tpu.memref_slice %arg11[%dma_start3A_149, %dma_start3A_150, %dma_start3A_151] : memref<2x128x128xf32, #tpu.memory_space<vmem>> -> memref<1x128x128xf32, #tpu.memory_space<vmem>>
    %dma_start3A_153 = tpu.memref_squeeze %dma_start3A_152 : memref<1x128x128xf32, #tpu.memory_space<vmem>> -> memref<128x128xf32, #tpu.memory_space<vmem>>
    %dma_start3A_154 = arith.constant 0 : i32
    %dma_start3A_155 = tpu.memref_slice %arg8[%dma_start3A_148, %dma_start3A_154] : memref<4x128xi32, #tpu.memory_space<vmem>> -> memref<1x128xi32, #tpu.memory_space<vmem>>
    %dma_start3A_156 = tpu.memref_squeeze %dma_start3A_155 : memref<1x128xi32, #tpu.memory_space<vmem>> -> memref<128xi32, #tpu.memory_space<vmem>>
    %dma_start3A_157 = arith.constant 0 : i32
    %dma_start3A_158 = arith.constant 0 : i32
    %dma_start3A_159 = tpu.memref_slice %arg5[%dma_start3A_157, %dma_start3A_158] : memref<1000000x128xf32, #tpu.memory_space<hbm>> -> memref<1000000x128xf32, #tpu.memory_space<hbm>>
    tpu.enqueue_indirect_dma source(%dma_start3A_159 : memref<1000000x128xf32, #tpu.memory_space<hbm>>) target(%dma_start3A_153 : memref<128x128xf32, #tpu.memory_space<vmem>>) offsets(%dma_start3A_156 : memref<128xi32, #tpu.memory_space<vmem>>) semaphore(%arg15 : memref<!tpu.dma_semaphore, #tpu.memory_space<semaphore_mem>>)
    %dma_start3A_160 = arith.constant 2 : i32
    %dma_start3A_161 = arith.constant 0 : i32
    %dma_start3A_162 = arith.constant 0 : i32
    %dma_start3A_163 = arith.constant 0 : i32
    %dma_start3A_164 = tpu.memref_slice %arg12[%dma_start3A_161, %dma_start3A_162, %dma_start3A_163] : memref<2x128x128xf32, #tpu.memory_space<vmem>> -> memref<1x128x128xf32, #tpu.memory_space<vmem>>
    %dma_start3A_165 = tpu.memref_squeeze %dma_start3A_164 : memref<1x128x128xf32, #tpu.memory_space<vmem>> -> memref<128x128xf32, #tpu.memory_space<vmem>>
    %dma_start3A_166 = arith.constant 0 : i32
    %dma_start3A_167 = tpu.memref_slice %arg10[%dma_start3A_160, %dma_start3A_166] : memref<4x128xi32, #tpu.memory_space<vmem>> -> memref<1x128xi32, #tpu.memory_space<vmem>>
    %dma_start3A_168 = tpu.memref_squeeze %dma_start3A_167 : memref<1x128xi32, #tpu.memory_space<vmem>> -> memref<128xi32, #tpu.memory_space<vmem>>
    %dma_start3A_169 = arith.constant 0 : i32
    %dma_start3A_170 = arith.constant 0 : i32
    %dma_start3A_171 = tpu.memref_slice %arg5[%dma_start3A_169, %dma_start3A_170] : memref<1000000x128xf32, #tpu.memory_space<hbm>> -> memref<1000000x128xf32, #tpu.memory_space<hbm>>
    tpu.enqueue_indirect_dma source(%dma_start3A_171 : memref<1000000x128xf32, #tpu.memory_space<hbm>>) target(%dma_start3A_165 : memref<128x128xf32, #tpu.memory_space<vmem>>) offsets(%dma_start3A_168 : memref<128xi32, #tpu.memory_space<vmem>>) semaphore(%arg15 : memref<!tpu.dma_semaphore, #tpu.memory_space<semaphore_mem>>)
    %dma_start3A_172 = arith.constant 2 : i32
    %dma_start3A_173 = arith.constant 0 : i32
    %dma_start3A_174 = arith.constant 0 : i32
    %dma_start3A_175 = arith.constant 0 : i32
    %dma_start3A_176 = tpu.memref_slice %arg13[%dma_start3A_173, %dma_start3A_174, %dma_start3A_175] : memref<2x128x128xf32, #tpu.memory_space<vmem>> -> memref<1x128x128xf32, #tpu.memory_space<vmem>>
    %dma_start3A_177 = tpu.memref_squeeze %dma_start3A_176 : memref<1x128x128xf32, #tpu.memory_space<vmem>> -> memref<128x128xf32, #tpu.memory_space<vmem>>
    %dma_start3A_178 = arith.constant 0 : i32
    %dma_start3A_179 = tpu.memref_slice %arg9[%dma_start3A_172, %dma_start3A_178] : memref<4x128xi32, #tpu.memory_space<vmem>> -> memref<1x128xi32, #tpu.memory_space<vmem>>
    %dma_start3A_180 = tpu.memref_squeeze %dma_start3A_179 : memref<1x128xi32, #tpu.memory_space<vmem>> -> memref<128xi32, #tpu.memory_space<vmem>>
    %dma_start3A_181 = arith.constant 0 : i32
    %dma_start3A_182 = arith.constant 0 : i32
    %dma_start3A_183 = tpu.memref_slice %arg6[%dma_start3A_181, %dma_start3A_182] : memref<1000x128xf32, #tpu.memory_space<hbm>> -> memref<1000x128xf32, #tpu.memory_space<hbm>>
    tpu.enqueue_indirect_dma source(%dma_start3A_183 : memref<1000x128xf32, #tpu.memory_space<hbm>>) target(%dma_start3A_177 : memref<128x128xf32, #tpu.memory_space<vmem>>) offsets(%dma_start3A_180 : memref<128xi32, #tpu.memory_space<vmem>>) semaphore(%arg15 : memref<!tpu.dma_semaphore, #tpu.memory_space<semaphore_mem>>)
    %dma_wait3A_184 = arith.constant 1 : i32
    %dma_wait3A_185 = arith.constant 1 : i32
    %dma_wait3A_186 = arith.constant 0 : i32
    %dma_wait3A_187 = arith.constant 0 : i32
    %dma_wait3A_188 = tpu.memref_slice %arg11[%dma_wait3A_185, %dma_wait3A_186, %dma_wait3A_187] : memref<2x128x128xf32, #tpu.memory_space<vmem>> -> memref<1x128x128xf32, #tpu.memory_space<vmem>>
    %dma_wait3A_189 = tpu.memref_squeeze %dma_wait3A_188 : memref<1x128x128xf32, #tpu.memory_space<vmem>> -> memref<128x128xf32, #tpu.memory_space<vmem>>
    %dma_wait3A_190 = arith.constant 0 : i32
    %dma_wait3A_191 = tpu.memref_slice %arg8[%dma_wait3A_184, %dma_wait3A_190] : memref<4x128xi32, #tpu.memory_space<vmem>> -> memref<1x128xi32, #tpu.memory_space<vmem>>
    %dma_wait3A_192 = tpu.memref_squeeze %dma_wait3A_191 : memref<1x128xi32, #tpu.memory_space<vmem>> -> memref<128xi32, #tpu.memory_space<vmem>>
    %dma_wait3A_193 = arith.constant 0 : i32
    %dma_wait3A_194 = arith.constant 0 : i32
    %dma_wait3A_195 = tpu.memref_slice %arg5[%dma_wait3A_193, %dma_wait3A_194] : memref<1000000x128xf32, #tpu.memory_space<hbm>> -> memref<1000000x128xf32, #tpu.memory_space<hbm>>
    tpu.wait_indirect_dma semaphore(%arg16 : memref<!tpu.dma_semaphore, #tpu.memory_space<semaphore_mem>>) src(%dma_wait3A_195 : memref<1000000x128xf32, #tpu.memory_space<hbm>>) dst(%dma_wait3A_189 : memref<128x128xf32, #tpu.memory_space<vmem>>)
    %dma_wait3A_196 = arith.constant 1 : i32
    %dma_wait3A_197 = arith.constant 1 : i32
    %dma_wait3A_198 = arith.constant 0 : i32
    %dma_wait3A_199 = arith.constant 0 : i32
    %dma_wait3A_200 = tpu.memref_slice %arg12[%dma_wait3A_197, %dma_wait3A_198, %dma_wait3A_199] : memref<2x128x128xf32, #tpu.memory_space<vmem>> -> memref<1x128x128xf32, #tpu.memory_space<vmem>>
    %dma_wait3A_201 = tpu.memref_squeeze %dma_wait3A_200 : memref<1x128x128xf32, #tpu.memory_space<vmem>> -> memref<128x128xf32, #tpu.memory_space<vmem>>
    %dma_wait3A_202 = arith.constant 0 : i32
    %dma_wait3A_203 = tpu.memref_slice %arg10[%dma_wait3A_196, %dma_wait3A_202] : memref<4x128xi32, #tpu.memory_space<vmem>> -> memref<1x128xi32, #tpu.memory_space<vmem>>
    %dma_wait3A_204 = tpu.memref_squeeze %dma_wait3A_203 : memref<1x128xi32, #tpu.memory_space<vmem>> -> memref<128xi32, #tpu.memory_space<vmem>>
    %dma_wait3A_205 = arith.constant 0 : i32
    %dma_wait3A_206 = arith.constant 0 : i32
    %dma_wait3A_207 = tpu.memref_slice %arg5[%dma_wait3A_205, %dma_wait3A_206] : memref<1000000x128xf32, #tpu.memory_space<hbm>> -> memref<1000000x128xf32, #tpu.memory_space<hbm>>
    tpu.wait_indirect_dma semaphore(%arg16 : memref<!tpu.dma_semaphore, #tpu.memory_space<semaphore_mem>>) src(%dma_wait3A_207 : memref<1000000x128xf32, #tpu.memory_space<hbm>>) dst(%dma_wait3A_201 : memref<128x128xf32, #tpu.memory_space<vmem>>)
    %dma_wait3A_208 = arith.constant 1 : i32
    %dma_wait3A_209 = arith.constant 1 : i32
    %dma_wait3A_210 = arith.constant 0 : i32
    %dma_wait3A_211 = arith.constant 0 : i32
    %dma_wait3A_212 = tpu.memref_slice %arg13[%dma_wait3A_209, %dma_wait3A_210, %dma_wait3A_211] : memref<2x128x128xf32, #tpu.memory_space<vmem>> -> memref<1x128x128xf32, #tpu.memory_space<vmem>>
    %dma_wait3A_213 = tpu.memref_squeeze %dma_wait3A_212 : memref<1x128x128xf32, #tpu.memory_space<vmem>> -> memref<128x128xf32, #tpu.memory_space<vmem>>
    %dma_wait3A_214 = arith.constant 0 : i32
    %dma_wait3A_215 = tpu.memref_slice %arg9[%dma_wait3A_208, %dma_wait3A_214] : memref<4x128xi32, #tpu.memory_space<vmem>> -> memref<1x128xi32, #tpu.memory_space<vmem>>
    %dma_wait3A_216 = tpu.memref_squeeze %dma_wait3A_215 : memref<1x128xi32, #tpu.memory_space<vmem>> -> memref<128xi32, #tpu.memory_space<vmem>>
    %dma_wait3A_217 = arith.constant 0 : i32
    %dma_wait3A_218 = arith.constant 0 : i32
    %dma_wait3A_219 = tpu.memref_slice %arg6[%dma_wait3A_217, %dma_wait3A_218] : memref<1000x128xf32, #tpu.memory_space<hbm>> -> memref<1000x128xf32, #tpu.memory_space<hbm>>
    tpu.wait_indirect_dma semaphore(%arg16 : memref<!tpu.dma_semaphore, #tpu.memory_space<semaphore_mem>>) src(%dma_wait3A_219 : memref<1000x128xf32, #tpu.memory_space<hbm>>) dst(%dma_wait3A_213 : memref<128x128xf32, #tpu.memory_space<vmem>>)
    %iota3A_220 = tpu.iota {dimensions = array<i32: 0>} : vector<16xi32>
    %eq3A_221 = arith.constant 15 : i32
    %eq3A_222 = vector.broadcast %eq3A_221 : i32 to vector<16xi32>
    %eq3A_223 = arith.cmpi eq, %iota3A_220, %eq3A_222 : vector<16xi32>
    %parallel_loop3A_224 = arith.constant 0 : i32
    %parallel_loop3A_225 = arith.constant 128 : i32
    %parallel_loop3A_226 = arith.constant 1 : i32
    scf.for %parallel_loop3A_349 = %parallel_loop3A_224 to %parallel_loop3A_225 step %parallel_loop3A_226  : i32 {
      %parallel_loop3A_350 = arith.constant 1 : i32
      %parallel_loop3A_351 = arith.index_cast %parallel_loop3A_350 : i32 to index
      %parallel_loop3A_352 = arith.index_cast %parallel_loop3A_349 : i32 to index
      %parallel_loop3A_353 = arith.constant 0 : index
      %parallel_loop3A_354 = tpu.vector_load %arg11[%parallel_loop3A_351, %parallel_loop3A_352, %parallel_loop3A_353] {strides = array<i32>} : memref<2x128x128xf32, #tpu.memory_space<vmem>>, vector<16xf32>,
      %parallel_loop3A_355 = arith.constant 1 : i32
      %parallel_loop3A_356 = arith.index_cast %parallel_loop3A_355 : i32 to index
      %parallel_loop3A_357 = arith.index_cast %parallel_loop3A_349 : i32 to index
      %parallel_loop3A_358 = arith.constant 64 : index
      %parallel_loop3A_359 = tpu.vector_load %arg11[%parallel_loop3A_356, %parallel_loop3A_357, %parallel_loop3A_358] {strides = array<i32>} : memref<2x128x128xf32, #tpu.memory_space<vmem>>, vector<16xf32>,
      %parallel_loop3A_360 = arith.constant 1 : i32
      %parallel_loop3A_361 = arith.index_cast %parallel_loop3A_360 : i32 to index
      %parallel_loop3A_362 = arith.index_cast %parallel_loop3A_349 : i32 to index
      %parallel_loop3A_363 = arith.constant 0 : index
      %parallel_loop3A_364 = tpu.vector_load %arg12[%parallel_loop3A_361, %parallel_loop3A_362, %parallel_loop3A_363] {strides = array<i32>} : memref<2x128x128xf32, #tpu.memory_space<vmem>>, vector<16xf32>,
      %parallel_loop3A_365 = arith.constant 1 : i32
      %parallel_loop3A_366 = arith.index_cast %parallel_loop3A_365 : i32 to index
      %parallel_loop3A_367 = arith.index_cast %parallel_loop3A_349 : i32 to index
      %parallel_loop3A_368 = arith.constant 64 : index
      %parallel_loop3A_369 = tpu.vector_load %arg12[%parallel_loop3A_366, %parallel_loop3A_367, %parallel_loop3A_368] {strides = array<i32>} : memref<2x128x128xf32, #tpu.memory_space<vmem>>, vector<16xf32>,
      %parallel_loop3A_370 = arith.constant 1 : i32
      %parallel_loop3A_371 = arith.index_cast %parallel_loop3A_370 : i32 to index
      %parallel_loop3A_372 = arith.index_cast %parallel_loop3A_349 : i32 to index
      %parallel_loop3A_373 = arith.constant 0 : index
      %parallel_loop3A_374 = tpu.vector_load %arg13[%parallel_loop3A_371, %parallel_loop3A_372, %parallel_loop3A_373] {strides = array<i32>} : memref<2x128x128xf32, #tpu.memory_space<vmem>>, vector<16xf32>,
      %parallel_loop3A_375 = arith.constant 1 : i32
      %parallel_loop3A_376 = arith.index_cast %parallel_loop3A_375 : i32 to index
      %parallel_loop3A_377 = arith.index_cast %parallel_loop3A_349 : i32 to index
      %parallel_loop3A_378 = arith.constant 64 : index
      %parallel_loop3A_379 = tpu.vector_load %arg13[%parallel_loop3A_376, %parallel_loop3A_377, %parallel_loop3A_378] {strides = array<i32>} : memref<2x128x128xf32, #tpu.memory_space<vmem>>, vector<16xf32>,
      %parallel_loop3A_380 = arith.mulf %parallel_loop3A_354, %parallel_loop3A_374 : vector<16xf32>
      %parallel_loop3A_381 = arith.mulf %parallel_loop3A_359, %parallel_loop3A_379 : vector<16xf32>
      %parallel_loop3A_382 = arith.subf %parallel_loop3A_380, %parallel_loop3A_381 : vector<16xf32>
      %parallel_loop3A_383 = arith.subf %parallel_loop3A_382, %parallel_loop3A_364 : vector<16xf32>
      %parallel_loop3A_384 = arith.mulf %parallel_loop3A_354, %parallel_loop3A_379 : vector<16xf32>
      %parallel_loop3A_385 = arith.mulf %parallel_loop3A_359, %parallel_loop3A_374 : vector<16xf32>
      %parallel_loop3A_386 = arith.addf %parallel_loop3A_384, %parallel_loop3A_385 : vector<16xf32>
      %parallel_loop3A_387 = arith.subf %parallel_loop3A_386, %parallel_loop3A_369 : vector<16xf32>
      %parallel_loop3A_388 = arith.mulf %parallel_loop3A_383, %parallel_loop3A_383 : vector<16xf32>
      %parallel_loop3A_389 = arith.mulf %parallel_loop3A_387, %parallel_loop3A_387 : vector<16xf32>
      %parallel_loop3A_390 = arith.addf %parallel_loop3A_388, %parallel_loop3A_389 : vector<16xf32>
      %parallel_loop3A_391 = arith.constant 1 : i32
      %parallel_loop3A_392 = arith.index_cast %parallel_loop3A_391 : i32 to index
      %parallel_loop3A_393 = arith.index_cast %parallel_loop3A_349 : i32 to index
      %parallel_loop3A_394 = arith.constant 16 : index
      %parallel_loop3A_395 = tpu.vector_load %arg11[%parallel_loop3A_392, %parallel_loop3A_393, %parallel_loop3A_394] {strides = array<i32>} : memref<2x128x128xf32, #tpu.memory_space<vmem>>, vector<16xf32>,
      %parallel_loop3A_396 = arith.constant 1 : i32
      %parallel_loop3A_397 = arith.index_cast %parallel_loop3A_396 : i32 to index
      %parallel_loop3A_398 = arith.index_cast %parallel_loop3A_349 : i32 to index
      %parallel_loop3A_399 = arith.constant 80 : index
      %parallel_loop3A_400 = tpu.vector_load %arg11[%parallel_loop3A_397, %parallel_loop3A_398, %parallel_loop3A_399] {strides = array<i32>} : memref<2x128x128xf32, #tpu.memory_space<vmem>>, vector<16xf32>,
      %parallel_loop3A_401 = arith.constant 1 : i32
      %parallel_loop3A_402 = arith.index_cast %parallel_loop3A_401 : i32 to index
      %parallel_loop3A_403 = arith.index_cast %parallel_loop3A_349 : i32 to index
      %parallel_loop3A_404 = arith.constant 16 : index
      %parallel_loop3A_405 = tpu.vector_load %arg12[%parallel_loop3A_402, %parallel_loop3A_403, %parallel_loop3A_404] {strides = array<i32>} : memref<2x128x128xf32, #tpu.memory_space<vmem>>, vector<16xf32>,
      %parallel_loop3A_406 = arith.constant 1 : i32
      %parallel_loop3A_407 = arith.index_cast %parallel_loop3A_406 : i32 to index
      %parallel_loop3A_408 = arith.index_cast %parallel_loop3A_349 : i32 to index
      %parallel_loop3A_409 = arith.constant 80 : index
      %parallel_loop3A_410 = tpu.vector_load %arg12[%parallel_loop3A_407, %parallel_loop3A_408, %parallel_loop3A_409] {strides = array<i32>} : memref<2x128x128xf32, #tpu.memory_space<vmem>>, vector<16xf32>,
      %parallel_loop3A_411 = arith.constant 1 : i32
      %parallel_loop3A_412 = arith.index_cast %parallel_loop3A_411 : i32 to index
      %parallel_loop3A_413 = arith.index_cast %parallel_loop3A_349 : i32 to index
      %parallel_loop3A_414 = arith.constant 16 : index
      %parallel_loop3A_415 = tpu.vector_load %arg13[%parallel_loop3A_412, %parallel_loop3A_413, %parallel_loop3A_414] {strides = array<i32>} : memref<2x128x128xf32, #tpu.memory_space<vmem>>, vector<16xf32>,
      %parallel_loop3A_416 = arith.constant 1 : i32
      %parallel_loop3A_417 = arith.index_cast %parallel_loop3A_416 : i32 to index
      %parallel_loop3A_418 = arith.index_cast %parallel_loop3A_349 : i32 to index
      %parallel_loop3A_419 = arith.constant 80 : index
      %parallel_loop3A_420 = tpu.vector_load %arg13[%parallel_loop3A_417, %parallel_loop3A_418, %parallel_loop3A_419] {strides = array<i32>} : memref<2x128x128xf32, #tpu.memory_space<vmem>>, vector<16xf32>,
      %parallel_loop3A_421 = arith.mulf %parallel_loop3A_395, %parallel_loop3A_415 : vector<16xf32>
      %parallel_loop3A_422 = arith.mulf %parallel_loop3A_400, %parallel_loop3A_420 : vector<16xf32>
      %parallel_loop3A_423 = arith.subf %parallel_loop3A_421, %parallel_loop3A_422 : vector<16xf32>
      %parallel_loop3A_424 = arith.subf %parallel_loop3A_423, %parallel_loop3A_405 : vector<16xf32>
      %parallel_loop3A_425 = arith.mulf %parallel_loop3A_395, %parallel_loop3A_420 : vector<16xf32>
      %parallel_loop3A_426 = arith.mulf %parallel_loop3A_400, %parallel_loop3A_415 : vector<16xf32>
      %parallel_loop3A_427 = arith.addf %parallel_loop3A_425, %parallel_loop3A_426 : vector<16xf32>
      %parallel_loop3A_428 = arith.subf %parallel_loop3A_427, %parallel_loop3A_410 : vector<16xf32>
      %parallel_loop3A_429 = arith.mulf %parallel_loop3A_424, %parallel_loop3A_424 : vector<16xf32>
      %parallel_loop3A_430 = arith.mulf %parallel_loop3A_428, %parallel_loop3A_428 : vector<16xf32>
      %parallel_loop3A_431 = arith.addf %parallel_loop3A_429, %parallel_loop3A_430 : vector<16xf32>
      %parallel_loop3A_432 = arith.addf %parallel_loop3A_390, %parallel_loop3A_431 : vector<16xf32>
      %parallel_loop3A_433 = arith.constant 1 : i32
      %parallel_loop3A_434 = arith.index_cast %parallel_loop3A_433 : i32 to index
      %parallel_loop3A_435 = arith.index_cast %parallel_loop3A_349 : i32 to index
      %parallel_loop3A_436 = arith.constant 32 : index
      %parallel_loop3A_437 = tpu.vector_load %arg11[%parallel_loop3A_434, %parallel_loop3A_435, %parallel_loop3A_436] {strides = array<i32>} : memref<2x128x128xf32, #tpu.memory_space<vmem>>, vector<16xf32>,
      %parallel_loop3A_438 = arith.constant 1 : i32
      %parallel_loop3A_439 = arith.index_cast %parallel_loop3A_438 : i32 to index
      %parallel_loop3A_440 = arith.index_cast %parallel_loop3A_349 : i32 to index
      %parallel_loop3A_441 = arith.constant 96 : index
      %parallel_loop3A_442 = tpu.vector_load %arg11[%parallel_loop3A_439, %parallel_loop3A_440, %parallel_loop3A_441] {strides = array<i32>} : memref<2x128x128xf32, #tpu.memory_space<vmem>>, vector<16xf32>,
      %parallel_loop3A_443 = arith.constant 1 : i32
      %parallel_loop3A_444 = arith.index_cast %parallel_loop3A_443 : i32 to index
      %parallel_loop3A_445 = arith.index_cast %parallel_loop3A_349 : i32 to index
      %parallel_loop3A_446 = arith.constant 32 : index
      %parallel_loop3A_447 = tpu.vector_load %arg12[%parallel_loop3A_444, %parallel_loop3A_445, %parallel_loop3A_446] {strides = array<i32>} : memref<2x128x128xf32, #tpu.memory_space<vmem>>, vector<16xf32>,
      %parallel_loop3A_448 = arith.constant 1 : i32
      %parallel_loop3A_449 = arith.index_cast %parallel_loop3A_448 : i32 to index
      %parallel_loop3A_450 = arith.index_cast %parallel_loop3A_349 : i32 to index
      %parallel_loop3A_451 = arith.constant 96 : index
      %parallel_loop3A_452 = tpu.vector_load %arg12[%parallel_loop3A_449, %parallel_loop3A_450, %parallel_loop3A_451] {strides = array<i32>} : memref<2x128x128xf32, #tpu.memory_space<vmem>>, vector<16xf32>,
      %parallel_loop3A_453 = arith.constant 1 : i32
      %parallel_loop3A_454 = arith.index_cast %parallel_loop3A_453 : i32 to index
      %parallel_loop3A_455 = arith.index_cast %parallel_loop3A_349 : i32 to index
      %parallel_loop3A_456 = arith.constant 32 : index
      %parallel_loop3A_457 = tpu.vector_load %arg13[%parallel_loop3A_454, %parallel_loop3A_455, %parallel_loop3A_456] {strides = array<i32>} : memref<2x128x128xf32, #tpu.memory_space<vmem>>, vector<16xf32>,
      %parallel_loop3A_458 = arith.constant 1 : i32
      %parallel_loop3A_459 = arith.index_cast %parallel_loop3A_458 : i32 to index
      %parallel_loop3A_460 = arith.index_cast %parallel_loop3A_349 : i32 to index
      %parallel_loop3A_461 = arith.constant 96 : index
      %parallel_loop3A_462 = tpu.vector_load %arg13[%parallel_loop3A_459, %parallel_loop3A_460, %parallel_loop3A_461] {strides = array<i32>} : memref<2x128x128xf32, #tpu.memory_space<vmem>>, vector<16xf32>,
      %parallel_loop3A_463 = arith.mulf %parallel_loop3A_437, %parallel_loop3A_457 : vector<16xf32>
      %parallel_loop3A_464 = arith.mulf %parallel_loop3A_442, %parallel_loop3A_462 : vector<16xf32>
      %parallel_loop3A_465 = arith.subf %parallel_loop3A_463, %parallel_loop3A_464 : vector<16xf32>
      %parallel_loop3A_466 = arith.subf %parallel_loop3A_465, %parallel_loop3A_447 : vector<16xf32>
      %parallel_loop3A_467 = arith.mulf %parallel_loop3A_437, %parallel_loop3A_462 : vector<16xf32>
      %parallel_loop3A_468 = arith.mulf %parallel_loop3A_442, %parallel_loop3A_457 : vector<16xf32>
      %parallel_loop3A_469 = arith.addf %parallel_loop3A_467, %parallel_loop3A_468 : vector<16xf32>
      %parallel_loop3A_470 = arith.subf %parallel_loop3A_469, %parallel_loop3A_452 : vector<16xf32>
      %parallel_loop3A_471 = arith.mulf %parallel_loop3A_466, %parallel_loop3A_466 : vector<16xf32>
      %parallel_loop3A_472 = arith.mulf %parallel_loop3A_470, %parallel_loop3A_470 : vector<16xf32>
      %parallel_loop3A_473 = arith.addf %parallel_loop3A_471, %parallel_loop3A_472 : vector<16xf32>
      %parallel_loop3A_474 = arith.addf %parallel_loop3A_432, %parallel_loop3A_473 : vector<16xf32>
      %parallel_loop3A_475 = arith.constant 1 : i32
      %parallel_loop3A_476 = arith.index_cast %parallel_loop3A_475 : i32 to index
      %parallel_loop3A_477 = arith.index_cast %parallel_loop3A_349 : i32 to index
      %parallel_loop3A_478 = arith.constant 48 : index
      %parallel_loop3A_479 = tpu.vector_load %arg11[%parallel_loop3A_476, %parallel_loop3A_477, %parallel_loop3A_478] {strides = array<i32>} : memref<2x128x128xf32, #tpu.memory_space<vmem>>, vector<16xf32>,
      %parallel_loop3A_480 = arith.constant 1 : i32
      %parallel_loop3A_481 = arith.index_cast %parallel_loop3A_480 : i32 to index
      %parallel_loop3A_482 = arith.index_cast %parallel_loop3A_349 : i32 to index
      %parallel_loop3A_483 = arith.constant 112 : index
      %parallel_loop3A_484 = tpu.vector_load %arg11[%parallel_loop3A_481, %parallel_loop3A_482, %parallel_loop3A_483] {strides = array<i32>} : memref<2x128x128xf32, #tpu.memory_space<vmem>>, vector<16xf32>,
      %parallel_loop3A_485 = arith.constant 1 : i32
      %parallel_loop3A_486 = arith.index_cast %parallel_loop3A_485 : i32 to index
      %parallel_loop3A_487 = arith.index_cast %parallel_loop3A_349 : i32 to index
      %parallel_loop3A_488 = arith.constant 48 : index
      %parallel_loop3A_489 = tpu.vector_load %arg12[%parallel_loop3A_486, %parallel_loop3A_487, %parallel_loop3A_488] {strides = array<i32>} : memref<2x128x128xf32, #tpu.memory_space<vmem>>, vector<16xf32>,
      %parallel_loop3A_490 = arith.constant 1 : i32
      %parallel_loop3A_491 = arith.index_cast %parallel_loop3A_490 : i32 to index
      %parallel_loop3A_492 = arith.index_cast %parallel_loop3A_349 : i32 to index
      %parallel_loop3A_493 = arith.constant 112 : index
      %parallel_loop3A_494 = tpu.vector_load %arg12[%parallel_loop3A_491, %parallel_loop3A_492, %parallel_loop3A_493] {strides = array<i32>} : memref<2x128x128xf32, #tpu.memory_space<vmem>>, vector<16xf32>,
      %parallel_loop3A_495 = arith.constant 1 : i32
      %parallel_loop3A_496 = arith.index_cast %parallel_loop3A_495 : i32 to index
      %parallel_loop3A_497 = arith.index_cast %parallel_loop3A_349 : i32 to index
      %parallel_loop3A_498 = arith.constant 48 : index
      %parallel_loop3A_499 = tpu.vector_load %arg13[%parallel_loop3A_496, %parallel_loop3A_497, %parallel_loop3A_498] {strides = array<i32>} : memref<2x128x128xf32, #tpu.memory_space<vmem>>, vector<16xf32>,
      %parallel_loop3A_500 = arith.constant 1 : i32
      %parallel_loop3A_501 = arith.index_cast %parallel_loop3A_500 : i32 to index
      %parallel_loop3A_502 = arith.index_cast %parallel_loop3A_349 : i32 to index
      %parallel_loop3A_503 = arith.constant 112 : index
      %parallel_loop3A_504 = tpu.vector_load %arg13[%parallel_loop3A_501, %parallel_loop3A_502, %parallel_loop3A_503] {strides = array<i32>} : memref<2x128x128xf32, #tpu.memory_space<vmem>>, vector<16xf32>,
      %parallel_loop3A_505 = arith.mulf %parallel_loop3A_479, %parallel_loop3A_499 : vector<16xf32>
      %parallel_loop3A_506 = arith.mulf %parallel_loop3A_484, %parallel_loop3A_504 : vector<16xf32>
      %parallel_loop3A_507 = arith.subf %parallel_loop3A_505, %parallel_loop3A_506 : vector<16xf32>
      %parallel_loop3A_508 = arith.subf %parallel_loop3A_507, %parallel_loop3A_489 : vector<16xf32>
      %parallel_loop3A_509 = arith.mulf %parallel_loop3A_479, %parallel_loop3A_504 : vector<16xf32>
      %parallel_loop3A_510 = arith.mulf %parallel_loop3A_484, %parallel_loop3A_499 : vector<16xf32>
      %parallel_loop3A_511 = arith.addf %parallel_loop3A_509, %parallel_loop3A_510 : vector<16xf32>
      %parallel_loop3A_512 = arith.subf %parallel_loop3A_511, %parallel_loop3A_494 : vector<16xf32>
      %parallel_loop3A_513 = arith.mulf %parallel_loop3A_508, %parallel_loop3A_508 : vector<16xf32>
      %parallel_loop3A_514 = arith.mulf %parallel_loop3A_512, %parallel_loop3A_512 : vector<16xf32>
      %parallel_loop3A_515 = arith.addf %parallel_loop3A_513, %parallel_loop3A_514 : vector<16xf32>
      %parallel_loop3A_516 = arith.addf %parallel_loop3A_474, %parallel_loop3A_515 : vector<16xf32>
      %parallel_loop3A_517 = arith.constant true
      %parallel_loop3A_518 = vector.broadcast %parallel_loop3A_517 : i1 to vector<16xi1>
      %parallel_loop3A_519 = tpu.scan <sum>, %parallel_loop3A_516 masked %parallel_loop3A_518 : vector<16xf32>, vector<16xi1> -> vector<16xf32>
      %parallel_loop3A_520 = arith.constant 128 : i32
      %parallel_loop3A_521 = arith.addi %parallel_loop3A_520, %parallel_loop3A_349 : i32
      %parallel_loop3A_522 = arith.index_cast %parallel_loop3A_521 : i32 to index
      %parallel_loop3A_523 = tpu.vector_load %arg14[%parallel_loop3A_522] masked %eq3A_223 {strides = array<i32>} : memref<528xf32, #tpu.memory_space<vmem>>, vector<16xf32>, vector<16xi1>
      tpu.vector_store %arg14[%parallel_loop3A_522], %parallel_loop3A_519 masked %eq3A_223 {strides = array<i32>} : memref<528xf32, #tpu.memory_space<vmem>>, vector<16xf32>, vector<16xi1>
    } {sc.loop_unroll_factor = 2 : i64, sc.parallel_access}
    %dma_start3A_227 = arith.constant 3 : i32
    %dma_start3A_228 = arith.constant 1 : i32
    %dma_start3A_229 = arith.constant 0 : i32
    %dma_start3A_230 = arith.constant 0 : i32
    %dma_start3A_231 = tpu.memref_slice %arg11[%dma_start3A_228, %dma_start3A_229, %dma_start3A_230] : memref<2x128x128xf32, #tpu.memory_space<vmem>> -> memref<1x128x128xf32, #tpu.memory_space<vmem>>
    %dma_start3A_232 = tpu.memref_squeeze %dma_start3A_231 : memref<1x128x128xf32, #tpu.memory_space<vmem>> -> memref<128x128xf32, #tpu.memory_space<vmem>>
    %dma_start3A_233 = arith.constant 0 : i32
    %dma_start3A_234 = tpu.memref_slice %arg8[%dma_start3A_227, %dma_start3A_233] : memref<4x128xi32, #tpu.memory_space<vmem>> -> memref<1x128xi32, #tpu.memory_space<vmem>>
    %dma_start3A_235 = tpu.memref_squeeze %dma_start3A_234 : memref<1x128xi32, #tpu.memory_space<vmem>> -> memref<128xi32, #tpu.memory_space<vmem>>
    %dma_start3A_236 = arith.constant 0 : i32
    %dma_start3A_237 = arith.constant 0 : i32
    %dma_start3A_238 = tpu.memref_slice %arg5[%dma_start3A_236, %dma_start3A_237] : memref<1000000x128xf32, #tpu.memory_space<hbm>> -> memref<1000000x128xf32, #tpu.memory_space<hbm>>
    tpu.enqueue_indirect_dma source(%dma_start3A_238 : memref<1000000x128xf32, #tpu.memory_space<hbm>>) target(%dma_start3A_232 : memref<128x128xf32, #tpu.memory_space<vmem>>) offsets(%dma_start3A_235 : memref<128xi32, #tpu.memory_space<vmem>>) semaphore(%arg16 : memref<!tpu.dma_semaphore, #tpu.memory_space<semaphore_mem>>)
    %dma_start3A_239 = arith.constant 3 : i32
    %dma_start3A_240 = arith.constant 1 : i32
    %dma_start3A_241 = arith.constant 0 : i32
    %dma_start3A_242 = arith.constant 0 : i32
    %dma_start3A_243 = tpu.memref_slice %arg12[%dma_start3A_240, %dma_start3A_241, %dma_start3A_242] : memref<2x128x128xf32, #tpu.memory_space<vmem>> -> memref<1x128x128xf32, #tpu.memory_space<vmem>>
    %dma_start3A_244 = tpu.memref_squeeze %dma_start3A_243 : memref<1x128x128xf32, #tpu.memory_space<vmem>> -> memref<128x128xf32, #tpu.memory_space<vmem>>
    %dma_start3A_245 = arith.constant 0 : i32
    %dma_start3A_246 = tpu.memref_slice %arg10[%dma_start3A_239, %dma_start3A_245] : memref<4x128xi32, #tpu.memory_space<vmem>> -> memref<1x128xi32, #tpu.memory_space<vmem>>
    %dma_start3A_247 = tpu.memref_squeeze %dma_start3A_246 : memref<1x128xi32, #tpu.memory_space<vmem>> -> memref<128xi32, #tpu.memory_space<vmem>>
    %dma_start3A_248 = arith.constant 0 : i32
    %dma_start3A_249 = arith.constant 0 : i32
    %dma_start3A_250 = tpu.memref_slice %arg5[%dma_start3A_248, %dma_start3A_249] : memref<1000000x128xf32, #tpu.memory_space<hbm>> -> memref<1000000x128xf32, #tpu.memory_space<hbm>>
    tpu.enqueue_indirect_dma source(%dma_start3A_250 : memref<1000000x128xf32, #tpu.memory_space<hbm>>) target(%dma_start3A_244 : memref<128x128xf32, #tpu.memory_space<vmem>>) offsets(%dma_start3A_247 : memref<128xi32, #tpu.memory_space<vmem>>) semaphore(%arg16 : memref<!tpu.dma_semaphore, #tpu.memory_space<semaphore_mem>>)
    %dma_start3A_251 = arith.constant 3 : i32
    %dma_start3A_252 = arith.constant 1 : i32
    %dma_start3A_253 = arith.constant 0 : i32
    %dma_start3A_254 = arith.constant 0 : i32
    %dma_start3A_255 = tpu.memref_slice %arg13[%dma_start3A_252, %dma_start3A_253, %dma_start3A_254] : memref<2x128x128xf32, #tpu.memory_space<vmem>> -> memref<1x128x128xf32, #tpu.memory_space<vmem>>
    %dma_start3A_256 = tpu.memref_squeeze %dma_start3A_255 : memref<1x128x128xf32, #tpu.memory_space<vmem>> -> memref<128x128xf32, #tpu.memory_space<vmem>>
    %dma_start3A_257 = arith.constant 0 : i32
    %dma_start3A_258 = tpu.memref_slice %arg9[%dma_start3A_251, %dma_start3A_257] : memref<4x128xi32, #tpu.memory_space<vmem>> -> memref<1x128xi32, #tpu.memory_space<vmem>>
    %dma_start3A_259 = tpu.memref_squeeze %dma_start3A_258 : memref<1x128xi32, #tpu.memory_space<vmem>> -> memref<128xi32, #tpu.memory_space<vmem>>
    %dma_start3A_260 = arith.constant 0 : i32
    %dma_start3A_261 = arith.constant 0 : i32
    %dma_start3A_262 = tpu.memref_slice %arg6[%dma_start3A_260, %dma_start3A_261] : memref<1000x128xf32, #tpu.memory_space<hbm>> -> memref<1000x128xf32, #tpu.memory_space<hbm>>
    tpu.enqueue_indirect_dma source(%dma_start3A_262 : memref<1000x128xf32, #tpu.memory_space<hbm>>) target(%dma_start3A_256 : memref<128x128xf32, #tpu.memory_space<vmem>>) offsets(%dma_start3A_259 : memref<128xi32, #tpu.memory_space<vmem>>) semaphore(%arg16 : memref<!tpu.dma_semaphore, #tpu.memory_space<semaphore_mem>>)
    %dma_wait3A_263 = arith.constant 2 : i32
    %dma_wait3A_264 = arith.constant 0 : i32
    %dma_wait3A_265 = arith.constant 0 : i32
    %dma_wait3A_266 = arith.constant 0 : i32
    %dma_wait3A_267 = tpu.memref_slice %arg11[%dma_wait3A_264, %dma_wait3A_265, %dma_wait3A_266] : memref<2x128x128xf32, #tpu.memory_space<vmem>> -> memref<1x128x128xf32, #tpu.memory_space<vmem>>
    %dma_wait3A_268 = tpu.memref_squeeze %dma_wait3A_267 : memref<1x128x128xf32, #tpu.memory_space<vmem>> -> memref<128x128xf32, #tpu.memory_space<vmem>>
    %dma_wait3A_269 = arith.constant 0 : i32
    %dma_wait3A_270 = tpu.memref_slice %arg8[%dma_wait3A_263, %dma_wait3A_269] : memref<4x128xi32, #tpu.memory_space<vmem>> -> memref<1x128xi32, #tpu.memory_space<vmem>>
    %dma_wait3A_271 = tpu.memref_squeeze %dma_wait3A_270 : memref<1x128xi32, #tpu.memory_space<vmem>> -> memref<128xi32, #tpu.memory_space<vmem>>
    %dma_wait3A_272 = arith.constant 0 : i32
    %dma_wait3A_273 = arith.constant 0 : i32
    %dma_wait3A_274 = tpu.memref_slice %arg5[%dma_wait3A_272, %dma_wait3A_273] : memref<1000000x128xf32, #tpu.memory_space<hbm>> -> memref<1000000x128xf32, #tpu.memory_space<hbm>>
    tpu.wait_indirect_dma semaphore(%arg15 : memref<!tpu.dma_semaphore, #tpu.memory_space<semaphore_mem>>) src(%dma_wait3A_274 : memref<1000000x128xf32, #tpu.memory_space<hbm>>) dst(%dma_wait3A_268 : memref<128x128xf32, #tpu.memory_space<vmem>>)
    %dma_wait3A_275 = arith.constant 2 : i32
    %dma_wait3A_276 = arith.constant 0 : i32
    %dma_wait3A_277 = arith.constant 0 : i32
    %dma_wait3A_278 = arith.constant 0 : i32
    %dma_wait3A_279 = tpu.memref_slice %arg12[%dma_wait3A_276, %dma_wait3A_277, %dma_wait3A_278] : memref<2x128x128xf32, #tpu.memory_space<vmem>> -> memref<1x128x128xf32, #tpu.memory_space<vmem>>
    %dma_wait3A_280 = tpu.memref_squeeze %dma_wait3A_279 : memref<1x128x128xf32, #tpu.memory_space<vmem>> -> memref<128x128xf32, #tpu.memory_space<vmem>>
    %dma_wait3A_281 = arith.constant 0 : i32
    %dma_wait3A_282 = tpu.memref_slice %arg10[%dma_wait3A_275, %dma_wait3A_281] : memref<4x128xi32, #tpu.memory_space<vmem>> -> memref<1x128xi32, #tpu.memory_space<vmem>>
    %dma_wait3A_283 = tpu.memref_squeeze %dma_wait3A_282 : memref<1x128xi32, #tpu.memory_space<vmem>> -> memref<128xi32, #tpu.memory_space<vmem>>
    %dma_wait3A_284 = arith.constant 0 : i32
    %dma_wait3A_285 = arith.constant 0 : i32
    %dma_wait3A_286 = tpu.memref_slice %arg5[%dma_wait3A_284, %dma_wait3A_285] : memref<1000000x128xf32, #tpu.memory_space<hbm>> -> memref<1000000x128xf32, #tpu.memory_space<hbm>>
    tpu.wait_indirect_dma semaphore(%arg15 : memref<!tpu.dma_semaphore, #tpu.memory_space<semaphore_mem>>) src(%dma_wait3A_286 : memref<1000000x128xf32, #tpu.memory_space<hbm>>) dst(%dma_wait3A_280 : memref<128x128xf32, #tpu.memory_space<vmem>>)
    %dma_wait3A_287 = arith.constant 2 : i32
    %dma_wait3A_288 = arith.constant 0 : i32
    %dma_wait3A_289 = arith.constant 0 : i32
    %dma_wait3A_290 = arith.constant 0 : i32
    %dma_wait3A_291 = tpu.memref_slice %arg13[%dma_wait3A_288, %dma_wait3A_289, %dma_wait3A_290] : memref<2x128x128xf32, #tpu.memory_space<vmem>> -> memref<1x128x128xf32, #tpu.memory_space<vmem>>
    %dma_wait3A_292 = tpu.memref_squeeze %dma_wait3A_291 : memref<1x128x128xf32, #tpu.memory_space<vmem>> -> memref<128x128xf32, #tpu.memory_space<vmem>>
    %dma_wait3A_293 = arith.constant 0 : i32
    %dma_wait3A_294 = tpu.memref_slice %arg9[%dma_wait3A_287, %dma_wait3A_293] : memref<4x128xi32, #tpu.memory_space<vmem>> -> memref<1x128xi32, #tpu.memory_space<vmem>>
    %dma_wait3A_295 = tpu.memref_squeeze %dma_wait3A_294 : memref<1x128xi32, #tpu.memory_space<vmem>> -> memref<128xi32, #tpu.memory_space<vmem>>
    %dma_wait3A_296 = arith.constant 0 : i32
    %dma_wait3A_297 = arith.constant 0 : i32
    %dma_wait3A_298 = tpu.memref_slice %arg6[%dma_wait3A_296, %dma_wait3A_297] : memref<1000x128xf32, #tpu.memory_space<hbm>> -> memref<1000x128xf32, #tpu.memory_space<hbm>>
    tpu.wait_indirect_dma semaphore(%arg15 : memref<!tpu.dma_semaphore, #tpu.memory_space<semaphore_mem>>) src(%dma_wait3A_298 : memref<1000x128xf32, #tpu.memory_space<hbm>>) dst(%dma_wait3A_292 : memref<128x128xf32, #tpu.memory_space<vmem>>)
    %iota3A_299 = tpu.iota {dimensions = array<i32: 0>} : vector<16xi32>
    %eq3A_300 = arith.constant 15 : i32
    %eq3A_301 = vector.broadcast %eq3A_300 : i32 to vector<16xi32>
    %eq3A_302 = arith.cmpi eq, %iota3A_299, %eq3A_301 : vector<16xi32>
    %parallel_loop3A_303 = arith.constant 0 : i32
    %parallel_loop3A_304 = arith.constant 128 : i32
    %parallel_loop3A_305 = arith.constant 1 : i32
    scf.for %parallel_loop3A_349 = %parallel_loop3A_303 to %parallel_loop3A_304 step %parallel_loop3A_305  : i32 {
      %parallel_loop3A_350 = arith.constant 0 : i32
      %parallel_loop3A_351 = arith.index_cast %parallel_loop3A_350 : i32 to index
      %parallel_loop3A_352 = arith.index_cast %parallel_loop3A_349 : i32 to index
      %parallel_loop3A_353 = arith.constant 0 : index
      %parallel_loop3A_354 = tpu.vector_load %arg11[%parallel_loop3A_351, %parallel_loop3A_352, %parallel_loop3A_353] {strides = array<i32>} : memref<2x128x128xf32, #tpu.memory_space<vmem>>, vector<16xf32>,
      %parallel_loop3A_355 = arith.constant 0 : i32
      %parallel_loop3A_356 = arith.index_cast %parallel_loop3A_355 : i32 to index
      %parallel_loop3A_357 = arith.index_cast %parallel_loop3A_349 : i32 to index
      %parallel_loop3A_358 = arith.constant 64 : index
      %parallel_loop3A_359 = tpu.vector_load %arg11[%parallel_loop3A_356, %parallel_loop3A_357, %parallel_loop3A_358] {strides = array<i32>} : memref<2x128x128xf32, #tpu.memory_space<vmem>>, vector<16xf32>,
      %parallel_loop3A_360 = arith.constant 0 : i32
      %parallel_loop3A_361 = arith.index_cast %parallel_loop3A_360 : i32 to index
      %parallel_loop3A_362 = arith.index_cast %parallel_loop3A_349 : i32 to index
      %parallel_loop3A_363 = arith.constant 0 : index
      %parallel_loop3A_364 = tpu.vector_load %arg12[%parallel_loop3A_361, %parallel_loop3A_362, %parallel_loop3A_363] {strides = array<i32>} : memref<2x128x128xf32, #tpu.memory_space<vmem>>, vector<16xf32>,
      %parallel_loop3A_365 = arith.constant 0 : i32
      %parallel_loop3A_366 = arith.index_cast %parallel_loop3A_365 : i32 to index
      %parallel_loop3A_367 = arith.index_cast %parallel_loop3A_349 : i32 to index
      %parallel_loop3A_368 = arith.constant 64 : index
      %parallel_loop3A_369 = tpu.vector_load %arg12[%parallel_loop3A_366, %parallel_loop3A_367, %parallel_loop3A_368] {strides = array<i32>} : memref<2x128x128xf32, #tpu.memory_space<vmem>>, vector<16xf32>,
      %parallel_loop3A_370 = arith.constant 0 : i32
      %parallel_loop3A_371 = arith.index_cast %parallel_loop3A_370 : i32 to index
      %parallel_loop3A_372 = arith.index_cast %parallel_loop3A_349 : i32 to index
      %parallel_loop3A_373 = arith.constant 0 : index
      %parallel_loop3A_374 = tpu.vector_load %arg13[%parallel_loop3A_371, %parallel_loop3A_372, %parallel_loop3A_373] {strides = array<i32>} : memref<2x128x128xf32, #tpu.memory_space<vmem>>, vector<16xf32>,
      %parallel_loop3A_375 = arith.constant 0 : i32
      %parallel_loop3A_376 = arith.index_cast %parallel_loop3A_375 : i32 to index
      %parallel_loop3A_377 = arith.index_cast %parallel_loop3A_349 : i32 to index
      %parallel_loop3A_378 = arith.constant 64 : index
      %parallel_loop3A_379 = tpu.vector_load %arg13[%parallel_loop3A_376, %parallel_loop3A_377, %parallel_loop3A_378] {strides = array<i32>} : memref<2x128x128xf32, #tpu.memory_space<vmem>>, vector<16xf32>,
      %parallel_loop3A_380 = arith.mulf %parallel_loop3A_354, %parallel_loop3A_374 : vector<16xf32>
      %parallel_loop3A_381 = arith.mulf %parallel_loop3A_359, %parallel_loop3A_379 : vector<16xf32>
      %parallel_loop3A_382 = arith.subf %parallel_loop3A_380, %parallel_loop3A_381 : vector<16xf32>
      %parallel_loop3A_383 = arith.subf %parallel_loop3A_382, %parallel_loop3A_364 : vector<16xf32>
      %parallel_loop3A_384 = arith.mulf %parallel_loop3A_354, %parallel_loop3A_379 : vector<16xf32>
      %parallel_loop3A_385 = arith.mulf %parallel_loop3A_359, %parallel_loop3A_374 : vector<16xf32>
      %parallel_loop3A_386 = arith.addf %parallel_loop3A_384, %parallel_loop3A_385 : vector<16xf32>
      %parallel_loop3A_387 = arith.subf %parallel_loop3A_386, %parallel_loop3A_369 : vector<16xf32>
      %parallel_loop3A_388 = arith.mulf %parallel_loop3A_383, %parallel_loop3A_383 : vector<16xf32>
      %parallel_loop3A_389 = arith.mulf %parallel_loop3A_387, %parallel_loop3A_387 : vector<16xf32>
      %parallel_loop3A_390 = arith.addf %parallel_loop3A_388, %parallel_loop3A_389 : vector<16xf32>
      %parallel_loop3A_391 = arith.constant 0 : i32
      %parallel_loop3A_392 = arith.index_cast %parallel_loop3A_391 : i32 to index
      %parallel_loop3A_393 = arith.index_cast %parallel_loop3A_349 : i32 to index
      %parallel_loop3A_394 = arith.constant 16 : index
      %parallel_loop3A_395 = tpu.vector_load %arg11[%parallel_loop3A_392, %parallel_loop3A_393, %parallel_loop3A_394] {strides = array<i32>} : memref<2x128x128xf32, #tpu.memory_space<vmem>>, vector<16xf32>,
      %parallel_loop3A_396 = arith.constant 0 : i32
      %parallel_loop3A_397 = arith.index_cast %parallel_loop3A_396 : i32 to index
      %parallel_loop3A_398 = arith.index_cast %parallel_loop3A_349 : i32 to index
      %parallel_loop3A_399 = arith.constant 80 : index
      %parallel_loop3A_400 = tpu.vector_load %arg11[%parallel_loop3A_397, %parallel_loop3A_398, %parallel_loop3A_399] {strides = array<i32>} : memref<2x128x128xf32, #tpu.memory_space<vmem>>, vector<16xf32>,
      %parallel_loop3A_401 = arith.constant 0 : i32
      %parallel_loop3A_402 = arith.index_cast %parallel_loop3A_401 : i32 to index
      %parallel_loop3A_403 = arith.index_cast %parallel_loop3A_349 : i32 to index
      %parallel_loop3A_404 = arith.constant 16 : index
      %parallel_loop3A_405 = tpu.vector_load %arg12[%parallel_loop3A_402, %parallel_loop3A_403, %parallel_loop3A_404] {strides = array<i32>} : memref<2x128x128xf32, #tpu.memory_space<vmem>>, vector<16xf32>,
      %parallel_loop3A_406 = arith.constant 0 : i32
      %parallel_loop3A_407 = arith.index_cast %parallel_loop3A_406 : i32 to index
      %parallel_loop3A_408 = arith.index_cast %parallel_loop3A_349 : i32 to index
      %parallel_loop3A_409 = arith.constant 80 : index
      %parallel_loop3A_410 = tpu.vector_load %arg12[%parallel_loop3A_407, %parallel_loop3A_408, %parallel_loop3A_409] {strides = array<i32>} : memref<2x128x128xf32, #tpu.memory_space<vmem>>, vector<16xf32>,
      %parallel_loop3A_411 = arith.constant 0 : i32
      %parallel_loop3A_412 = arith.index_cast %parallel_loop3A_411 : i32 to index
      %parallel_loop3A_413 = arith.index_cast %parallel_loop3A_349 : i32 to index
      %parallel_loop3A_414 = arith.constant 16 : index
      %parallel_loop3A_415 = tpu.vector_load %arg13[%parallel_loop3A_412, %parallel_loop3A_413, %parallel_loop3A_414] {strides = array<i32>} : memref<2x128x128xf32, #tpu.memory_space<vmem>>, vector<16xf32>,
      %parallel_loop3A_416 = arith.constant 0 : i32
      %parallel_loop3A_417 = arith.index_cast %parallel_loop3A_416 : i32 to index
      %parallel_loop3A_418 = arith.index_cast %parallel_loop3A_349 : i32 to index
      %parallel_loop3A_419 = arith.constant 80 : index
      %parallel_loop3A_420 = tpu.vector_load %arg13[%parallel_loop3A_417, %parallel_loop3A_418, %parallel_loop3A_419] {strides = array<i32>} : memref<2x128x128xf32, #tpu.memory_space<vmem>>, vector<16xf32>,
      %parallel_loop3A_421 = arith.mulf %parallel_loop3A_395, %parallel_loop3A_415 : vector<16xf32>
      %parallel_loop3A_422 = arith.mulf %parallel_loop3A_400, %parallel_loop3A_420 : vector<16xf32>
      %parallel_loop3A_423 = arith.subf %parallel_loop3A_421, %parallel_loop3A_422 : vector<16xf32>
      %parallel_loop3A_424 = arith.subf %parallel_loop3A_423, %parallel_loop3A_405 : vector<16xf32>
      %parallel_loop3A_425 = arith.mulf %parallel_loop3A_395, %parallel_loop3A_420 : vector<16xf32>
      %parallel_loop3A_426 = arith.mulf %parallel_loop3A_400, %parallel_loop3A_415 : vector<16xf32>
      %parallel_loop3A_427 = arith.addf %parallel_loop3A_425, %parallel_loop3A_426 : vector<16xf32>
      %parallel_loop3A_428 = arith.subf %parallel_loop3A_427, %parallel_loop3A_410 : vector<16xf32>
      %parallel_loop3A_429 = arith.mulf %parallel_loop3A_424, %parallel_loop3A_424 : vector<16xf32>
      %parallel_loop3A_430 = arith.mulf %parallel_loop3A_428, %parallel_loop3A_428 : vector<16xf32>
      %parallel_loop3A_431 = arith.addf %parallel_loop3A_429, %parallel_loop3A_430 : vector<16xf32>
      %parallel_loop3A_432 = arith.addf %parallel_loop3A_390, %parallel_loop3A_431 : vector<16xf32>
      %parallel_loop3A_433 = arith.constant 0 : i32
      %parallel_loop3A_434 = arith.index_cast %parallel_loop3A_433 : i32 to index
      %parallel_loop3A_435 = arith.index_cast %parallel_loop3A_349 : i32 to index
      %parallel_loop3A_436 = arith.constant 32 : index
      %parallel_loop3A_437 = tpu.vector_load %arg11[%parallel_loop3A_434, %parallel_loop3A_435, %parallel_loop3A_436] {strides = array<i32>} : memref<2x128x128xf32, #tpu.memory_space<vmem>>, vector<16xf32>,
      %parallel_loop3A_438 = arith.constant 0 : i32
      %parallel_loop3A_439 = arith.index_cast %parallel_loop3A_438 : i32 to index
      %parallel_loop3A_440 = arith.index_cast %parallel_loop3A_349 : i32 to index
      %parallel_loop3A_441 = arith.constant 96 : index
      %parallel_loop3A_442 = tpu.vector_load %arg11[%parallel_loop3A_439, %parallel_loop3A_440, %parallel_loop3A_441] {strides = array<i32>} : memref<2x128x128xf32, #tpu.memory_space<vmem>>, vector<16xf32>,
      %parallel_loop3A_443 = arith.constant 0 : i32
      %parallel_loop3A_444 = arith.index_cast %parallel_loop3A_443 : i32 to index
      %parallel_loop3A_445 = arith.index_cast %parallel_loop3A_349 : i32 to index
      %parallel_loop3A_446 = arith.constant 32 : index
      %parallel_loop3A_447 = tpu.vector_load %arg12[%parallel_loop3A_444, %parallel_loop3A_445, %parallel_loop3A_446] {strides = array<i32>} : memref<2x128x128xf32, #tpu.memory_space<vmem>>, vector<16xf32>,
      %parallel_loop3A_448 = arith.constant 0 : i32
      %parallel_loop3A_449 = arith.index_cast %parallel_loop3A_448 : i32 to index
      %parallel_loop3A_450 = arith.index_cast %parallel_loop3A_349 : i32 to index
      %parallel_loop3A_451 = arith.constant 96 : index
      %parallel_loop3A_452 = tpu.vector_load %arg12[%parallel_loop3A_449, %parallel_loop3A_450, %parallel_loop3A_451] {strides = array<i32>} : memref<2x128x128xf32, #tpu.memory_space<vmem>>, vector<16xf32>,
      %parallel_loop3A_453 = arith.constant 0 : i32
      %parallel_loop3A_454 = arith.index_cast %parallel_loop3A_453 : i32 to index
      %parallel_loop3A_455 = arith.index_cast %parallel_loop3A_349 : i32 to index
      %parallel_loop3A_456 = arith.constant 32 : index
      %parallel_loop3A_457 = tpu.vector_load %arg13[%parallel_loop3A_454, %parallel_loop3A_455, %parallel_loop3A_456] {strides = array<i32>} : memref<2x128x128xf32, #tpu.memory_space<vmem>>, vector<16xf32>,
      %parallel_loop3A_458 = arith.constant 0 : i32
      %parallel_loop3A_459 = arith.index_cast %parallel_loop3A_458 : i32 to index
      %parallel_loop3A_460 = arith.index_cast %parallel_loop3A_349 : i32 to index
      %parallel_loop3A_461 = arith.constant 96 : index
      %parallel_loop3A_462 = tpu.vector_load %arg13[%parallel_loop3A_459, %parallel_loop3A_460, %parallel_loop3A_461] {strides = array<i32>} : memref<2x128x128xf32, #tpu.memory_space<vmem>>, vector<16xf32>,
      %parallel_loop3A_463 = arith.mulf %parallel_loop3A_437, %parallel_loop3A_457 : vector<16xf32>
      %parallel_loop3A_464 = arith.mulf %parallel_loop3A_442, %parallel_loop3A_462 : vector<16xf32>
      %parallel_loop3A_465 = arith.subf %parallel_loop3A_463, %parallel_loop3A_464 : vector<16xf32>
      %parallel_loop3A_466 = arith.subf %parallel_loop3A_465, %parallel_loop3A_447 : vector<16xf32>
      %parallel_loop3A_467 = arith.mulf %parallel_loop3A_437, %parallel_loop3A_462 : vector<16xf32>
      %parallel_loop3A_468 = arith.mulf %parallel_loop3A_442, %parallel_loop3A_457 : vector<16xf32>
      %parallel_loop3A_469 = arith.addf %parallel_loop3A_467, %parallel_loop3A_468 : vector<16xf32>
      %parallel_loop3A_470 = arith.subf %parallel_loop3A_469, %parallel_loop3A_452 : vector<16xf32>
      %parallel_loop3A_471 = arith.mulf %parallel_loop3A_466, %parallel_loop3A_466 : vector<16xf32>
      %parallel_loop3A_472 = arith.mulf %parallel_loop3A_470, %parallel_loop3A_470 : vector<16xf32>
      %parallel_loop3A_473 = arith.addf %parallel_loop3A_471, %parallel_loop3A_472 : vector<16xf32>
      %parallel_loop3A_474 = arith.addf %parallel_loop3A_432, %parallel_loop3A_473 : vector<16xf32>
      %parallel_loop3A_475 = arith.constant 0 : i32
      %parallel_loop3A_476 = arith.index_cast %parallel_loop3A_475 : i32 to index
      %parallel_loop3A_477 = arith.index_cast %parallel_loop3A_349 : i32 to index
      %parallel_loop3A_478 = arith.constant 48 : index
      %parallel_loop3A_479 = tpu.vector_load %arg11[%parallel_loop3A_476, %parallel_loop3A_477, %parallel_loop3A_478] {strides = array<i32>} : memref<2x128x128xf32, #tpu.memory_space<vmem>>, vector<16xf32>,
      %parallel_loop3A_480 = arith.constant 0 : i32
      %parallel_loop3A_481 = arith.index_cast %parallel_loop3A_480 : i32 to index
      %parallel_loop3A_482 = arith.index_cast %parallel_loop3A_349 : i32 to index
      %parallel_loop3A_483 = arith.constant 112 : index
      %parallel_loop3A_484 = tpu.vector_load %arg11[%parallel_loop3A_481, %parallel_loop3A_482, %parallel_loop3A_483] {strides = array<i32>} : memref<2x128x128xf32, #tpu.memory_space<vmem>>, vector<16xf32>,
      %parallel_loop3A_485 = arith.constant 0 : i32
      %parallel_loop3A_486 = arith.index_cast %parallel_loop3A_485 : i32 to index
      %parallel_loop3A_487 = arith.index_cast %parallel_loop3A_349 : i32 to index
      %parallel_loop3A_488 = arith.constant 48 : index
      %parallel_loop3A_489 = tpu.vector_load %arg12[%parallel_loop3A_486, %parallel_loop3A_487, %parallel_loop3A_488] {strides = array<i32>} : memref<2x128x128xf32, #tpu.memory_space<vmem>>, vector<16xf32>,
      %parallel_loop3A_490 = arith.constant 0 : i32
      %parallel_loop3A_491 = arith.index_cast %parallel_loop3A_490 : i32 to index
      %parallel_loop3A_492 = arith.index_cast %parallel_loop3A_349 : i32 to index
      %parallel_loop3A_493 = arith.constant 112 : index
      %parallel_loop3A_494 = tpu.vector_load %arg12[%parallel_loop3A_491, %parallel_loop3A_492, %parallel_loop3A_493] {strides = array<i32>} : memref<2x128x128xf32, #tpu.memory_space<vmem>>, vector<16xf32>,
      %parallel_loop3A_495 = arith.constant 0 : i32
      %parallel_loop3A_496 = arith.index_cast %parallel_loop3A_495 : i32 to index
      %parallel_loop3A_497 = arith.index_cast %parallel_loop3A_349 : i32 to index
      %parallel_loop3A_498 = arith.constant 48 : index
      %parallel_loop3A_499 = tpu.vector_load %arg13[%parallel_loop3A_496, %parallel_loop3A_497, %parallel_loop3A_498] {strides = array<i32>} : memref<2x128x128xf32, #tpu.memory_space<vmem>>, vector<16xf32>,
      %parallel_loop3A_500 = arith.constant 0 : i32
      %parallel_loop3A_501 = arith.index_cast %parallel_loop3A_500 : i32 to index
      %parallel_loop3A_502 = arith.index_cast %parallel_loop3A_349 : i32 to index
      %parallel_loop3A_503 = arith.constant 112 : index
      %parallel_loop3A_504 = tpu.vector_load %arg13[%parallel_loop3A_501, %parallel_loop3A_502, %parallel_loop3A_503] {strides = array<i32>} : memref<2x128x128xf32, #tpu.memory_space<vmem>>, vector<16xf32>,
      %parallel_loop3A_505 = arith.mulf %parallel_loop3A_479, %parallel_loop3A_499 : vector<16xf32>
      %parallel_loop3A_506 = arith.mulf %parallel_loop3A_484, %parallel_loop3A_504 : vector<16xf32>
      %parallel_loop3A_507 = arith.subf %parallel_loop3A_505, %parallel_loop3A_506 : vector<16xf32>
      %parallel_loop3A_508 = arith.subf %parallel_loop3A_507, %parallel_loop3A_489 : vector<16xf32>
      %parallel_loop3A_509 = arith.mulf %parallel_loop3A_479, %parallel_loop3A_504 : vector<16xf32>
      %parallel_loop3A_510 = arith.mulf %parallel_loop3A_484, %parallel_loop3A_499 : vector<16xf32>
      %parallel_loop3A_511 = arith.addf %parallel_loop3A_509, %parallel_loop3A_510 : vector<16xf32>
      %parallel_loop3A_512 = arith.subf %parallel_loop3A_511, %parallel_loop3A_494 : vector<16xf32>
      %parallel_loop3A_513 = arith.mulf %parallel_loop3A_508, %parallel_loop3A_508 : vector<16xf32>
      %parallel_loop3A_514 = arith.mulf %parallel_loop3A_512, %parallel_loop3A_512 : vector<16xf32>
      %parallel_loop3A_515 = arith.addf %parallel_loop3A_513, %parallel_loop3A_514 : vector<16xf32>
      %parallel_loop3A_516 = arith.addf %parallel_loop3A_474, %parallel_loop3A_515 : vector<16xf32>
      %parallel_loop3A_517 = arith.constant true
      %parallel_loop3A_518 = vector.broadcast %parallel_loop3A_517 : i1 to vector<16xi1>
      %parallel_loop3A_519 = tpu.scan <sum>, %parallel_loop3A_516 masked %parallel_loop3A_518 : vector<16xf32>, vector<16xi1> -> vector<16xf32>
      %parallel_loop3A_520 = arith.constant 256 : i32
      %parallel_loop3A_521 = arith.addi %parallel_loop3A_520, %parallel_loop3A_349 : i32
      %parallel_loop3A_522 = arith.index_cast %parallel_loop3A_521 : i32 to index
      %parallel_loop3A_523 = tpu.vector_load %arg14[%parallel_loop3A_522] masked %eq3A_302 {strides = array<i32>} : memref<528xf32, #tpu.memory_space<vmem>>, vector<16xf32>, vector<16xi1>
      tpu.vector_store %arg14[%parallel_loop3A_522], %parallel_loop3A_519 masked %eq3A_302 {strides = array<i32>} : memref<528xf32, #tpu.memory_space<vmem>>, vector<16xf32>, vector<16xi1>
    } {sc.loop_unroll_factor = 2 : i64, sc.parallel_access}
    %dma_wait3A_306 = arith.constant 3 : i32
    %dma_wait3A_307 = arith.constant 1 : i32
    %dma_wait3A_308 = arith.constant 0 : i32
    %dma_wait3A_309 = arith.constant 0 : i32
    %dma_wait3A_310 = tpu.memref_slice %arg11[%dma_wait3A_307, %dma_wait3A_308, %dma_wait3A_309] : memref<2x128x128xf32, #tpu.memory_space<vmem>> -> memref<1x128x128xf32, #tpu.memory_space<vmem>>
    %dma_wait3A_311 = tpu.memref_squeeze %dma_wait3A_310 : memref<1x128x128xf32, #tpu.memory_space<vmem>> -> memref<128x128xf32, #tpu.memory_space<vmem>>
    %dma_wait3A_312 = arith.constant 0 : i32
    %dma_wait3A_313 = tpu.memref_slice %arg8[%dma_wait3A_306, %dma_wait3A_312] : memref<4x128xi32, #tpu.memory_space<vmem>> -> memref<1x128xi32, #tpu.memory_space<vmem>>
    %dma_wait3A_314 = tpu.memref_squeeze %dma_wait3A_313 : memref<1x128xi32, #tpu.memory_space<vmem>> -> memref<128xi32, #tpu.memory_space<vmem>>
    %dma_wait3A_315 = arith.constant 0 : i32
    %dma_wait3A_316 = arith.constant 0 : i32
    %dma_wait3A_317 = tpu.memref_slice %arg5[%dma_wait3A_315, %dma_wait3A_316] : memref<1000000x128xf32, #tpu.memory_space<hbm>> -> memref<1000000x128xf32, #tpu.memory_space<hbm>>
    tpu.wait_indirect_dma semaphore(%arg16 : memref<!tpu.dma_semaphore, #tpu.memory_space<semaphore_mem>>) src(%dma_wait3A_317 : memref<1000000x128xf32, #tpu.memory_space<hbm>>) dst(%dma_wait3A_311 : memref<128x128xf32, #tpu.memory_space<vmem>>)
    %dma_wait3A_318 = arith.constant 3 : i32
    %dma_wait3A_319 = arith.constant 1 : i32
    %dma_wait3A_320 = arith.constant 0 : i32
    %dma_wait3A_321 = arith.constant 0 : i32
    %dma_wait3A_322 = tpu.memref_slice %arg12[%dma_wait3A_319, %dma_wait3A_320, %dma_wait3A_321] : memref<2x128x128xf32, #tpu.memory_space<vmem>> -> memref<1x128x128xf32, #tpu.memory_space<vmem>>
    %dma_wait3A_323 = tpu.memref_squeeze %dma_wait3A_322 : memref<1x128x128xf32, #tpu.memory_space<vmem>> -> memref<128x128xf32, #tpu.memory_space<vmem>>
    %dma_wait3A_324 = arith.constant 0 : i32
    %dma_wait3A_325 = tpu.memref_slice %arg10[%dma_wait3A_318, %dma_wait3A_324] : memref<4x128xi32, #tpu.memory_space<vmem>> -> memref<1x128xi32, #tpu.memory_space<vmem>>
    %dma_wait3A_326 = tpu.memref_squeeze %dma_wait3A_325 : memref<1x128xi32, #tpu.memory_space<vmem>> -> memref<128xi32, #tpu.memory_space<vmem>>
    %dma_wait3A_327 = arith.constant 0 : i32
    %dma_wait3A_328 = arith.constant 0 : i32
    %dma_wait3A_329 = tpu.memref_slice %arg5[%dma_wait3A_327, %dma_wait3A_328] : memref<1000000x128xf32, #tpu.memory_space<hbm>> -> memref<1000000x128xf32, #tpu.memory_space<hbm>>
    tpu.wait_indirect_dma semaphore(%arg16 : memref<!tpu.dma_semaphore, #tpu.memory_space<semaphore_mem>>) src(%dma_wait3A_329 : memref<1000000x128xf32, #tpu.memory_space<hbm>>) dst(%dma_wait3A_323 : memref<128x128xf32, #tpu.memory_space<vmem>>)
    %dma_wait3A_330 = arith.constant 3 : i32
    %dma_wait3A_331 = arith.constant 1 : i32
    %dma_wait3A_332 = arith.constant 0 : i32
    %dma_wait3A_333 = arith.constant 0 : i32
    %dma_wait3A_334 = tpu.memref_slice %arg13[%dma_wait3A_331, %dma_wait3A_332, %dma_wait3A_333] : memref<2x128x128xf32, #tpu.memory_space<vmem>> -> memref<1x128x128xf32, #tpu.memory_space<vmem>>
    %dma_wait3A_335 = tpu.memref_squeeze %dma_wait3A_334 : memref<1x128x128xf32, #tpu.memory_space<vmem>> -> memref<128x128xf32, #tpu.memory_space<vmem>>
    %dma_wait3A_336 = arith.constant 0 : i32
    %dma_wait3A_337 = tpu.memref_slice %arg9[%dma_wait3A_330, %dma_wait3A_336] : memref<4x128xi32, #tpu.memory_space<vmem>> -> memref<1x128xi32, #tpu.memory_space<vmem>>
    %dma_wait3A_338 = tpu.memref_squeeze %dma_wait3A_337 : memref<1x128xi32, #tpu.memory_space<vmem>> -> memref<128xi32, #tpu.memory_space<vmem>>
    %dma_wait3A_339 = arith.constant 0 : i32
    %dma_wait3A_340 = arith.constant 0 : i32
    %dma_wait3A_341 = tpu.memref_slice %arg6[%dma_wait3A_339, %dma_wait3A_340] : memref<1000x128xf32, #tpu.memory_space<hbm>> -> memref<1000x128xf32, #tpu.memory_space<hbm>>
    tpu.wait_indirect_dma semaphore(%arg16 : memref<!tpu.dma_semaphore, #tpu.memory_space<semaphore_mem>>) src(%dma_wait3A_341 : memref<1000x128xf32, #tpu.memory_space<hbm>>) dst(%dma_wait3A_335 : memref<128x128xf32, #tpu.memory_space<vmem>>)
    %iota3A_342 = tpu.iota {dimensions = array<i32: 0>} : vector<16xi32>
    %eq3A_343 = arith.constant 15 : i32
    %eq3A_344 = vector.broadcast %eq3A_343 : i32 to vector<16xi32>
    %eq3A_345 = arith.cmpi eq, %iota3A_342, %eq3A_344 : vector<16xi32>
    %parallel_loop3A_346 = arith.constant 0 : i32
    %parallel_loop3A_347 = arith.constant 128 : i32
    %parallel_loop3A_348 = arith.constant 1 : i32
    scf.for %parallel_loop3A_349 = %parallel_loop3A_346 to %parallel_loop3A_347 step %parallel_loop3A_348  : i32 {
      %parallel_loop3A_350 = arith.constant 1 : i32
      %parallel_loop3A_351 = arith.index_cast %parallel_loop3A_350 : i32 to index
      %parallel_loop3A_352 = arith.index_cast %parallel_loop3A_349 : i32 to index
      %parallel_loop3A_353 = arith.constant 0 : index
      %parallel_loop3A_354 = tpu.vector_load %arg11[%parallel_loop3A_351, %parallel_loop3A_352, %parallel_loop3A_353] {strides = array<i32>} : memref<2x128x128xf32, #tpu.memory_space<vmem>>, vector<16xf32>,
      %parallel_loop3A_355 = arith.constant 1 : i32
      %parallel_loop3A_356 = arith.index_cast %parallel_loop3A_355 : i32 to index
      %parallel_loop3A_357 = arith.index_cast %parallel_loop3A_349 : i32 to index
      %parallel_loop3A_358 = arith.constant 64 : index
      %parallel_loop3A_359 = tpu.vector_load %arg11[%parallel_loop3A_356, %parallel_loop3A_357, %parallel_loop3A_358] {strides = array<i32>} : memref<2x128x128xf32, #tpu.memory_space<vmem>>, vector<16xf32>,
      %parallel_loop3A_360 = arith.constant 1 : i32
      %parallel_loop3A_361 = arith.index_cast %parallel_loop3A_360 : i32 to index
      %parallel_loop3A_362 = arith.index_cast %parallel_loop3A_349 : i32 to index
      %parallel_loop3A_363 = arith.constant 0 : index
      %parallel_loop3A_364 = tpu.vector_load %arg12[%parallel_loop3A_361, %parallel_loop3A_362, %parallel_loop3A_363] {strides = array<i32>} : memref<2x128x128xf32, #tpu.memory_space<vmem>>, vector<16xf32>,
      %parallel_loop3A_365 = arith.constant 1 : i32
      %parallel_loop3A_366 = arith.index_cast %parallel_loop3A_365 : i32 to index
      %parallel_loop3A_367 = arith.index_cast %parallel_loop3A_349 : i32 to index
      %parallel_loop3A_368 = arith.constant 64 : index
      %parallel_loop3A_369 = tpu.vector_load %arg12[%parallel_loop3A_366, %parallel_loop3A_367, %parallel_loop3A_368] {strides = array<i32>} : memref<2x128x128xf32, #tpu.memory_space<vmem>>, vector<16xf32>,
      %parallel_loop3A_370 = arith.constant 1 : i32
      %parallel_loop3A_371 = arith.index_cast %parallel_loop3A_370 : i32 to index
      %parallel_loop3A_372 = arith.index_cast %parallel_loop3A_349 : i32 to index
      %parallel_loop3A_373 = arith.constant 0 : index
      %parallel_loop3A_374 = tpu.vector_load %arg13[%parallel_loop3A_371, %parallel_loop3A_372, %parallel_loop3A_373] {strides = array<i32>} : memref<2x128x128xf32, #tpu.memory_space<vmem>>, vector<16xf32>,
      %parallel_loop3A_375 = arith.constant 1 : i32
      %parallel_loop3A_376 = arith.index_cast %parallel_loop3A_375 : i32 to index
      %parallel_loop3A_377 = arith.index_cast %parallel_loop3A_349 : i32 to index
      %parallel_loop3A_378 = arith.constant 64 : index
      %parallel_loop3A_379 = tpu.vector_load %arg13[%parallel_loop3A_376, %parallel_loop3A_377, %parallel_loop3A_378] {strides = array<i32>} : memref<2x128x128xf32, #tpu.memory_space<vmem>>, vector<16xf32>,
      %parallel_loop3A_380 = arith.mulf %parallel_loop3A_354, %parallel_loop3A_374 : vector<16xf32>
      %parallel_loop3A_381 = arith.mulf %parallel_loop3A_359, %parallel_loop3A_379 : vector<16xf32>
      %parallel_loop3A_382 = arith.subf %parallel_loop3A_380, %parallel_loop3A_381 : vector<16xf32>
      %parallel_loop3A_383 = arith.subf %parallel_loop3A_382, %parallel_loop3A_364 : vector<16xf32>
      %parallel_loop3A_384 = arith.mulf %parallel_loop3A_354, %parallel_loop3A_379 : vector<16xf32>
      %parallel_loop3A_385 = arith.mulf %parallel_loop3A_359, %parallel_loop3A_374 : vector<16xf32>
      %parallel_loop3A_386 = arith.addf %parallel_loop3A_384, %parallel_loop3A_385 : vector<16xf32>
      %parallel_loop3A_387 = arith.subf %parallel_loop3A_386, %parallel_loop3A_369 : vector<16xf32>
      %parallel_loop3A_388 = arith.mulf %parallel_loop3A_383, %parallel_loop3A_383 : vector<16xf32>
      %parallel_loop3A_389 = arith.mulf %parallel_loop3A_387, %parallel_loop3A_387 : vector<16xf32>
      %parallel_loop3A_390 = arith.addf %parallel_loop3A_388, %parallel_loop3A_389 : vector<16xf32>
      %parallel_loop3A_391 = arith.constant 1 : i32
      %parallel_loop3A_392 = arith.index_cast %parallel_loop3A_391 : i32 to index
      %parallel_loop3A_393 = arith.index_cast %parallel_loop3A_349 : i32 to index
      %parallel_loop3A_394 = arith.constant 16 : index
      %parallel_loop3A_395 = tpu.vector_load %arg11[%parallel_loop3A_392, %parallel_loop3A_393, %parallel_loop3A_394] {strides = array<i32>} : memref<2x128x128xf32, #tpu.memory_space<vmem>>, vector<16xf32>,
      %parallel_loop3A_396 = arith.constant 1 : i32
      %parallel_loop3A_397 = arith.index_cast %parallel_loop3A_396 : i32 to index
      %parallel_loop3A_398 = arith.index_cast %parallel_loop3A_349 : i32 to index
      %parallel_loop3A_399 = arith.constant 80 : index
      %parallel_loop3A_400 = tpu.vector_load %arg11[%parallel_loop3A_397, %parallel_loop3A_398, %parallel_loop3A_399] {strides = array<i32>} : memref<2x128x128xf32, #tpu.memory_space<vmem>>, vector<16xf32>,
      %parallel_loop3A_401 = arith.constant 1 : i32
      %parallel_loop3A_402 = arith.index_cast %parallel_loop3A_401 : i32 to index
      %parallel_loop3A_403 = arith.index_cast %parallel_loop3A_349 : i32 to index
      %parallel_loop3A_404 = arith.constant 16 : index
      %parallel_loop3A_405 = tpu.vector_load %arg12[%parallel_loop3A_402, %parallel_loop3A_403, %parallel_loop3A_404] {strides = array<i32>} : memref<2x128x128xf32, #tpu.memory_space<vmem>>, vector<16xf32>,
      %parallel_loop3A_406 = arith.constant 1 : i32
      %parallel_loop3A_407 = arith.index_cast %parallel_loop3A_406 : i32 to index
      %parallel_loop3A_408 = arith.index_cast %parallel_loop3A_349 : i32 to index
      %parallel_loop3A_409 = arith.constant 80 : index
      %parallel_loop3A_410 = tpu.vector_load %arg12[%parallel_loop3A_407, %parallel_loop3A_408, %parallel_loop3A_409] {strides = array<i32>} : memref<2x128x128xf32, #tpu.memory_space<vmem>>, vector<16xf32>,
      %parallel_loop3A_411 = arith.constant 1 : i32
      %parallel_loop3A_412 = arith.index_cast %parallel_loop3A_411 : i32 to index
      %parallel_loop3A_413 = arith.index_cast %parallel_loop3A_349 : i32 to index
      %parallel_loop3A_414 = arith.constant 16 : index
      %parallel_loop3A_415 = tpu.vector_load %arg13[%parallel_loop3A_412, %parallel_loop3A_413, %parallel_loop3A_414] {strides = array<i32>} : memref<2x128x128xf32, #tpu.memory_space<vmem>>, vector<16xf32>,
      %parallel_loop3A_416 = arith.constant 1 : i32
      %parallel_loop3A_417 = arith.index_cast %parallel_loop3A_416 : i32 to index
      %parallel_loop3A_418 = arith.index_cast %parallel_loop3A_349 : i32 to index
      %parallel_loop3A_419 = arith.constant 80 : index
      %parallel_loop3A_420 = tpu.vector_load %arg13[%parallel_loop3A_417, %parallel_loop3A_418, %parallel_loop3A_419] {strides = array<i32>} : memref<2x128x128xf32, #tpu.memory_space<vmem>>, vector<16xf32>,
      %parallel_loop3A_421 = arith.mulf %parallel_loop3A_395, %parallel_loop3A_415 : vector<16xf32>
      %parallel_loop3A_422 = arith.mulf %parallel_loop3A_400, %parallel_loop3A_420 : vector<16xf32>
      %parallel_loop3A_423 = arith.subf %parallel_loop3A_421, %parallel_loop3A_422 : vector<16xf32>
      %parallel_loop3A_424 = arith.subf %parallel_loop3A_423, %parallel_loop3A_405 : vector<16xf32>
      %parallel_loop3A_425 = arith.mulf %parallel_loop3A_395, %parallel_loop3A_420 : vector<16xf32>
      %parallel_loop3A_426 = arith.mulf %parallel_loop3A_400, %parallel_loop3A_415 : vector<16xf32>
      %parallel_loop3A_427 = arith.addf %parallel_loop3A_425, %parallel_loop3A_426 : vector<16xf32>
      %parallel_loop3A_428 = arith.subf %parallel_loop3A_427, %parallel_loop3A_410 : vector<16xf32>
      %parallel_loop3A_429 = arith.mulf %parallel_loop3A_424, %parallel_loop3A_424 : vector<16xf32>
      %parallel_loop3A_430 = arith.mulf %parallel_loop3A_428, %parallel_loop3A_428 : vector<16xf32>
      %parallel_loop3A_431 = arith.addf %parallel_loop3A_429, %parallel_loop3A_430 : vector<16xf32>
      %parallel_loop3A_432 = arith.addf %parallel_loop3A_390, %parallel_loop3A_431 : vector<16xf32>
      %parallel_loop3A_433 = arith.constant 1 : i32
      %parallel_loop3A_434 = arith.index_cast %parallel_loop3A_433 : i32 to index
      %parallel_loop3A_435 = arith.index_cast %parallel_loop3A_349 : i32 to index
      %parallel_loop3A_436 = arith.constant 32 : index
      %parallel_loop3A_437 = tpu.vector_load %arg11[%parallel_loop3A_434, %parallel_loop3A_435, %parallel_loop3A_436] {strides = array<i32>} : memref<2x128x128xf32, #tpu.memory_space<vmem>>, vector<16xf32>,
      %parallel_loop3A_438 = arith.constant 1 : i32
      %parallel_loop3A_439 = arith.index_cast %parallel_loop3A_438 : i32 to index
      %parallel_loop3A_440 = arith.index_cast %parallel_loop3A_349 : i32 to index
      %parallel_loop3A_441 = arith.constant 96 : index
      %parallel_loop3A_442 = tpu.vector_load %arg11[%parallel_loop3A_439, %parallel_loop3A_440, %parallel_loop3A_441] {strides = array<i32>} : memref<2x128x128xf32, #tpu.memory_space<vmem>>, vector<16xf32>,
      %parallel_loop3A_443 = arith.constant 1 : i32
      %parallel_loop3A_444 = arith.index_cast %parallel_loop3A_443 : i32 to index
      %parallel_loop3A_445 = arith.index_cast %parallel_loop3A_349 : i32 to index
      %parallel_loop3A_446 = arith.constant 32 : index
      %parallel_loop3A_447 = tpu.vector_load %arg12[%parallel_loop3A_444, %parallel_loop3A_445, %parallel_loop3A_446] {strides = array<i32>} : memref<2x128x128xf32, #tpu.memory_space<vmem>>, vector<16xf32>,
      %parallel_loop3A_448 = arith.constant 1 : i32
      %parallel_loop3A_449 = arith.index_cast %parallel_loop3A_448 : i32 to index
      %parallel_loop3A_450 = arith.index_cast %parallel_loop3A_349 : i32 to index
      %parallel_loop3A_451 = arith.constant 96 : index
      %parallel_loop3A_452 = tpu.vector_load %arg12[%parallel_loop3A_449, %parallel_loop3A_450, %parallel_loop3A_451] {strides = array<i32>} : memref<2x128x128xf32, #tpu.memory_space<vmem>>, vector<16xf32>,
      %parallel_loop3A_453 = arith.constant 1 : i32
      %parallel_loop3A_454 = arith.index_cast %parallel_loop3A_453 : i32 to index
      %parallel_loop3A_455 = arith.index_cast %parallel_loop3A_349 : i32 to index
      %parallel_loop3A_456 = arith.constant 32 : index
      %parallel_loop3A_457 = tpu.vector_load %arg13[%parallel_loop3A_454, %parallel_loop3A_455, %parallel_loop3A_456] {strides = array<i32>} : memref<2x128x128xf32, #tpu.memory_space<vmem>>, vector<16xf32>,
      %parallel_loop3A_458 = arith.constant 1 : i32
      %parallel_loop3A_459 = arith.index_cast %parallel_loop3A_458 : i32 to index
      %parallel_loop3A_460 = arith.index_cast %parallel_loop3A_349 : i32 to index
      %parallel_loop3A_461 = arith.constant 96 : index
      %parallel_loop3A_462 = tpu.vector_load %arg13[%parallel_loop3A_459, %parallel_loop3A_460, %parallel_loop3A_461] {strides = array<i32>} : memref<2x128x128xf32, #tpu.memory_space<vmem>>, vector<16xf32>,
      %parallel_loop3A_463 = arith.mulf %parallel_loop3A_437, %parallel_loop3A_457 : vector<16xf32>
      %parallel_loop3A_464 = arith.mulf %parallel_loop3A_442, %parallel_loop3A_462 : vector<16xf32>
      %parallel_loop3A_465 = arith.subf %parallel_loop3A_463, %parallel_loop3A_464 : vector<16xf32>
      %parallel_loop3A_466 = arith.subf %parallel_loop3A_465, %parallel_loop3A_447 : vector<16xf32>
      %parallel_loop3A_467 = arith.mulf %parallel_loop3A_437, %parallel_loop3A_462 : vector<16xf32>
      %parallel_loop3A_468 = arith.mulf %parallel_loop3A_442, %parallel_loop3A_457 : vector<16xf32>
      %parallel_loop3A_469 = arith.addf %parallel_loop3A_467, %parallel_loop3A_468 : vector<16xf32>
      %parallel_loop3A_470 = arith.subf %parallel_loop3A_469, %parallel_loop3A_452 : vector<16xf32>
      %parallel_loop3A_471 = arith.mulf %parallel_loop3A_466, %parallel_loop3A_466 : vector<16xf32>
      %parallel_loop3A_472 = arith.mulf %parallel_loop3A_470, %parallel_loop3A_470 : vector<16xf32>
      %parallel_loop3A_473 = arith.addf %parallel_loop3A_471, %parallel_loop3A_472 : vector<16xf32>
      %parallel_loop3A_474 = arith.addf %parallel_loop3A_432, %parallel_loop3A_473 : vector<16xf32>
      %parallel_loop3A_475 = arith.constant 1 : i32
      %parallel_loop3A_476 = arith.index_cast %parallel_loop3A_475 : i32 to index
      %parallel_loop3A_477 = arith.index_cast %parallel_loop3A_349 : i32 to index
      %parallel_loop3A_478 = arith.constant 48 : index
      %parallel_loop3A_479 = tpu.vector_load %arg11[%parallel_loop3A_476, %parallel_loop3A_477, %parallel_loop3A_478] {strides = array<i32>} : memref<2x128x128xf32, #tpu.memory_space<vmem>>, vector<16xf32>,
      %parallel_loop3A_480 = arith.constant 1 : i32
      %parallel_loop3A_481 = arith.index_cast %parallel_loop3A_480 : i32 to index
      %parallel_loop3A_482 = arith.index_cast %parallel_loop3A_349 : i32 to index
      %parallel_loop3A_483 = arith.constant 112 : index
      %parallel_loop3A_484 = tpu.vector_load %arg11[%parallel_loop3A_481, %parallel_loop3A_482, %parallel_loop3A_483] {strides = array<i32>} : memref<2x128x128xf32, #tpu.memory_space<vmem>>, vector<16xf32>,
      %parallel_loop3A_485 = arith.constant 1 : i32
      %parallel_loop3A_486 = arith.index_cast %parallel_loop3A_485 : i32 to index
      %parallel_loop3A_487 = arith.index_cast %parallel_loop3A_349 : i32 to index
      %parallel_loop3A_488 = arith.constant 48 : index
      %parallel_loop3A_489 = tpu.vector_load %arg12[%parallel_loop3A_486, %parallel_loop3A_487, %parallel_loop3A_488] {strides = array<i32>} : memref<2x128x128xf32, #tpu.memory_space<vmem>>, vector<16xf32>,
      %parallel_loop3A_490 = arith.constant 1 : i32
      %parallel_loop3A_491 = arith.index_cast %parallel_loop3A_490 : i32 to index
      %parallel_loop3A_492 = arith.index_cast %parallel_loop3A_349 : i32 to index
      %parallel_loop3A_493 = arith.constant 112 : index
      %parallel_loop3A_494 = tpu.vector_load %arg12[%parallel_loop3A_491, %parallel_loop3A_492, %parallel_loop3A_493] {strides = array<i32>} : memref<2x128x128xf32, #tpu.memory_space<vmem>>, vector<16xf32>,
      %parallel_loop3A_495 = arith.constant 1 : i32
      %parallel_loop3A_496 = arith.index_cast %parallel_loop3A_495 : i32 to index
      %parallel_loop3A_497 = arith.index_cast %parallel_loop3A_349 : i32 to index
      %parallel_loop3A_498 = arith.constant 48 : index
      %parallel_loop3A_499 = tpu.vector_load %arg13[%parallel_loop3A_496, %parallel_loop3A_497, %parallel_loop3A_498] {strides = array<i32>} : memref<2x128x128xf32, #tpu.memory_space<vmem>>, vector<16xf32>,
      %parallel_loop3A_500 = arith.constant 1 : i32
      %parallel_loop3A_501 = arith.index_cast %parallel_loop3A_500 : i32 to index
      %parallel_loop3A_502 = arith.index_cast %parallel_loop3A_349 : i32 to index
      %parallel_loop3A_503 = arith.constant 112 : index
      %parallel_loop3A_504 = tpu.vector_load %arg13[%parallel_loop3A_501, %parallel_loop3A_502, %parallel_loop3A_503] {strides = array<i32>} : memref<2x128x128xf32, #tpu.memory_space<vmem>>, vector<16xf32>,
      %parallel_loop3A_505 = arith.mulf %parallel_loop3A_479, %parallel_loop3A_499 : vector<16xf32>
      %parallel_loop3A_506 = arith.mulf %parallel_loop3A_484, %parallel_loop3A_504 : vector<16xf32>
      %parallel_loop3A_507 = arith.subf %parallel_loop3A_505, %parallel_loop3A_506 : vector<16xf32>
      %parallel_loop3A_508 = arith.subf %parallel_loop3A_507, %parallel_loop3A_489 : vector<16xf32>
      %parallel_loop3A_509 = arith.mulf %parallel_loop3A_479, %parallel_loop3A_504 : vector<16xf32>
      %parallel_loop3A_510 = arith.mulf %parallel_loop3A_484, %parallel_loop3A_499 : vector<16xf32>
      %parallel_loop3A_511 = arith.addf %parallel_loop3A_509, %parallel_loop3A_510 : vector<16xf32>
      %parallel_loop3A_512 = arith.subf %parallel_loop3A_511, %parallel_loop3A_494 : vector<16xf32>
      %parallel_loop3A_513 = arith.mulf %parallel_loop3A_508, %parallel_loop3A_508 : vector<16xf32>
      %parallel_loop3A_514 = arith.mulf %parallel_loop3A_512, %parallel_loop3A_512 : vector<16xf32>
      %parallel_loop3A_515 = arith.addf %parallel_loop3A_513, %parallel_loop3A_514 : vector<16xf32>
      %parallel_loop3A_516 = arith.addf %parallel_loop3A_474, %parallel_loop3A_515 : vector<16xf32>
      %parallel_loop3A_517 = arith.constant true
      %parallel_loop3A_518 = vector.broadcast %parallel_loop3A_517 : i1 to vector<16xi1>
      %parallel_loop3A_519 = tpu.scan <sum>, %parallel_loop3A_516 masked %parallel_loop3A_518 : vector<16xf32>, vector<16xi1> -> vector<16xf32>
      %parallel_loop3A_520 = arith.constant 384 : i32
      %parallel_loop3A_521 = arith.addi %parallel_loop3A_520, %parallel_loop3A_349 : i32
      %parallel_loop3A_522 = arith.index_cast %parallel_loop3A_521 : i32 to index
      %parallel_loop3A_523 = tpu.vector_load %arg14[%parallel_loop3A_522] masked %eq3A_345 {strides = array<i32>} : memref<528xf32, #tpu.memory_space<vmem>>, vector<16xf32>, vector<16xi1>
      tpu.vector_store %arg14[%parallel_loop3A_522], %parallel_loop3A_519 masked %eq3A_345 {strides = array<i32>} : memref<528xf32, #tpu.memory_space<vmem>>, vector<16xf32>, vector<16xi1>
    } {sc.loop_unroll_factor = 2 : i64, sc.parallel_access}
    "tpu.region"() ({
      %run_scoped3A_349 = tpu.sem_alloc : memref<!tpu.dma_semaphore, #tpu.memory_space<semaphore_mem>>
      %dma_start3A_350 = arith.constant 0 : i32
      %dma_start3A_351 = tpu.memref_slice %arg14[%dma_start3A_350] : memref<528xf32, #tpu.memory_space<vmem>> -> memref<512xf32, #tpu.memory_space<vmem>>
      %dma_start3A_352 = tpu.memref_slice %arg7[%mul3A_2] : memref<16384xf32, #tpu.memory_space<hbm>> -> memref<512xf32, #tpu.memory_space<hbm>>
      %dma_start3A_353 = tpu.memref_slice %arg7[%mul3A_2] : memref<16384xf32, #tpu.memory_space<hbm>> -> memref<512xf32, #tpu.memory_space<hbm>>
      %dma_start3A_354 = arith.constant 0 : i32
      %dma_start3A_355 = tpu.memref_slice %arg14[%dma_start3A_354] : memref<528xf32, #tpu.memory_space<vmem>> -> memref<512xf32, #tpu.memory_space<vmem>>
      tpu.enqueue_dma source(%dma_start3A_355 : memref<512xf32, #tpu.memory_space<vmem>>) target(%dma_start3A_353 : memref<512xf32, #tpu.memory_space<hbm>>) target_semaphore(%run_scoped3A_349 : memref<!tpu.dma_semaphore, #tpu.memory_space<semaphore_mem>>)
      %dma_wait3A_356 = arith.constant 0 : i32
      %dma_wait3A_357 = tpu.memref_slice %arg14[%dma_wait3A_356] : memref<528xf32, #tpu.memory_space<vmem>> -> memref<512xf32, #tpu.memory_space<vmem>>
      %dma_wait3A_358 = tpu.memref_slice %arg7[%mul3A_2] : memref<16384xf32, #tpu.memory_space<hbm>> -> memref<512xf32, #tpu.memory_space<hbm>>
      %dma_wait3A_359 = tpu.memref_slice %arg7[%mul3A_2] : memref<16384xf32, #tpu.memory_space<hbm>> -> memref<512xf32, #tpu.memory_space<hbm>>
      %dma_wait3A_360 = arith.constant 0 : i32
      %dma_wait3A_361 = tpu.memref_slice %arg14[%dma_wait3A_360] : memref<528xf32, #tpu.memory_space<vmem>> -> memref<512xf32, #tpu.memory_space<vmem>>
      tpu.wait_dma2 semaphore(%run_scoped3A_349 : memref<!tpu.dma_semaphore, #tpu.memory_space<semaphore_mem>>) src(%dma_wait3A_361 : memref<512xf32, #tpu.memory_space<vmem>>) dst(%dma_wait3A_359 : memref<512xf32, #tpu.memory_space<hbm>>)
      tpu.yield
    }) : () -> ()
    return
  }
}

module attributes {stable_mosaic.version = 14 : i64} {
  func.func @_trig_body(%arg0: memref<1000x64xf32, #tpu.memory_space<vmem>>, %arg1: memref<1000x128xf32, #tpu.memory_space<vmem>>) attributes {dimension_semantics = [], scalar_prefetch = 0 : i64, scratch_operands = 0 : i64, tpu.core_type = #tpu.core_type<tc>} {
    %get3A = arith.constant 0 : index
    %get3A_0 = arith.constant 0 : index
    %get3A_1 = vector.load %arg0[%get3A, %get3A_0] : memref<1000x64xf32, #tpu.memory_space<vmem>>, vector<1000x64xf32>
    %cos3A = math.cos %get3A_1 : vector<1000x64xf32>
    %swap3A = arith.constant 0 : index
    %swap3A_2 = arith.constant 0 : index
    %swap3A_3 = vector.load %arg1[%swap3A, %swap3A_2] : memref<1000x128xf32, #tpu.memory_space<vmem>>, vector<1000x64xf32>
    tpu.vector_store %arg1[%swap3A, %swap3A_2], %cos3A {strides = array<i32>} : memref<1000x128xf32, #tpu.memory_space<vmem>>, vector<1000x64xf32>,
    %sin3A = math.sin %get3A_1 : vector<1000x64xf32>
    %swap3A_4 = arith.constant 0 : index
    %swap3A_5 = arith.constant 64 : index
    %swap3A_6 = vector.load %arg1[%swap3A_4, %swap3A_5] : memref<1000x128xf32, #tpu.memory_space<vmem>>, vector<1000x64xf32>
    tpu.vector_store %arg1[%swap3A_4, %swap3A_5], %sin3A {strides = array<i32>} : memref<1000x128xf32, #tpu.memory_space<vmem>>, vector<1000x64xf32>,
    return
  }
}

</mosaic_0001>

<sc_bundles>
// kernel: kernel.4.cloned.1.call-start
scs
__scs_entry_jumppad:
0x0: {  	(pc) =	sbr.rel $0x88, $3  }
0x1: {  	(tag) =	ssettag $0x0;
	lr =	simm.s32 $0x1  }
0x2: {  	[smem:$0x3F9C] =	sst lr;
	_ =	strace $0xD0000000  }
0x3: {  	_ = 	snop  }
0x4: {  	_ = 	snop  }
0x5: {  	_ = 	snop  }
0x6: {  	_ = 	snop  }
0x7: {  	_ = 	snop  }
__scs_overlays_trampoline_lowered:
0x8: {  	[smem:$0x3FAB] =	sst s0  }
0x9: {  	[smem:$0x3FAC] =	sst s1  }
0xa: {  	[smem:$0x3FAD] =	sst s2  }
0xb: {  	[smem:$0x3FAE] =	sst s3  }
0xc: {  	[smem:$0x3FAF] =	sst s4  }
0xd: {  	[smem:$0x3FB0] =	sst s5  }
0xe: {  	[smem:$0x3FB1] =	sst s6  }
0xf: {  	[smem:$0x3FB2] =	sst s7  }
0x10: {  	[smem:$0x3FB3] =	sst s8  }
0x11: {  	[smem:$0x3FB4] =	sst s9;
	s0 =	simm.s32 @!p0 $0x0  }
0x12: {  	s1 =	sld [smem:$0x3F9A];
	s0 =	simm.s32 @p0 $0x1  }
0x13: {  	[smem:$0x3FB5] =	sst s0;
	s0 =	simm.s32 @!p1 $0x0  }
0x14: {  	s2 =	sld [smem:$0x3F99];
	s0 =	simm.s32 @p1 $0x1  }
0x15: {  	[smem:$0x3FB6] =	sst s0;
	s0 =	simm.s32 @!p2 $0x0  }
0x16: {  	s3 =	sld [smem:$0x3FDB];
	s0 =	simm.s32 @p2 $0x1  }
0x17: {  	s4 =	simm.s32 $0x1BF5;
	[smem:$0x3FB8] =	sst s0  }
0x18: {  	s0 =	sld [smem:$0x3F9B];
	_ =	swait.ge [sflag:s4], $0x0  }
0x19: {  	s7 =	sld [smem:$0x3F9C]  }
0x1a: {  	s8 =	sadd.s32 $0xFFFFE003, lr  }
0x1b: {  	s9 =	sadd.s32 $0xFFFFFEF7, lr;
	s5 =	simm.s32 $0xFFFFFFFF;
	p2 =	slt.u32 s8, $0xFFFFF086  }
0x1c: {  	p1 =	slt.u32 s9, $0xF7A;
	s5 =	simm.s32 @!p2 $0x0  }
0x1d: {  	s5 =	simm.s32 @p1 $0x1;
	p0 =	seq.s32 s7, s2  }
0x1e: {  	s7 =	smul.u32 @!p0 $0xF7A, s2;
	p2 =	seq.s32 @!p0 s5, $0x0  }
0x1f: {  	s9 =	smul.u32 $0xF7A, s1;
	s8 =	simm.s32 @!p0 $0x1BF5;
	p2 =	por !p2, p0  }
0x20: {  	[sflag:s8] =	ssyncset.s32 @!p0 $0xFFFFF086;
	s6 =	sadd.s32 @!p0 s3, s7;
	s7 =	simm.s32 @!p0 $0x108  }
0x21: {  	s3 =	sadd.s32 s3, s9;
	s6 =	sadd.s32 @!p0 $0x88, s6;
	s7 =	simm.s32 @p2 $0x1082  }
0x22: {  	[simem:s7], [sflag:s8] =	dma.local @!p0 [hbm:s6], $0xF7A  }
0x23: {  	s9 =	sor.u32 $0xD0000000, s2;
	s6 =	simm.s32 $0x108;
	_ =	swait.ge @!p0 [sflag:s8], $0x0  }
0x24: {  	s3 =	sadd.s32 $0x88, s3;
	s6 =	simm.s32 @!p1 $0x1082;
	[sflag:s4] =	ssyncset.s32 $0xFFFFF086  }
0x25: {  	[simem:s6], [sflag:s4] =	dma.local [hbm:s3], $0xF7A  }
0x26: {  	[smem:$0x3F9C] =	sst s1;
	(tag) =	ssettag s2;
	_ =	strace s9  }
0x27: {  	s1 =	sld [smem:$0x3FAC]  }
0x28: {  	s2 =	sld [smem:$0x3FAD]  }
0x29: {  	s4 =	sld [smem:$0x3FAF]  }
0x2a: {  	p0 =	seq.s32 s5, $0x0;
	s5 =	sld [smem:$0x3FB0]  }
0x2b: {  	s6 =	sld [smem:$0x3FB1]  }
0x2c: {  	s7 =	sld [smem:$0x3FB2]  }
0x2d: {  	s3 =	simm.s32 $0x108;
	s8 =	sld [smem:$0x3FB3]  }
0x2e: {  	s3 =	simm.s32 @!p0 $0x1082;
	s9 =	sld [smem:$0x3FB4]  }
0x2f: {  	lr =	sadd.s32 s0, s3;
	s0 =	sld [smem:$0x3FAB]  }
0x30: {  	s3 =	sld [smem:$0x3FAE]  }
0x31: {  	[smem:$0x3FB7] =	sst s10  }
0x32: {  	s10 =	sld [smem:$0x3FB5];
	_ =	sdelay $0x3  }
0x33: {  	p0 =	seq.s32 s10, $0x1;
	s10 =	sld [smem:$0x3FB7];
	_ =	sdelay $0x3  }
0x34: {  	[smem:$0x3FB7] =	sst s10  }
0x35: {  	s10 =	sld [smem:$0x3FB6];
	_ =	sdelay $0x3  }
0x36: {  	p1 =	seq.s32 s10, $0x1;
	s10 =	sld [smem:$0x3FB7];
	_ =	sdelay $0x3  }
0x37: {  	[smem:$0x3FB7] =	sst s10  }
0x38: {  	s10 =	sld [smem:$0x3FB8]  }
0x39: {  	_ = 	snop;
	(pc) =	sbr.ind lr, $3  }
0x3a: {  	_ = 	snop  }
0x3b: {  	_ = 	snop  }
0x3c: {  	p2 =	seq.s32 s10, $0x1;
	s10 =	sld [smem:$0x3FB7]  }
0x3d: {  	_ =	shalt  }
0x3e: {  	_ =	shalt  }
0x3f: {  	_ =	shalt  }
0x40: {  	_ =	shalt  }
0x41: {  	_ =	shalt  }
0x42: {  	_ =	shalt  }
0x43: {  	_ =	shalt  }
0x44: {  	_ =	shalt  }
0x45: {  	_ =	shalt  }
0x46: {  	_ =	shalt  }
0x47: {  	_ =	shalt  }
0x48: {  	_ =	shalt  }
0x49: {  	_ =	shalt  }
0x4a: {  	_ =	shalt  }
0x4b: {  	_ =	shalt  }
0x4c: {  	_ =	shalt  }
0x4d: {  	_ =	shalt  }
0x4e: {  	_ =	shalt  }
0x4f: {  	_ =	shalt  }
0x50: {  	_ =	shalt  }
0x51: {  	_ =	shalt  }
0x52: {  	_ =	shalt  }
0x53: {  	_ =	shalt  }
0x54: {  	_ =	shalt  }
0x55: {  	_ =	shalt  }
0x56: {  	_ =	shalt  }
0x57: {  	_ =	shalt  }
0x58: {  	_ =	shalt  }
0x59: {  	_ =	shalt  }
0x5a: {  	_ =	shalt  }
0x5b: {  	_ =	shalt  }
0x5c: {  	_ =	shalt  }
0x5d: {  	_ =	shalt  }
0x5e: {  	_ =	shalt  }
0x5f: {  	_ =	shalt  }
0x60: {  	_ =	shalt  }
0x61: {  	_ =	shalt  }
0x62: {  	_ =	shalt  }
0x63: {  	_ =	shalt  }
0x64: {  	_ =	shalt  }
0x65: {  	_ =	shalt  }
0x66: {  	_ =	shalt  }
0x67: {  	_ =	shalt  }
0x68: {  	_ =	shalt  }
0x69: {  	_ =	shalt  }
0x6a: {  	_ =	shalt  }
0x6b: {  	_ =	shalt  }
0x6c: {  	_ =	shalt  }
0x6d: {  	_ =	shalt  }
0x6e: {  	_ =	shalt  }
0x6f: {  	_ =	shalt  }
0x70: {  	_ =	shalt  }
0x71: {  	_ =	shalt  }
0x72: {  	_ =	shalt  }
0x73: {  	_ =	shalt  }
0x74: {  	_ =	shalt  }
0x75: {  	_ =	shalt  }
0x76: {  	_ =	shalt  }
0x77: {  	_ =	shalt  }
0x78: {  	_ =	shalt  }
0x79: {  	_ =	shalt  }
0x7a: {  	_ =	shalt  }
0x7b: {  	_ =	shalt  }
0x7c: {  	_ =	shalt  }
0x7d: {  	_ =	shalt  }
0x7e: {  	_ =	shalt  }
0x7f: {  	_ =	shalt  }
0x80: {  	_ =	shalt  }
0x81: {  	_ =	shalt  }
0x82: {  	_ =	shalt  }
0x83: {  	_ =	shalt  }
0x84: {  	_ =	shalt  }
0x85: {  	_ =	shalt  }
0x86: {  	_ =	shalt  }
0x87: {  	_ =	shalt  }
.Lfunc_end0:
.L_simem_size_0:
called_computation_lowered:
.L_overlay_start_0:
0x88: {  	s2 =	sld [smem:$0x3FD9]  }
0x89: {  	s3 =	sld [smem:$0x3FFE];
	_ =	sdelay $0x1  }
0x8a: {  	s1 =	srdreg.scid  }
0x8b: {  	s0 =	sand.u32 $0x1, s1  }
0x8c: {  	s17 =	sshll.u32 s0, $0xA;
	s2 =	sadd.s32 s3, s2  }
0x8d: {  	s2 =	sadd.s32 s2, s17  }
0x8e: {  	[smem:$0x3FC3] =	sst s2  }
0x8f: {  	_ = 	snop  }
0x90: {  	s2 =	sld [smem:$0x3FC9]  }
0x91: {  	s18 =	sld [smem:$0x3FC8]  }
0x92: {  	s4 =	sld [smem:$0x3FC7]  }
0x93: {  	s5 =	sld [smem:$0x3FC6]  }
0x94: {  	s6 =	sld [smem:$0x3FD0];
	(tm) =	ssettm $0x1  }
0x95: {  	s7 =	sld [smem:$0x3FFB];
	_ =	sdelay $0x3  }
0x96: {  	_ =	strace s7  }
0x97: {  	s7 =	sld [smem:$0x3FFC];
	_ =	sdelay $0x3  }
0x98: {  	_ =	strace s7  }
0x99: {  	s7 =	sld [smem:$0x3FFD];
	_ =	sdelay $0x3  }
0x9a: {  	_ =	strace s7  }
0x9b: {  	_ =	strace $0x8FFFFFFF  }
0x9c: {  	s19 =	sld [smem:$0x3FDB];
	_ =	sdelay $0x1  }
0x9d: {  	s8 =	simm.s32 $_scs_section_size  }
0x9e: {  	s9 =	simm.s32 $_size__tile_overlayer_lowered;
	s10 =	simm.s32 $_tile_overlayer_lowered  }
0x9f: {  	s22 =	simm.s32 $0x1BFF;
	s21 =	sshll.u32 s10, $0x1;
	s7 =	sadd.s32 s8, s19  }
0xa0: {  	s11 =	simm.s32 $0x0;
	s20 =	sshll.u32 s9, $0x1;
	s9 =	sadd.s32 s21, s7  }
0xa1: {  	[timem:s11], [sflag:s22] =	dma.local [hbm:s9], s20  }
0xa2: {  	_ =	swait.ge [sflag:s22], s20  }
0xa3: {  	s8 =	ssub.s32 $0x0, s20;
	[sflag:s22] =	ssyncset.done $0x0  }
0xa4: {  	[sflag:s22] =	ssyncadd.s32 s8;
	_ =	sdelay $0x1  }
0xa5: {  	s23 =	simm.s32 $0x1B8B  }
0xa6: {  	_ =	swait.ge [sflag:s23], $0x1  }
0xa7: {  	[sflag:s23] =	ssyncset.done $0x0  }
0xa8: {  	s25 =	simm.s32 $0x1B8E;
	s24 =	sld [smem:$0x3FFE];
	[sflag:s23] =	ssyncadd.s32 $0xFFFFFFFF  }
0xa9: {  	s26 =	simm.s32 $execute0_lowered;
	[smem:$0x3FD2] =	sst s25  }
0xaa: {  	s9 =	sshll.u32 s26, $0x1;
	_ =	strace $0x80000046;
	[dreg:$0x1] =	wrdreg $0xFFFFFFFF  }
0xab: {  	s28 =	simm.s32 $_size_execute0_lowered;
	s7 =	sadd.s32 s7, s9;
	[dreg:$0x0] =	wrdreg $0x0  }
0xac: {  	s9 =	sshll.u32 s28, $0x1;
	[dreg:$0x2] =	wrdreg s7  }
0xad: {  	[dreg:$0x3] =	wrdreg s9  }
0xae: {  	[dreg:$0x4] =	wrdreg $0xC0  }
0xaf: {  	_ =	task [dreg:s11], $0x5FFFF  }
0xb0: {  	[dreg:$0x1] =	wrdreg $0xFFFFFFFF  }
0xb1: {  	[dreg:$0x0] =	wrdreg $0x60  }
0xb2: {  	[dreg:$0x2] =	wrdreg s2  }
0xb3: {  	[dreg:$0x3] =	wrdreg s18  }
0xb4: {  	[dreg:$0x4] =	wrdreg s4  }
0xb5: {  	[dreg:$0x5] =	wrdreg s5  }
0xb6: {  	[dreg:$0x6] =	wrdreg s24  }
0xb7: {  	[dreg:$0x7] =	wrdreg s6  }
0xb8: {  	[dreg:$0x8] =	wrdreg $0x9  }
0xb9: {  	_ =	task.clear_ibuf [dreg:s11], $0x9FFFF;
	_ =	strace $0x90000046  }
0xba: {  	s29 =	simm.s32 $0x9;
	_ =	strace $0x80000048  }
0xbb: {  	_ =	swait.ge [sflag:s29], $0x1  }
0xbc: {  	[sflag:s29] =	ssyncadd.s32 $0xFFFFFFFF  }
0xbd: {  	_ =	strace $0x90000048  }
0xbe: {  	_ =	sfence  }
0xbf: {  	s30 =	sld [smem:$0x0];
	_ =	sdelay $0x2  }
0xc0: {  	s31 =	sshll.u32 s1, $0xD;
	s1 =	sshrl.u32 s1, $0x2  }
0xc1: {  	s3 =	sand.u32 $0x4000, s31;
	s1 =	sadd.s32 s1, s30  }
0xc2: {  	s0 =	sor.u32 s3, s0;
	s1 =	sshll.u32 s1, $0x11  }
0xc3: {  	s0 =	sor.u32 s1, s0  }
0xc4: {  	s0 =	sadd.s32 $0x8F2B, s0  }
0xc5: {  	[sflag:s0] =	ssyncadd.remote.s32 $0x1  }
0xc6: {  	_ =	sfence.sel $0xFFFF  }
0xc7: {  	[dreg:$0x0] =	wrdreg $0xFFFFFFFF;
	(pc) =	sbr.abs _section_cstart, $3  }
0xc8: {  	[dreg:$0x1] =	wrdreg $0xFFFFFFFF  }
0xc9: {  	_ =	task.clear_ibuf [dreg:s11], $0x2FFFF;
	_ =	strace $0x9FFFFFFF  }
0xca: {  	(tm) =	ssettm $0x7FFFFFFF  }
0xcb: {  	_ =	shalt  }
tec
execute0_lowered:
.L_overlay_start_1:
0x0: {  	(tag) =	ssettag $0x1  }
0x1: {  	s0 =	rddreg [dreg:$0x0]  }
0x2: {  	s3 =	rddreg [dreg:$0x1]  }
0x3: {  	s15 =	rddreg [dreg:$0x2]  }
0x4: {  	s1 =	rddreg [dreg:$0x3]  }
0x5: {  	s4 =	rddreg [dreg:$0x4]  }
0x6: {  	s17 =	rddreg [dreg:$0x5]  }
0x7: {  	s2 =	simm.s32 $0x0;
	s5 =	srdreg.scid;
	s8 =	stileid.u32  }
0x8: {  	s22 =	simm.s32 $0x80;
	s20 =	simm.s32 $0x10600;
	s21 =	simm.s32 $0x4600  }
0x9: {  	s23 =	simm.s32 $0xC600;
	s24 =	simm.s32 $0x14600;
	s25 =	simm.s32 $0x1  }
0xa: {  	s26 =	simm.s32 $0x2;
	s28 =	simm.s32 $0x0;
	s5 =	sand.u32 $0x1, s5  }
0xb: {  	[smem:$0x7FF] =	sst s2;
	s8 =	sshll.u32 s8, $0x7;
	s6 =	ssub.s32 $0x2, s5  }
0xc: {  	s4 =	sadd.s32 $0x600, s4;
	s5 =	sshll.u32 s5, $0x6;
	s7 =	sshrl.u32 s6, $0x1  }
0xd: {  	_ =	strace $0x80000047;
	s19 =	sor.u32 s5, s8;
	s18 =	ssub.s32 s6, s7  }
0xe: {  	s5 =	sadd.s32 s0, s19;
	s6 =	sadd.s32 s15, s19;
	s10 =	sor.u32 $0x10, s19  }
0xf: {  	s7 =	sadd.s32 s3, s19;
	s13 =	sor.u32 $0x20, s19;
	s16 =	sor.u32 $0x30, s19  }
0x10: {  	s17 =	sadd.s32 s17, s19;
	s19 =	simm.s32 $0x3;
	s8 =	sadd.s32 s0, s10  }
0x11: {  	s9 =	sadd.s32 s15, s10;
	s10 =	sadd.s32 s3, s10;
	s11 =	sadd.s32 s0, s13  }
0x12: {  	s12 =	sadd.s32 s15, s13;
	s13 =	sadd.s32 s3, s13;
	s14 =	sadd.s32 s0, s16  }
0x13: {  	vm0 =	vcmask $0x3F3C;
	s15 =	sadd.s32 s15, s16;
	s16 =	sadd.s32 s3, s16;
	s18 =	smax.u32 s18, $0x1  }
.LBB2_1:
0x14: {  	[tilespmem:s2], [sflag:$0x3] =	stream.linear.gather [hbm4b:s5+s2], $0x80, $0x38;
	[tilespmem:$0x18880] =	vst v63  }
0x15: {  	_ =	swait.ge [sflag:s19], $0x80  }
0x16: {  	[sflag:s19] =	ssyncset.done $0x0  }
0x17: {  	s0 =	simm.s32 $0x400;
	[sflag:s19] =	ssyncadd.s32 $0xFFFFFF80  }
0x18: {  	[tilespmem:s0], [sflag:$0x3] =	stream.linear.gather [hbm4b:s6+s2], $0x80, $0x38;
	[tilespmem:$0x18880] =	vst v63  }
0x19: {  	_ =	swait.ge [sflag:s19], $0x80  }
0x1a: {  	[sflag:s19] =	ssyncset.done $0x0  }
0x1b: {  	s3 =	simm.s32 $0x200;
	[sflag:s19] =	ssyncadd.s32 $0xFFFFFF80  }
0x1c: {  	[tilespmem:s3], [sflag:$0x3] =	stream.linear.gather [hbm4b:s7+s2], $0x80, $0x38;
	[tilespmem:$0x18880] =	vst v63  }
0x1d: {  	_ =	swait.ge [sflag:s19], $0x80  }
0x1e: {  	[sflag:s19] =	ssyncset.done $0x0  }
0x1f: {  	[sflag:s19] =	ssyncadd.s32 $0xFFFFFF80  }
0x20: {  	[tilespmem:s22], [sflag:$0x3] =	stream.linear.gather [hbm4b:s8+s2], $0x80, $0x38;
	[tilespmem:$0x18880] =	vst v63  }
0x21: {  	_ =	swait.ge [sflag:s19], $0x80  }
0x22: {  	[sflag:s19] =	ssyncset.done $0x0  }
0x23: {  	s29 =	simm.s32 $0x480;
	[sflag:s19] =	ssyncadd.s32 $0xFFFFFF80  }
0x24: {  	[tilespmem:s29], [sflag:$0x3] =	stream.linear.gather [hbm4b:s9+s2], $0x80, $0x38;
	[tilespmem:$0x18880] =	vst v63  }
0x25: {  	_ =	swait.ge [sflag:s19], $0x80  }
0x26: {  	[sflag:s19] =	ssyncset.done $0x0  }
0x27: {  	s30 =	simm.s32 $0x280;
	[sflag:s19] =	ssyncadd.s32 $0xFFFFFF80  }
0x28: {  	[tilespmem:s30], [sflag:$0x3] =	stream.linear.gather [hbm4b:s10+s2], $0x80, $0x38;
	[tilespmem:$0x18880] =	vst v63  }
0x29: {  	_ =	swait.ge [sflag:s19], $0x80  }
0x2a: {  	[sflag:s19] =	ssyncset.done $0x0  }
0x2b: {  	s31 =	simm.s32 $0x100;
	[sflag:s19] =	ssyncadd.s32 $0xFFFFFF80  }
0x2c: {  	[tilespmem:s31], [sflag:$0x3] =	stream.linear.gather [hbm4b:s11+s2], $0x80, $0x38;
	[tilespmem:$0x18880] =	vst v63  }
0x2d: {  	_ =	swait.ge [sflag:s19], $0x80  }
0x2e: {  	[sflag:s19] =	ssyncset.done $0x0  }
0x2f: {  	s31 =	simm.s32 $0x500;
	[sflag:s19] =	ssyncadd.s32 $0xFFFFFF80  }
0x30: {  	[tilespmem:s31], [sflag:$0x3] =	stream.linear.gather [hbm4b:s12+s2], $0x80, $0x38;
	[tilespmem:$0x18880] =	vst v63  }
0x31: {  	_ =	swait.ge [sflag:s19], $0x80  }
0x32: {  	[sflag:s19] =	ssyncset.done $0x0  }
0x33: {  	s31 =	simm.s32 $0x300;
	[sflag:s19] =	ssyncadd.s32 $0xFFFFFF80  }
0x34: {  	[tilespmem:s31], [sflag:$0x3] =	stream.linear.gather [hbm4b:s13+s2], $0x80, $0x38;
	[tilespmem:$0x18880] =	vst v63  }
0x35: {  	_ =	swait.ge [sflag:s19], $0x80  }
0x36: {  	[sflag:s19] =	ssyncset.done $0x0  }
0x37: {  	s31 =	simm.s32 $0x180;
	[sflag:s19] =	ssyncadd.s32 $0xFFFFFF80  }
0x38: {  	[tilespmem:s31], [sflag:$0x3] =	stream.linear.gather [hbm4b:s14+s2], $0x80, $0x38;
	[tilespmem:$0x18880] =	vst v63  }
0x39: {  	_ =	swait.ge [sflag:s19], $0x80  }
0x3a: {  	[sflag:s19] =	ssyncset.done $0x0  }
0x3b: {  	s31 =	simm.s32 $0x580;
	[sflag:s19] =	ssyncadd.s32 $0xFFFFFF80  }
0x3c: {  	[tilespmem:s31], [sflag:$0x3] =	stream.linear.gather [hbm4b:s15+s2], $0x80, $0x38;
	[tilespmem:$0x18880] =	vst v63  }
0x3d: {  	_ =	swait.ge [sflag:s19], $0x80  }
0x3e: {  	[sflag:s19] =	ssyncset.done $0x0  }
0x3f: {  	s31 =	simm.s32 $0x380;
	[sflag:s19] =	ssyncadd.s32 $0xFFFFFF80  }
0x40: {  	[tilespmem:s31], [sflag:$0x3] =	stream.linear.gather [hbm4b:s16+s2], $0x80, $0x38;
	[tilespmem:$0x18880] =	vst v63  }
0x41: {  	_ =	swait.ge [sflag:s19], $0x80  }
0x42: {  	[sflag:s19] =	ssyncset.done $0x0  }
0x43: {  	s31 =	simm.s32 $0x600;
	[sflag:s19] =	ssyncadd.s32 $0xFFFFFF80  }
0x44: {  	[tilespmem:s31], [sflag:$0x1] =	stream.indirect.gather [hbm4b:s1+s22], $0x80, s2, s22, $0xb8;
	[tilespmem:$0x18880] =	vst v63  }
0x45: {  	s31 =	simm.s32 $0x8600  }
0x46: {  	[tilespmem:s31], [sflag:$0x1] =	stream.indirect.gather [hbm4b:s1+s22], $0x80, s0, s22, $0xb8;
	[tilespmem:$0x18880] =	vst v63  }
0x47: {  	_ = 	snop  }
0x48: {  	[tilespmem:s20], [sflag:$0x1] =	stream.indirect.gather [hbm4b:s4+s22], $0x80, s3, s22, $0xb8;
	[tilespmem:$0x18880] =	vst v63  }
0x49: {  	_ = 	snop  }
0x4a: {  	[tilespmem:s21], [sflag:$0x2] =	stream.indirect.gather [hbm4b:s1+s22], $0x80, s22, s22, $0xb8;
	[tilespmem:$0x18880] =	vst v63  }
0x4b: {  	_ = 	snop  }
0x4c: {  	[tilespmem:s23], [sflag:$0x2] =	stream.indirect.gather [hbm4b:s1+s22], $0x80, s29, s22, $0xb8;
	[tilespmem:$0x18880] =	vst v63  }
0x4d: {  	_ = 	snop  }
0x4e: {  	[tilespmem:s24], [sflag:$0x2] =	stream.indirect.gather [hbm4b:s4+s22], $0x80, s30, s22, $0xb8;
	[tilespmem:$0x18880] =	vst v63  }
0x4f: {  	_ =	swait.ge [sflag:s25], $0x4000  }
0x50: {  	[sflag:s25] =	ssyncset.done $0x0  }
0x51: {  	[sflag:s25] =	ssyncadd.s32 $0xFFFFC000  }
0x52: {  	_ =	swait.ge [sflag:s25], $0x4000  }
0x53: {  	[sflag:s25] =	ssyncset.done $0x0  }
0x54: {  	[sflag:s25] =	ssyncadd.s32 $0xFFFFC000  }
0x55: {  	_ =	swait.ge [sflag:s25], $0x4000  }
0x56: {  	[sflag:s25] =	ssyncset.done $0x0  }
0x57: {  	s29 =	simm.s32 $0x680;
	[sflag:s25] =	ssyncadd.s32 $0xFFFFC000  }
0x58: {  	v0 =	vld [tilespmem:s29+$0x30]  }
0x59: {  	s0 =	simm.s32 $0x10680;
	v1 =	vld [tilespmem:s29+$0x70]  }
0x5a: {  	v2 =	vld [tilespmem:s0+$0x30]  }
0x5b: {  	v3 =	vld [tilespmem:s0+$0x70]  }
0x5c: {  	v4 =	vld [tilespmem:s29+$0x20]  }
0x5d: {  	v5 =	vld [tilespmem:s29+$0x60]  }
0x5e: {  	v6 =	vld [tilespmem:s0+$0x20]  }
0x5f: {  	v7 =	vld [tilespmem:s0+$0x60]  }
0x60: {  	v8 =	vld [tilespmem:s29+$0x0]  }
0x61: {  	v9 =	vld [tilespmem:s29+$0x40]  }
0x62: {  	v10 =	vld [tilespmem:s0+$0x0]  }
0x63: {  	v11 =	vld [tilespmem:s0+$0x40]  }
0x64: {  	v12 =	vld [tilespmem:s29+$0x10]  }
0x65: {  	v13 =	vld [tilespmem:s29+$0x50]  }
0x66: {  	v14 =	vld [tilespmem:s0+$0x10]  }
0x67: {  	v15 =	vld [tilespmem:s0+$0x50]  }
0x68: {  	s3 =	simm.s32 $0x8680;
	v16 =	vld [tilespmem:s29+$0xFFFFFFC0]  }
0x69: {  	v17 =	vld [tilespmem:s3+$0x30]  }
0x6a: {  	v18 =	vld [tilespmem:s3+$0x0]  }
0x6b: {  	v19 =	vld [tilespmem:s3+$0x40]  }
0x6c: {  	v20 =	vld [tilespmem:s3+$0x10]  }
0x6d: {  	v21 =	vld [tilespmem:s3+$0x50]  }
0x6e: {  	v22 =	vld [tilespmem:s3+$0x20]  }
0x6f: {  	v23 =	vld [tilespmem:s3+$0x60]  }
0x70: {  	v24 =	vld [tilespmem:s3+$0x70]  }
0x71: {  	v25 =	vld [tilespmem:s0+$0xFFFFFF80]  }
0x72: {  	v26 =	vld [tilespmem:s0+$0xFFFFFFC0]  }
0x73: {  	v27 =	vld [tilespmem:s29+$0xFFFFFF90]  }
0x74: {  	v28 =	vld [tilespmem:s29+$0xFFFFFFD0]  }
0x75: {  	v29 =	vld [tilespmem:s0+$0xFFFFFF90]  }
0x76: {  	v30 =	vld [tilespmem:s0+$0xFFFFFFD0];
	v35 =	vmul.f32 v2, v0  }
0x77: {  	v31 =	vld [tilespmem:s29+$0xFFFFFF80];
	v36 =	vmul.f32 v3, v1;
	v38 =	vmul.f32 v6, v4  }
0x78: {  	v32 =	vld [tilespmem:s29+$0xFFFFFFA0];
	v39 =	vmul.f32 v7, v5;
	v41 =	vmul.f32 v10, v8  }
0x79: {  	v33 =	vld [tilespmem:s29+$0xFFFFFFE0];
	v42 =	vmul.f32 v11, v9;
	v8 =	vmul.f32 v11, v8  }
0x7a: {  	v34 =	vld [tilespmem:s0+$0xFFFFFFA0];
	v9 =	vmul.f32 v10, v9;
	v11 =	vmul.f32 v14, v12  }
0x7b: {  	v37 =	vld [tilespmem:s0+$0xFFFFFFE0];
	v12 =	vmul.f32 v15, v12;
	v15 =	vmul.f32 v15, v13  }
0x7c: {  	v40 =	vld [tilespmem:s3+$0xFFFFFF80];
	v13 =	vmul.f32 v14, v13;
	v0 =	vmul.f32 v3, v0  }
0x7d: {  	v43 =	vld [tilespmem:s3+$0xFFFFFFC0];
	v4 =	vmul.f32 v7, v4;
	v5 =	vmul.f32 v6, v5  }
0x7e: {  	v52 =	vld [tilespmem:s3+$0xFFFFFFD0];
	v1 =	vmul.f32 v2, v1;
	v54 =	vmul.f32 v26, v16  }
0x7f: {  	v53 =	vld [tilespmem:s29+$0xFFFFFFB0];
	v55 =	vmul.f32 v25, v31;
	v56 =	vmul.f32 v30, v28;
	v35 =	vsub.f32 v35, v36  }
0x80: {  	v10 =	vld [tilespmem:s3+$0xFFFFFF90];
	v57 =	vmul.f32 v26, v31;
	v14 =	vsub.f32 v38, v39;
	v3 =	vsub.f32 v41, v42  }
0x81: {  	v60 =	vmul.f32 v29, v28;
	v8 =	vadd.f32 v8, v9;
	v9 =	vld [tilespmem:s29+$0xFFFFFFF0];
	v7 =	vsub.f32 v11, v15  }
0x82: {  	v62 =	vmul.f32 v34, v32;
	v11 =	vadd.f32 v12, v13;
	v12 =	vld [tilespmem:s0+$0xFFFFFFB0];
	v4 =	vadd.f32 v4, v5;
	s29 =	simm.s32 $0x10780  }
0x83: {  	v63 =	vmul.f32 v37, v33;
	v0 =	vadd.f32 v0, v1;
	v61 =	vld [tilespmem:s29+$0x20];
	v3 =	vsub.f32 v3, v18  }
0x84: {  	v39 =	vmul.f32 v34, v33;
	v44 =	vld [tilespmem:s29+$0x0];
	v6 =	vsub.f32 v8, v19;
	v2 =	vsub.f32 v7, v20  }
0x85: {  	v46 =	vld [tilespmem:s29+$0x40];
	v7 =	vsub.f32 v11, v21;
	v4 =	vsub.f32 v4, v23;
	v3 =	vmul.f32 v3, v3  }
0x86: {  	v8 =	vld [tilespmem:s0+$0xFFFFFFF0];
	v0 =	vsub.f32 v0, v24;
	v5 =	vmul.f32 v6, v6;
	v1 =	vmul.f32 v2, v2  }
0x87: {  	v11 =	vld [tilespmem:s3+$0xFFFFFFA0];
	v13 =	vsub.f32 v14, v22;
	v2 =	vmul.f32 v7, v7;
	v4 =	vmul.f32 v4, v4  }
0x88: {  	v42 =	vsub.f32 v62, v63;
	v14 =	vld [tilespmem:s3+$0xFFFFFFF0];
	v0 =	vmul.f32 v0, v0;
	v45 =	vmul.f32 v12, v53  }
0x89: {  	v6 =	vld [tilespmem:s3+$0xFFFFFFE0];
	v3 =	vadd.f32 v5, v3;
	v1 =	vadd.f32 v2, v1;
	v5 =	vmul.f32 v13, v13  }
0x8a: {  	v7 =	vld [tilespmem:s3+$0xFFFFFFB0];
	s3 =	simm.s32 $0x780;
	v12 =	vmul.f32 v12, v9;
	v13 =	vsub.f32 v35, v17;
	v17 =	vsub.f32 v55, v54  }
0x8b: {  	v41 =	vld [tilespmem:s3+$0x0];
	v9 =	vmul.f32 v8, v9;
	v1 =	vadd.f32 v1, v3;
	v4 =	vadd.f32 v4, v5  }
0x8c: {  	v2 =	vld [tilespmem:s3+$0x30];
	v11 =	vsub.f32 v42, v11;
	v3 =	vmul.f32 v25, v16;
	v5 =	vmul.f32 v29, v27  }
0x8d: {  	v16 =	vld [tilespmem:s29+$0x30];
	v17 =	vsub.f32 v17, v40;
	v1 =	vadd.f32 v4, v1;
	v4 =	vmul.f32 v30, v27  }
0x8e: {  	v19 =	vld [tilespmem:s29+$0x70];
	v40 =	vmul.f32 v37, v32;
	v9 =	vsub.f32 v45, v9;
	v5 =	vsub.f32 v5, v56  }
0x8f: {  	v15 =	vld [tilespmem:s3+$0x70];
	v8 =	vmul.f32 v8, v53;
	v3 =	vadd.f32 v57, v3;
	v4 =	vadd.f32 v4, v60  }
0x90: {  	v58 =	vld [tilespmem:s3+$0x20];
	v11 =	vmul.f32 v11, v11;
	v5 =	vsub.f32 v5, v10;
	v10 =	vadd.f32 v40, v39  }
0x91: {  	v47 =	vld [tilespmem:s3+$0x10];
	v17 =	vmul.f32 v17, v17;
	v50 =	vmul.f32 v44, v41;
	v4 =	vsub.f32 v4, v52  }
0x92: {  	v3 =	vsub.f32 v3, v43;
	v57 =	vmul.f32 v16, v2;
	v6 =	vsub.f32 v10, v6;
	v10 =	vld [tilespmem:s29+$0x10]  }
0x93: {  	v48 =	vld [tilespmem:s3+$0x50];
	v5 =	vmul.f32 v5, v5;
	v4 =	vmul.f32 v4, v4  }
0x94: {  	v59 =	vld [tilespmem:s3+$0x60];
	v7 =	vsub.f32 v9, v7;
	v2 =	vmul.f32 v19, v2;
	v3 =	vmul.f32 v3, v3  }
0x95: {  	v35 =	vld [tilespmem:s29+$0x60];
	v19 =	vmul.f32 v19, v15;
	v4 =	vadd.f32 v4, v5;
	v5 =	vadd.f32 v8, v12  }
0x96: {  	v43 =	vld [tilespmem:s3+$0x40];
	v52 =	vmul.f32 v46, v41;
	v3 =	vadd.f32 v3, v17;
	v6 =	vmul.f32 v6, v6  }
0x97: {  	s30 =	simm.s32 $0x8780;
	v8 =	vld [tilespmem:s29+$0x50];
	v12 =	vmul.f32 v13, v13;
	v54 =	vmul.f32 v10, v47;
	v5 =	vsub.f32 v5, v14  }
0x98: {  	v49 =	vld [tilespmem:s30+$0x10];
	v10 =	vmul.f32 v10, v48;
	v3 =	vadd.f32 v4, v3;
	v4 =	vadd.f32 v6, v11  }
0x99: {  	v51 =	vld [tilespmem:s30+$0x50];
	v6 =	vmul.f32 v7, v7;
	v0 =	vadd.f32 v0, v12;
	v11 =	vmul.f32 v61, v58  }
0x9a: {  	v55 =	vld [tilespmem:s30+$0x60];
	v14 =	vmul.f32 v35, v58;
	v5 =	vmul.f32 v5, v5;
	v3 =	vadd.f32 v4, v3  }
0x9b: {  	v53 =	vld [tilespmem:s30+$0x20];
	v4 =	vmul.f32 v35, v59;
	v0 =	vadd.f32 v0, v1;
	v1 =	vmul.f32 v46, v43  }
0x9c: {  	v7 =	vld [tilespmem:s30+$0x0];
	v17 =	vmul.f32 v8, v47;
	v8 =	vmul.f32 v8, v48;
	v5 =	vadd.f32 v5, v6  }
0x9d: {  	v12 =	vld [tilespmem:s30+$0x40];
	v6 =	vmul.f32 v61, v59;
	v4 =	vsub.f32 v11, v4;
	v1 =	vsub.f32 v50, v1  }
0x9e: {  	v56 =	vld [tilespmem:s29+$0xFFFFFFC0];
	v8 =	vsub.f32 v54, v8;
	v3 =	vadd.f32 v5, v3;
	v5 =	vmul.f32 v44, v43  }
0x9f: {  	v9 =	vld [tilespmem:s3+$0xFFFFFFC0];
	v10 =	vadd.f32 v17, v10;
	v17 =	vsub.f32 v57, v19  }
0xa0: {  	v13 =	vld [tilespmem:s30+$0x30];
	v6 =	vadd.f32 v14, v6;
	v5 =	vadd.f32 v52, v5  }
0xa1: {  	v60 =	vld [tilespmem:s3+$0xFFFFFF80];
	v1 =	vsub.f32 v1, v7;
	v8 =	vsub.f32 v8, v49  }
0xa2: {  	v15 =	vmul.f32 v16, v15;
	v11 =	vld [tilespmem:s30+$0x70];
	v10 =	vsub.f32 v10, v51;
	v5 =	vsub.f32 v5, v12  }
0xa3: {  	v4 =	vsub.f32 v4, v53;
	v1 =	vmul.f32 v1, v1;
	v8 =	vmul.f32 v8, v8  }
0xa4: {  	v14 =	vld [tilespmem:s29+$0xFFFFFF80];
	v6 =	vsub.f32 v6, v55;
	v10 =	vmul.f32 v10, v10;
	v5 =	vmul.f32 v5, v5  }
0xa5: {  	v62 =	vld [tilespmem:s30+$0xFFFFFFD0];
	v2 =	vadd.f32 v2, v15;
	(xrf2) =	vadd.scan.msk.f32 $0xffff, v0;
	v0 =	vsub.f32 v17, v13;
	v4 =	vmul.f32 v4, v4  }
0xa6: {  	v58 =	vld [tilespmem:s29+$0xFFFFFF90];
	v6 =	vmul.f32 v6, v6;
	v1 =	vadd.f32 v5, v1;
	v5 =	vadd.f32 v10, v8  }
0xa7: {  	v59 =	vld [tilespmem:s29+$0xFFFFFFD0];
	v61 =	vmul.f32 v56, v60;
	(xrf2) =	vadd.scan.msk.f32 $0xffff, v3;
	v3 =	vmul.f32 v56, v9;
	v2 =	vsub.f32 v2, v11  }
0xa8: {  	v7 =	vld [tilespmem:s3+$0xFFFFFF90];
	v0 =	vmul.f32 v0, v0;
	v4 =	vadd.f32 v6, v4;
	v1 =	vadd.f32 v5, v1  }
0xa9: {  	v12 =	vld [tilespmem:s3+$0xFFFFFFD0];
	v2 =	vmul.f32 v2, v2;
	v9 =	vmul.f32 v14, v9  }
0xaa: {  	v1 =	vadd.f32 v4, v1;
	v4 =	vld [tilespmem:s30+$0xFFFFFFC0]  }
0xab: {  	v15 =	vld [tilespmem:s3+$0xFFFFFFA0];
	v0 =	vadd.f32 v2, v0;
	v9 =	vadd.f32 v61, v9  }
0xac: {  	v6 =	vld [tilespmem:s30+$0xFFFFFF80]  }
0xad: {  	v8 =	vld [tilespmem:s3+$0xFFFFFFE0];
	v63 =	vadd.f32 v0, v1  }
0xae: {  	v11 =	vmul.f32 v58, v7;
	v10 =	vld [tilespmem:s29+$0xFFFFFFA0]  }
0xaf: {  	v14 =	vmul.f32 v14, v60;
	v2 =	vmul.f32 v59, v12;
	v5 =	vld [tilespmem:s29+$0xFFFFFFE0];
	v4 =	vsub.f32 v9, v4;
	v9, _, _ =	vpop (xrf2);
	(xrf2) =	vadd.scan.msk.f32 $0xffff, v63  }
0xb0: {  	v13 =	vld [tilespmem:s30+$0xFFFFFF90];
	v7 =	vmul.f32 v59, v7  }
0xb1: {  	v3 =	vsub.f32 v14, v3;
	v14 =	vld [tilespmem:s29+$0xFFFFFFB0];
	v2 =	vsub.f32 v11, v2;
	v11 =	vmul.f32 v58, v12  }
0xb2: {  	v0 =	vld [tilespmem:s3+$0xFFFFFFB0]  }
0xb3: {  	v7 =	vadd.f32 v7, v11;
	v11 =	vmul.f32 v10, v15;
	v1 =	vld [tilespmem:s3+$0xFFFFFFF0]  }
0xb4: {  	v6 =	vsub.f32 v3, v6;
	v3 =	vld [tilespmem:s29+$0xFFFFFFF0];
	v10 =	vmul.f32 v10, v8;
	v8 =	vmul.f32 v5, v8  }
0xb5: {  	s31 =	simm.s32 $0x18601;
	v12 =	vsub.f32 v2, v13;
	v5 =	vmul.f32 v5, v15;
	v13 =	vsub.f32 v7, v62;
	v7 =	vld [tilespmem:s30+$0xFFFFFFA0]  }
0xb6: {  	v6 =	vmul.f32 v6, v6;
	v2 =	vsub.f32 v11, v8;
	[tilespmem:s31+$0x0] =	vst.msk vm0, v9;
	v9 =	vld [tilespmem:s30+$0xFFFFFFE0];
	v8 =	vmul.f32 v4, v4  }
0xb7: {  	v5 =	vadd.f32 v5, v10;
	v10 =	vmul.f32 v12, v12;
	v13 =	vmul.f32 v13, v13;
	v15, _, _ =	vpop (xrf2);
	v4 =	vld [tilespmem:s30+$0xFFFFFFB0]  }
0xb8: {  	s0 =	simm.s32 $0x2;
	s3 =	simm.s32 $0x880;
	[tilespmem:s31+$0xFFFFFFFF] =	vst.msk vm0, v15;
	v12 =	vmul.f32 v14, v0;
	v11 =	vmul.f32 v14, v1;
	v8 =	vadd.f32 v8, v6;
	v6 =	vld [tilespmem:s30+$0xFFFFFFF0]  }
.LBB2_2:
0xb9: {  	v14 =	vld [tilespmem:s3+$0x30];
	v10 =	vadd.f32 v13, v10;
	v1 =	vmul.f32 v3, v1;
	v0 =	vmul.f32 v3, v0;
	v3, _, _ =	vpop (xrf2);
	s31 =	sadd.s32 $0x2, s31  }
0xba: {  	s29 =	sadd.s32 $0x100, s29;
	v13 =	vld [tilespmem:s3+$0x70];
	v2 =	vsub.f32 v2, v7;
	[tilespmem:s31+$0x0] =	vst.msk vm0, v3  }
0xbb: {  	v3 =	vld [tilespmem:s29+$0x30];
	v5 =	vsub.f32 v5, v9;
	v1 =	vsub.f32 v12, v1  }
0xbc: {  	v8 =	vadd.f32 v10, v8;
	v0 =	vadd.f32 v0, v11;
	v7 =	vld [tilespmem:s29+$0x70];
	v2 =	vmul.f32 v2, v2  }
0xbd: {  	v9 =	vld [tilespmem:s3+$0x20];
	v5 =	vmul.f32 v5, v5;
	v1 =	vsub.f32 v1, v4  }
0xbe: {  	v0 =	vsub.f32 v0, v6;
	v4 =	vld [tilespmem:s3+$0x60]  }
0xbf: {  	v6 =	vld [tilespmem:s29+$0x20];
	v2 =	vadd.f32 v5, v2;
	v1 =	vmul.f32 v1, v1  }
0xc0: {  	v0 =	vmul.f32 v0, v0;
	v5 =	vld [tilespmem:s29+$0x60]  }
0xc1: {  	v10 =	vld [tilespmem:s3+$0x0];
	v2 =	vadd.f32 v2, v8  }
0xc2: {  	v0 =	vadd.f32 v0, v1;
	v8 =	vld [tilespmem:s3+$0x40]  }
0xc3: {  	v1 =	vld [tilespmem:s29+$0x0]  }
0xc4: {  	v0 =	vadd.f32 v0, v2;
	v11 =	vld [tilespmem:s29+$0x40]  }
0xc5: {  	v2 =	vld [tilespmem:s3+$0x10]  }
0xc6: {  	v12 =	vld [tilespmem:s3+$0x50];
	(xrf2) =	vadd.scan.msk.f32 $0xffff, v0  }
0xc7: {  	v15 =	vmul.f32 v3, v14;
	v16 =	vmul.f32 v7, v13;
	v0 =	vld [tilespmem:s29+$0x10]  }
0xc8: {  	v3 =	vmul.f32 v3, v13;
	v7 =	vmul.f32 v7, v14;
	v17 =	vld [tilespmem:s29+$0x50]  }
0xc9: {  	s30 =	sadd.s32 $0x100, s30;
	v14 =	vmul.f32 v6, v9;
	v18 =	vmul.f32 v5, v4;
	v13 =	vld [tilespmem:s3+$0xFFFFFFC0]  }
0xca: {  	s0 =	sadd.s32 $0x2, s0;
	v5 =	vmul.f32 v5, v9;
	v4 =	vmul.f32 v6, v4;
	v6 =	vld [tilespmem:s30+$0x30]  }
0xcb: {  	p0 =	slt.u32 s0, $0x7E;
	v19 =	vmul.f32 v1, v10;
	v20 =	vmul.f32 v11, v8;
	v9 =	vld [tilespmem:s30+$0x0]  }
0xcc: {  	v1 =	vmul.f32 v1, v8;
	v10 =	vmul.f32 v11, v10;
	v21 =	vld [tilespmem:s30+$0x40]  }
0xcd: {  	v11 =	vmul.f32 v0, v2;
	v8 =	vld [tilespmem:s30+$0x10];
	v22 =	vmul.f32 v17, v12  }
0xce: {  	v15 =	vsub.f32 v15, v16;
	v3 =	vadd.f32 v7, v3;
	v2 =	vmul.f32 v17, v2;
	v23 =	vld [tilespmem:s30+$0x50]  }
0xcf: {  	v4 =	vadd.f32 v5, v4;
	v0 =	vmul.f32 v0, v12;
	v12 =	vsub.f32 v14, v18;
	v7 =	vld [tilespmem:s30+$0x20]  }
0xd0: {  	v5 =	vsub.f32 v19, v20;
	v1 =	vadd.f32 v10, v1;
	v10 =	vld [tilespmem:s30+$0x60];
	v14, _, _ =	vpop (xrf2)  }
0xd1: {  	v11 =	vsub.f32 v11, v22;
	v0 =	vadd.f32 v2, v0;
	v2 =	vld [tilespmem:s30+$0x70];
	[tilespmem:s31+$0xFFFFFFFF] =	vst.msk vm0, v14  }
0xd2: {  	v5 =	vsub.f32 v5, v9;
	v1 =	vsub.f32 v1, v21;
	v14 =	vld [tilespmem:s29+$0xFFFFFF80]  }
0xd3: {  	v8 =	vsub.f32 v11, v8;
	v9 =	vld [tilespmem:s29+$0xFFFFFFC0];
	v0 =	vsub.f32 v0, v23  }
0xd4: {  	v5 =	vmul.f32 v5, v5;
	v1 =	vmul.f32 v1, v1;
	v11 =	vld [tilespmem:s3+$0xFFFFFF90];
	v7 =	vsub.f32 v12, v7  }
0xd5: {  	v8 =	vmul.f32 v8, v8;
	v12 =	vld [tilespmem:s3+$0xFFFFFFD0];
	v0 =	vmul.f32 v0, v0;
	v4 =	vsub.f32 v4, v10  }
0xd6: {  	v6 =	vsub.f32 v15, v6;
	v10 =	vld [tilespmem:s29+$0xFFFFFF90];
	v7 =	vmul.f32 v7, v7;
	v2 =	vsub.f32 v3, v2  }
0xd7: {  	v1 =	vadd.f32 v1, v5;
	v3 =	vld [tilespmem:s29+$0xFFFFFFD0];
	v0 =	vadd.f32 v0, v8;
	v4 =	vmul.f32 v4, v4  }
0xd8: {  	v6 =	vmul.f32 v6, v6;
	v5 =	vld [tilespmem:s3+$0xFFFFFF80];
	v8 =	vmul.f32 v9, v13  }
0xd9: {  	v2 =	vmul.f32 v2, v2;
	v15 =	vld [tilespmem:s3+$0xFFFFFFA0];
	v0 =	vadd.f32 v0, v1;
	v1 =	vadd.f32 v4, v7  }
0xda: {  	v4 =	vmul.f32 v14, v13;
	v7 =	vld [tilespmem:s3+$0xFFFFFFE0]  }
0xdb: {  	v13 =	vmul.f32 v10, v11;
	v16 =	vld [tilespmem:s29+$0xFFFFFFA0];
	v0 =	vadd.f32 v1, v0;
	v1 =	vadd.f32 v2, v6  }
0xdc: {  	v2 =	vmul.f32 v3, v12;
	v3 =	vmul.f32 v3, v11;
	v6 =	vld [tilespmem:s29+$0xFFFFFFE0]  }
0xdd: {  	v11 =	vld [tilespmem:s30+$0xFFFFFF80];
	v14 =	vmul.f32 v14, v5;
	v5 =	vmul.f32 v9, v5;
	v0 =	vadd.f32 v1, v0  }
0xde: {  	v1 =	vmul.f32 v10, v12;
	v9 =	vld [tilespmem:s30+$0xFFFFFFC0];
	v13 =	vsub.f32 v13, v2  }
0xdf: {  	v2 =	vsub.f32 v14, v8;
	v4 =	vadd.f32 v5, v4;
	v5 =	vld [tilespmem:s30+$0xFFFFFF90];
	(xrf2) =	vadd.scan.msk.f32 $0xffff, v0  }
0xe0: {  	v10 =	vadd.f32 v3, v1;
	v8 =	vld [tilespmem:s30+$0xFFFFFFD0];
	v3 =	vmul.f32 v16, v15;
	v12 =	vmul.f32 v16, v7  }
0xe1: {  	v7 =	vmul.f32 v6, v7;
	v6 =	vmul.f32 v6, v15;
	v0 =	vld [tilespmem:s3+$0xFFFFFFB0]  }
0xe2: {  	v11 =	vsub.f32 v2, v11;
	v1 =	vld [tilespmem:s3+$0xFFFFFFF0]  }
0xe3: {  	v4 =	vsub.f32 v4, v9;
	v2 =	vsub.f32 v3, v7;
	v14 =	vld [tilespmem:s29+$0xFFFFFFB0]  }
.Ltmp0:
0xe4: {  	v11 =	vmul.f32 v11, v11;
	v9 =	vsub.f32 v13, v5;
	v5 =	vadd.f32 v6, v12;
	v3 =	vld [tilespmem:s29+$0xFFFFFFF0];
	(pc) =	sbr.rel @p0 .LBB2_2-.Ltmp0, $4  }
0xe5: {  	v4 =	vmul.f32 v4, v4;
	v6 =	vsub.f32 v10, v8;
	v7 =	vld [tilespmem:s30+$0xFFFFFFA0]  }
0xe6: {  	v10 =	vmul.f32 v9, v9;
	v9 =	vld [tilespmem:s30+$0xFFFFFFE0]  }
0xe7: {  	v8 =	vadd.f32 v4, v11;
	v13 =	vmul.f32 v6, v6;
	v4 =	vld [tilespmem:s30+$0xFFFFFFB0]  }
0xe8: {  	s3 =	sadd.s32 $0x100, s3;
	v6 =	vld [tilespmem:s30+$0xFFFFFFF0];
	v12 =	vmul.f32 v14, v0;
	v11 =	vmul.f32 v14, v1  }
0xe9: {  	_ = 	snop  }
0xea: {  	v1 =	vmul.f32 v3, v1;
	v0 =	vmul.f32 v3, v0  }
0xeb: {  	v2 =	vsub.f32 v2, v7;
	v3 =	vsub.f32 v5, v9  }
0xec: {  	v1 =	vsub.f32 v12, v1;
	v0 =	vadd.f32 v0, v11  }
0xed: {  	v5 =	vadd.f32 v13, v10;
	v2 =	vmul.f32 v2, v2  }
0xee: {  	v3 =	vmul.f32 v3, v3;
	v1 =	vsub.f32 v1, v4;
	v0 =	vsub.f32 v0, v6  }
0xef: {  	v4 =	vadd.f32 v5, v8  }
0xf0: {  	v2 =	vadd.f32 v3, v2;
	v1 =	vmul.f32 v1, v1;
	v0 =	vmul.f32 v0, v0;
	_ =	sdelay $0x1  }
0xf1: {  	v2 =	vadd.f32 v2, v4;
	v0 =	vadd.f32 v0, v1;
	_ =	sdelay $0x1  }
0xf2: {  	v0 =	vadd.f32 v0, v2;
	_ =	sdelay $0x1  }
0xf3: {  	(xrf2) =	vadd.scan.msk.f32 $0xffff, v0;
	_ =	sdelay $0x8  }
0xf4: {  	s0 =	sadd.s32 $0x2, s31;
	v0, _, _ =	vpop (xrf2)  }
0xf5: {  	[tilespmem:s0+$0x0] =	vst.msk vm0, v0;
	v0, _, _ =	vpop (xrf2)  }
0xf6: {  	s31 =	simm.s32 $0x100;
	s3 =	simm.s32 $0x600;
	[tilespmem:s0+$0xFFFFFFFF] =	vst.msk vm0, v0  }
0xf7: {  	[tilespmem:s3], [sflag:$0x1] =	stream.indirect.gather [hbm4b:s1+s22], $0x80, s31, s22, $0xb8;
	[tilespmem:$0x18880] =	vst v63  }
0xf8: {  	s3 =	simm.s32 $0x500;
	s31 =	simm.s32 $0x8600  }
0xf9: {  	[tilespmem:s31], [sflag:$0x1] =	stream.indirect.gather [hbm4b:s1+s22], $0x80, s3, s22, $0xb8;
	[tilespmem:$0x18880] =	vst v63  }
0xfa: {  	s3 =	simm.s32 $0x300  }
0xfb: {  	[tilespmem:s20], [sflag:$0x1] =	stream.indirect.gather [hbm4b:s4+s22], $0x80, s3, s22, $0xb8;
	[tilespmem:$0x18880] =	vst v63  }
0xfc: {  	_ =	swait.ge [sflag:s26], $0x4000  }
0xfd: {  	[sflag:s26] =	ssyncset.done $0x0  }
0xfe: {  	[sflag:s26] =	ssyncadd.s32 $0xFFFFC000  }
0xff: {  	_ =	swait.ge [sflag:s26], $0x4000  }
0x100: {  	[sflag:s26] =	ssyncset.done $0x0  }
0x101: {  	[sflag:s26] =	ssyncadd.s32 $0xFFFFC000  }
0x102: {  	_ =	swait.ge [sflag:s26], $0x4000  }
0x103: {  	[sflag:s26] =	ssyncset.done $0x0  }
0x104: {  	s31 =	simm.s32 $0x0;
	[sflag:s26] =	ssyncadd.s32 $0xFFFFC000  }
0x105: {  	v0 =	vld [tilespmem:s31+$0x46B0]  }
0x106: {  	v1 =	vld [tilespmem:s31+$0x46F0]  }
0x107: {  	v2 =	vld [tilespmem:s31+$0x146B0]  }
0x108: {  	v3 =	vld [tilespmem:s31+$0x146F0]  }
0x109: {  	v4 =	vld [tilespmem:s31+$0x46A0]  }
0x10a: {  	v5 =	vld [tilespmem:s31+$0x46E0]  }
0x10b: {  	v6 =	vld [tilespmem:s31+$0x146A0]  }
0x10c: {  	v7 =	vld [tilespmem:s31+$0x146E0]  }
0x10d: {  	v8 =	vld [tilespmem:s31+$0x4680]  }
0x10e: {  	v9 =	vld [tilespmem:s31+$0x46C0]  }
0x10f: {  	v10 =	vld [tilespmem:s31+$0x14680]  }
0x110: {  	v11 =	vld [tilespmem:s31+$0x146C0]  }
0x111: {  	v61 =	vld [tilespmem:s31+$0x4690]  }
0x112: {  	v62 =	vld [tilespmem:s31+$0x46D0]  }
0x113: {  	v14 =	vld [tilespmem:s31+$0x14690]  }
0x114: {  	v15 =	vld [tilespmem:s31+$0x146D0]  }
0x115: {  	v16 =	vld [tilespmem:s31+$0x4600]  }
0x116: {  	v17 =	vld [tilespmem:s31+$0xC6B0]  }
0x117: {  	v18 =	vld [tilespmem:s31+$0xC680]  }
0x118: {  	v19 =	vld [tilespmem:s31+$0xC6C0]  }
0x119: {  	v20 =	vld [tilespmem:s31+$0xC690]  }
0x11a: {  	v21 =	vld [tilespmem:s31+$0xC6D0]  }
0x11b: {  	v22 =	vld [tilespmem:s31+$0xC6A0]  }
0x11c: {  	v23 =	vld [tilespmem:s31+$0xC6E0]  }
0x11d: {  	v24 =	vld [tilespmem:s31+$0xC6F0]  }
0x11e: {  	v25 =	vld [tilespmem:s31+$0x4640]  }
0x11f: {  	v26 =	vld [tilespmem:s31+$0x14600]  }
0x120: {  	v27 =	vld [tilespmem:s31+$0x14640]  }
0x121: {  	v28 =	vld [tilespmem:s31+$0x4610]  }
0x122: {  	v29 =	vld [tilespmem:s31+$0x4650]  }
0x123: {  	v30 =	vld [tilespmem:s31+$0x14610]  }
0x124: {  	v31 =	vld [tilespmem:s31+$0x14650];
	v33 =	vmul.f32 v2, v0  }
0x125: {  	v32 =	vld [tilespmem:s31+$0x4620];
	v35 =	vmul.f32 v3, v1;
	v36 =	vmul.f32 v6, v4  }
0x126: {  	v34 =	vld [tilespmem:s31+$0x4660];
	v38 =	vmul.f32 v7, v5;
	v4 =	vmul.f32 v7, v4  }
0x127: {  	v37 =	vld [tilespmem:s31+$0x14620];
	v5 =	vmul.f32 v6, v5;
	v6 =	vmul.f32 v10, v8  }
0x128: {  	v39 =	vld [tilespmem:s31+$0xC600];
	v40 =	vmul.f32 v11, v9;
	v8 =	vmul.f32 v11, v8  }
0x129: {  	v41 =	vld [tilespmem:s31+$0xC610];
	v9 =	vmul.f32 v10, v9;
	v10 =	vmul.f32 v14, v61  }
0x12a: {  	v63 =	vld [tilespmem:s31+$0xC650];
	v12 =	vmul.f32 v15, v61;
	v15 =	vmul.f32 v15, v62  }
0x12b: {  	v43 =	vld [tilespmem:s31+$0x14630];
	v13 =	vmul.f32 v14, v62;
	v0 =	vmul.f32 v3, v0  }
0x12c: {  	v44 =	vld [tilespmem:s31+$0xC620];
	v1 =	vmul.f32 v2, v1;
	v49 =	vmul.f32 v27, v25;
	v33 =	vsub.f32 v33, v35  }
0x12d: {  	v45 =	vld [tilespmem:s31+$0xC660];
	v50 =	vmul.f32 v26, v25;
	v42 =	vsub.f32 v36, v38;
	v4 =	vadd.f32 v4, v5  }
0x12e: {  	v7 =	vld [tilespmem:s31+$0x14660];
	v51 =	vmul.f32 v31, v29;
	v6 =	vsub.f32 v6, v40;
	v8 =	vadd.f32 v8, v9  }
0x12f: {  	v46 =	vld [tilespmem:s31+$0xC630];
	v53 =	vmul.f32 v30, v29;
	v10 =	vsub.f32 v10, v15;
	v12 =	vadd.f32 v12, v13  }
0x130: {  	s29 =	simm.s32 $0x100;
	v48 =	vld [tilespmem:s31+$0xC670];
	v54 =	vmul.f32 v31, v28;
	v0 =	vadd.f32 v0, v1;
	v3 =	vsub.f32 v6, v18  }
0x131: {  	v52 =	vld [tilespmem:s29+$0x146F0];
	v57 =	vmul.f32 v37, v32;
	v6 =	vsub.f32 v8, v19;
	v2 =	vsub.f32 v10, v20  }
0x132: {  	v55 =	vld [tilespmem:s29+$0x46A0];
	v60 =	vmul.f32 v37, v34;
	v10 =	vsub.f32 v12, v21;
	v14 =	vsub.f32 v42, v22  }
0x133: {  	v37 =	vld [tilespmem:s29+$0x46D0];
	v4 =	vsub.f32 v4, v23;
	v47 =	vsub.f32 v33, v17;
	v58 =	vmul.f32 v7, v34  }
0x134: {  	v35 =	vld [tilespmem:s29+$0x4690];
	v19 =	vadd.f32 v54, v53;
	v3 =	vmul.f32 v3, v3;
	v6 =	vmul.f32 v6, v6  }
0x135: {  	v38 =	vld [tilespmem:s29+$0x146D0];
	v0 =	vsub.f32 v0, v24;
	v2 =	vmul.f32 v2, v2;
	v10 =	vmul.f32 v10, v10  }
0x136: {  	v9 =	vld [tilespmem:s31+$0x4670];
	v7 =	vmul.f32 v7, v32;
	v1 =	vmul.f32 v14, v14;
	v19 =	vsub.f32 v19, v63  }
0x137: {  	v8 =	vld [tilespmem:s31+$0x14670];
	v4 =	vmul.f32 v4, v4;
	v3 =	vadd.f32 v6, v3;
	v2 =	vadd.f32 v10, v2  }
0x138: {  	v11 =	vld [tilespmem:s31+$0xC640];
	v14 =	vmul.f32 v47, v47;
	v0 =	vmul.f32 v0, v0;
	v22 =	vsub.f32 v57, v58  }
0x139: {  	v20 =	vld [tilespmem:s29+$0x46F0];
	v10 =	vmul.f32 v26, v16;
	v2 =	vadd.f32 v2, v3;
	v3 =	vmul.f32 v27, v16  }
0x13a: {  	v61 =	vld [tilespmem:s29+$0x4680];
	v12 =	vmul.f32 v38, v35;
	v13 =	vmul.f32 v38, v37;
	v1 =	vadd.f32 v4, v1  }
0x13b: {  	v34 =	vld [tilespmem:s29+$0x146C0];
	v4 =	vmul.f32 v30, v28;
	v10 =	vsub.f32 v10, v49;
	v3 =	vadd.f32 v3, v50  }
0x13c: {  	v5 =	vld [tilespmem:s31+$0x4630];
	v7 =	vadd.f32 v7, v60;
	v36 =	vmul.f32 v19, v19;
	v33 =	vmul.f32 v8, v9  }
0x13d: {  	v59 =	vld [tilespmem:s29+$0x146A0];
	v9 =	vmul.f32 v43, v9;
	v10 =	vsub.f32 v10, v39;
	v3 =	vsub.f32 v3, v11  }
0x13e: {  	v62 =	vld [tilespmem:s29+$0x46C0];
	v7 =	vsub.f32 v7, v45;
	v40 =	vmul.f32 v52, v20;
	v4 =	vsub.f32 v4, v51  }
0x13f: {  	v21 =	vld [tilespmem:s29+$0x146B0];
	v0 =	vadd.f32 v0, v14;
	v10 =	vmul.f32 v10, v10;
	v3 =	vmul.f32 v3, v3  }
0x140: {  	v63 =	vld [tilespmem:s29+$0x14680];
	v24 =	vmul.f32 v34, v61;
	v7 =	vmul.f32 v7, v7;
	v4 =	vsub.f32 v4, v41  }
0x141: {  	v6 =	vld [tilespmem:s29+$0x46B0];
	v1 =	vadd.f32 v1, v2;
	v3 =	vadd.f32 v3, v10;
	v10 =	vmul.f32 v43, v5  }
0x142: {  	v41 =	vmul.f32 v59, v55;
	v5 =	vmul.f32 v8, v5;
	v8 =	vsub.f32 v22, v44  }
0x143: {  	v56 =	vld [tilespmem:s29+$0x46E0];
	v4 =	vmul.f32 v4, v4;
	v0 =	vadd.f32 v0, v1;
	v10 =	vsub.f32 v10, v33  }
0x144: {  	v11 =	vld [tilespmem:s29+$0x146E0];
	v1 =	vmul.f32 v34, v62;
	v5 =	vadd.f32 v5, v9;
	v8 =	vmul.f32 v8, v8  }
0x145: {  	v4 =	vadd.f32 v36, v4;
	v44 =	vmul.f32 v63, v61;
	v9 =	vld [tilespmem:s29+$0x14690];
	v10 =	vsub.f32 v10, v46  }
0x146: {  	v42 =	vld [tilespmem:s29+$0xC6C0];
	v5 =	vsub.f32 v5, v48;
	v7 =	vadd.f32 v7, v8;
	v8 =	vmul.f32 v21, v6  }
0x147: {  	v53 =	vld [tilespmem:s29+$0x4650];
	v2 =	vadd.f32 v4, v3;
	v6 =	vmul.f32 v52, v6;
	v52 =	vmul.f32 v21, v20  }
0x148: {  	v45 =	vld [tilespmem:s29+$0xC6D0];
	v1 =	vsub.f32 v44, v1;
	v3 =	vmul.f32 v10, v10;
	v5 =	vmul.f32 v5, v5  }
0x149: {  	v43 =	vld [tilespmem:s29+$0xC690];
	v2 =	vadd.f32 v7, v2;
	v7 =	vmul.f32 v11, v56;
	v11 =	vmul.f32 v11, v55  }
0x14a: {  	v10 =	vld [tilespmem:s29+$0xC680];
	v8 =	vsub.f32 v8, v40;
	v47 =	vmul.f32 v9, v35;
	v3 =	vadd.f32 v5, v3  }
0x14b: {  	v49 =	vld [tilespmem:s29+$0xC6F0];
	v6 =	vadd.f32 v6, v52;
	v9 =	vmul.f32 v9, v37;
	v5 =	vmul.f32 v59, v56  }
0x14c: {  	v46 =	vld [tilespmem:s29+$0xC6A0];
	v7 =	vsub.f32 v41, v7;
	v2 =	vadd.f32 v3, v2;
	v3 =	vmul.f32 v63, v62  }
0x14d: {  	v48 =	vld [tilespmem:s29+$0xC6E0];
	v13 =	vsub.f32 v47, v13;
	v9 =	vadd.f32 v12, v9  }
0x14e: {  	v4 =	vld [tilespmem:s29+$0xC6B0];
	v5 =	vadd.f32 v11, v5;
	v3 =	vadd.f32 v24, v3  }
0x14f: {  	v54 =	vld [tilespmem:s29+$0x14610];
	v1 =	vsub.f32 v1, v10;
	v13 =	vsub.f32 v13, v43  }
0x150: {  	v58 =	vld [tilespmem:s29+$0xC640];
	v9 =	vsub.f32 v9, v45;
	v3 =	vsub.f32 v3, v42  }
0x151: {  	v51 =	vld [tilespmem:s29+$0x14640];
	v7 =	vsub.f32 v7, v46;
	v1 =	vmul.f32 v1, v1;
	v13 =	vmul.f32 v13, v13  }
0x152: {  	v39 =	vld [tilespmem:s29+$0x4600];
	(xrf2) =	vadd.scan.msk.f32 $0xffff, v0;
	v5 =	vsub.f32 v5, v48;
	v9 =	vmul.f32 v9, v9;
	v3 =	vmul.f32 v3, v3  }
0x153: {  	v50 =	vld [tilespmem:s29+$0x14600];
	v4 =	vsub.f32 v8, v4;
	v7 =	vmul.f32 v7, v7;
	(xrf2) =	vadd.scan.msk.f32 $0xffff, v2;
	v2 =	vsub.f32 v6, v49  }
0x154: {  	v55 =	vld [tilespmem:s29+$0x14650];
	v0 =	vadd.f32 v3, v1;
	v1 =	vadd.f32 v9, v13;
	v3 =	vmul.f32 v5, v5  }
0x155: {  	v8 =	vld [tilespmem:s29+$0x4620];
	v4 =	vmul.f32 v4, v4  }
0x156: {  	v11 =	vld [tilespmem:s29+$0x4640];
	v2 =	vmul.f32 v2, v2;
	v0 =	vadd.f32 v1, v0;
	v1 =	vadd.f32 v3, v7  }
0x157: {  	v10 =	vld [tilespmem:s29+$0x4610]  }
0x158: {  	v56 =	vld [tilespmem:s29+$0xC600];
	v4 =	vadd.f32 v2, v4;
	v57 =	vadd.f32 v1, v0  }
0x159: {  	v5 =	vld [tilespmem:s29+$0x4660]  }
0x15a: {  	v12 =	vmul.f32 v51, v39;
	v6 =	vmul.f32 v50, v39;
	v9 =	vld [tilespmem:s29+$0x14620];
	v14 =	vadd.f32 v4, v57  }
0x15b: {  	v3 =	vld [tilespmem:s29+$0x14660];
	v7 =	vmul.f32 v51, v11;
	v11 =	vmul.f32 v50, v11  }
0x15c: {  	v59 =	vld [tilespmem:s29+$0xC610];
	v62, _, _ =	vpop (xrf2);
	v0 =	vmul.f32 v54, v10;
	v1 =	vmul.f32 v55, v53;
	(xrf2) =	vadd.scan.msk.f32 $0xffff, v14  }
0x15d: {  	v2 =	vsub.f32 v6, v7;
	v6 =	vmul.f32 v54, v53;
	v7 =	vmul.f32 v55, v10;
	v10 =	vld [tilespmem:s29+$0xC650]  }
0x15e: {  	v11 =	vadd.f32 v12, v11;
	v60 =	vsub.f32 v0, v1;
	v0 =	vld [tilespmem:s29+$0x4630]  }
0x15f: {  	v6 =	vadd.f32 v7, v6;
	v7 =	vmul.f32 v9, v8;
	v13 =	vsub.f32 v2, v56;
	v1 =	vld [tilespmem:s29+$0x4670]  }
0x160: {  	v9 =	vmul.f32 v9, v5;
	v11 =	vsub.f32 v11, v58;
	v2 =	vld [tilespmem:s29+$0x14630];
	v61 =	vmul.f32 v3, v5  }
0x161: {  	v4 =	vmul.f32 v3, v8;
	v5 =	vld [tilespmem:s29+$0x14670];
	v13 =	vmul.f32 v13, v13  }
0x162: {  	s30 =	simm.s32 $0x18681;
	v3, _, _ =	vpop (xrf2);
	v8 =	vld [tilespmem:s29+$0xC620];
	v12 =	vsub.f32 v60, v59;
	v11 =	vmul.f32 v11, v11;
	v63 =	vsub.f32 v6, v10  }
0x163: {  	[tilespmem:s30+$0xFFFFFFFF] =	vst.msk vm0, v3;
	v3 =	vsub.f32 v7, v61;
	v4 =	vadd.f32 v4, v9;
	v9 =	vld [tilespmem:s29+$0xC660]  }
0x164: {  	s0 =	simm.s32 $0x2;
	s3 =	simm.s32 $0x800;
	[tilespmem:s30+$0x0] =	vst.msk vm0, v62;
	v7 =	vld [tilespmem:s29+$0xC630];
	v10 =	vmul.f32 v12, v12;
	v6 =	vadd.f32 v11, v13;
	v11 =	vmul.f32 v63, v63  }
.LBB2_4:
0x165: {  	v12 =	vld [tilespmem:s29+$0xC670];
	s29 =	sshra.s32 s3, $0x2;
	v13 =	vmul.f32 v2, v0;
	v2 =	vmul.f32 v2, v1  }
0x166: {  	s30 =	sadd.s32 $0x2, s30;
	v14 =	vld [tilespmem:s29+$0x46B0];
	v10 =	vadd.f32 v11, v10;
	v1 =	vmul.f32 v5, v1;
	v0 =	vmul.f32 v5, v0;
	v5, _, _ =	vpop (xrf2)  }
0x167: {  	v11 =	vld [tilespmem:s29+$0x46F0];
	v3 =	vsub.f32 v3, v8;
	[tilespmem:s30+$0x0] =	vst.msk vm0, v5  }
0x168: {  	v5 =	vld [tilespmem:s29+$0x146B0];
	v4 =	vsub.f32 v4, v9;
	v1 =	vsub.f32 v13, v1  }
0x169: {  	v6 =	vadd.f32 v10, v6;
	v0 =	vadd.f32 v0, v2;
	v8 =	vld [tilespmem:s29+$0x146F0];
	v3 =	vmul.f32 v3, v3  }
0x16a: {  	v2 =	vld [tilespmem:s29+$0x46A0];
	v4 =	vmul.f32 v4, v4;
	v1 =	vsub.f32 v1, v7  }
0x16b: {  	v0 =	vsub.f32 v0, v12;
	v7 =	vld [tilespmem:s29+$0x46E0]  }
0x16c: {  	v9 =	vld [tilespmem:s29+$0x146A0];
	v3 =	vadd.f32 v4, v3;
	v1 =	vmul.f32 v1, v1  }
0x16d: {  	v0 =	vmul.f32 v0, v0;
	v4 =	vld [tilespmem:s29+$0x146E0]  }
0x16e: {  	v10 =	vld [tilespmem:s29+$0x4680];
	v3 =	vadd.f32 v3, v6  }
0x16f: {  	v0 =	vadd.f32 v0, v1;
	v6 =	vld [tilespmem:s29+$0x46C0]  }
0x170: {  	v1 =	vld [tilespmem:s29+$0x14680]  }
0x171: {  	v0 =	vadd.f32 v0, v3;
	v12 =	vld [tilespmem:s29+$0x146C0]  }
0x172: {  	v3 =	vld [tilespmem:s29+$0x4690]  }
0x173: {  	v13 =	vld [tilespmem:s29+$0x46D0];
	(xrf2) =	vadd.scan.msk.f32 $0xffff, v0  }
0x174: {  	v15 =	vmul.f32 v5, v14;
	v16 =	vmul.f32 v8, v11;
	v0 =	vld [tilespmem:s29+$0x14690]  }
0x175: {  	v5 =	vmul.f32 v5, v11;
	v8 =	vmul.f32 v8, v14;
	v17 =	vld [tilespmem:s29+$0x146D0]  }
0x176: {  	s0 =	sadd.s32 $0x2, s0;
	v14 =	vmul.f32 v9, v2;
	v18 =	vmul.f32 v4, v7;
	v11 =	vld [tilespmem:s29+$0x4600]  }
0x177: {  	p0 =	slt.u32 s0, $0x7E;
	v2 =	vmul.f32 v4, v2;
	v4 =	vmul.f32 v9, v7;
	v7 =	vld [tilespmem:s29+$0xC6B0]  }
0x178: {  	v19 =	vmul.f32 v1, v10;
	v20 =	vmul.f32 v12, v6;
	v9 =	vld [tilespmem:s29+$0xC680]  }
0x179: {  	v1 =	vmul.f32 v1, v6;
	v10 =	vmul.f32 v12, v10;
	v21 =	vld [tilespmem:s29+$0xC6C0]  }
0x17a: {  	v12 =	vmul.f32 v0, v3;
	v6 =	vld [tilespmem:s29+$0xC690];
	v22 =	vmul.f32 v17, v13  }
0x17b: {  	v15 =	vsub.f32 v15, v16;
	v5 =	vadd.f32 v8, v5;
	v3 =	vmul.f32 v17, v3;
	v23 =	vld [tilespmem:s29+$0xC6D0]  }
0x17c: {  	v2 =	vadd.f32 v2, v4;
	v0 =	vmul.f32 v0, v13;
	v13 =	vsub.f32 v14, v18;
	v8 =	vld [tilespmem:s29+$0xC6A0]  }
0x17d: {  	v4 =	vsub.f32 v19, v20;
	v1 =	vadd.f32 v10, v1;
	v10 =	vld [tilespmem:s29+$0xC6E0];
	v14, _, _ =	vpop (xrf2)  }
0x17e: {  	v12 =	vsub.f32 v12, v22;
	v0 =	vadd.f32 v3, v0;
	v3 =	vld [tilespmem:s29+$0xC6F0];
	[tilespmem:s30+$0xFFFFFFFF] =	vst.msk vm0, v14  }
0x17f: {  	v4 =	vsub.f32 v4, v9;
	v1 =	vsub.f32 v1, v21;
	v14 =	vld [tilespmem:s29+$0x4640]  }
0x180: {  	v6 =	vsub.f32 v12, v6;
	v9 =	vld [tilespmem:s29+$0x14600];
	v0 =	vsub.f32 v0, v23  }
0x181: {  	v4 =	vmul.f32 v4, v4;
	v1 =	vmul.f32 v1, v1;
	v12 =	vld [tilespmem:s29+$0x14640];
	v8 =	vsub.f32 v13, v8  }
0x182: {  	v6 =	vmul.f32 v6, v6;
	v13 =	vld [tilespmem:s29+$0x4610];
	v0 =	vmul.f32 v0, v0;
	v2 =	vsub.f32 v2, v10  }
0x183: {  	v7 =	vsub.f32 v15, v7;
	v10 =	vld [tilespmem:s29+$0x4650];
	v8 =	vmul.f32 v8, v8;
	v3 =	vsub.f32 v5, v3  }
0x184: {  	v1 =	vadd.f32 v1, v4;
	v5 =	vld [tilespmem:s29+$0x14610];
	v0 =	vadd.f32 v0, v6;
	v2 =	vmul.f32 v2, v2  }
0x185: {  	v7 =	vmul.f32 v7, v7;
	v4 =	vmul.f32 v9, v11;
	v6 =	vld [tilespmem:s29+$0x14650]  }
0x186: {  	v15 =	vld [tilespmem:s29+$0x4620];
	v0 =	vadd.f32 v0, v1;
	v1 =	vadd.f32 v2, v8;
	v2 =	vmul.f32 v3, v3  }
0x187: {  	v3 =	vmul.f32 v12, v14;
	v8 =	vmul.f32 v12, v11;
	v11 =	vld [tilespmem:s29+$0x4660]  }
0x188: {  	v9 =	vmul.f32 v9, v14;
	v12 =	vld [tilespmem:s29+$0x14620];
	v0 =	vadd.f32 v1, v0;
	v1 =	vadd.f32 v2, v7  }
0x189: {  	v2 =	vsub.f32 v4, v3;
	v3 =	vmul.f32 v5, v13;
	v4 =	vmul.f32 v5, v10;
	v5 =	vld [tilespmem:s29+$0x14660]  }
0x18a: {  	v7 =	vld [tilespmem:s29+$0xC600];
	v10 =	vmul.f32 v6, v10;
	v6 =	vmul.f32 v6, v13;
	v0 =	vadd.f32 v1, v0  }
0x18b: {  	v8 =	vadd.f32 v8, v9;
	v13 =	vld [tilespmem:s29+$0xC640]  }
0x18c: {  	v9 =	vld [tilespmem:s29+$0xC610];
	v10 =	vsub.f32 v3, v10;
	v6 =	vadd.f32 v6, v4;
	(xrf2) =	vadd.scan.msk.f32 $0xffff, v0  }
0x18d: {  	v14 =	vld [tilespmem:s29+$0xC650];
	v3 =	vmul.f32 v12, v15;
	v4 =	vmul.f32 v12, v11  }
0x18e: {  	v11 =	vmul.f32 v5, v11;
	v5 =	vmul.f32 v5, v15;
	v0 =	vld [tilespmem:s29+$0x4630]  }
0x18f: {  	v7 =	vsub.f32 v2, v7;
	v1 =	vld [tilespmem:s29+$0x4670]  }
.Ltmp1:
0x190: {  	v8 =	vsub.f32 v8, v13;
	v3 =	vsub.f32 v3, v11;
	v2 =	vld [tilespmem:s29+$0x14630];
	(pc) =	sbr.rel @p0 .LBB2_4-.Ltmp1, $4  }
0x191: {  	v4 =	vadd.f32 v5, v4;
	v7 =	vmul.f32 v7, v7;
	v9 =	vsub.f32 v10, v9;
	v5 =	vld [tilespmem:s29+$0x14670]  }
0x192: {  	v11 =	vmul.f32 v8, v8;
	v12 =	vsub.f32 v6, v14;
	v8 =	vld [tilespmem:s29+$0xC620]  }
0x193: {  	v10 =	vmul.f32 v9, v9;
	v9 =	vld [tilespmem:s29+$0xC660]  }
0x194: {  	s3 =	sadd.s32 $0x400, s3;
	v6 =	vadd.f32 v11, v7;
	v11 =	vmul.f32 v12, v12;
	v7 =	vld [tilespmem:s29+$0xC630]  }
0x195: {  	_ = 	snop  }
0x196: {  	v12 =	vld [tilespmem:s29+$0xC670];
	v13 =	vmul.f32 v2, v0;
	v2 =	vmul.f32 v2, v1  }
0x197: {  	v1 =	vmul.f32 v5, v1;
	v0 =	vmul.f32 v5, v0  }
0x198: {  	v3 =	vsub.f32 v3, v8;
	v4 =	vsub.f32 v4, v9  }
0x199: {  	v1 =	vsub.f32 v13, v1;
	v0 =	vadd.f32 v0, v2  }
0x19a: {  	v2 =	vadd.f32 v11, v10;
	v3 =	vmul.f32 v3, v3  }
0x19b: {  	v4 =	vmul.f32 v4, v4;
	v1 =	vsub.f32 v1, v7;
	v0 =	vsub.f32 v0, v12  }
0x19c: {  	v2 =	vadd.f32 v2, v6  }
0x19d: {  	v3 =	vadd.f32 v4, v3;
	v1 =	vmul.f32 v1, v1;
	v0 =	vmul.f32 v0, v0;
	_ =	sdelay $0x1  }
0x19e: {  	v2 =	vadd.f32 v3, v2;
	v0 =	vadd.f32 v0, v1;
	_ =	sdelay $0x1  }
0x19f: {  	v0 =	vadd.f32 v0, v2;
	_ =	sdelay $0x1  }
0x1a0: {  	(xrf2) =	vadd.scan.msk.f32 $0xffff, v0;
	_ =	sdelay $0x8  }
0x1a1: {  	s0 =	sadd.s32 $0x2, s30;
	v0, _, _ =	vpop (xrf2)  }
0x1a2: {  	[tilespmem:s0+$0x0] =	vst.msk vm0, v0;
	v0, _, _ =	vpop (xrf2)  }
0x1a3: {  	s3 =	simm.s32 $0x180;
	[tilespmem:s0+$0xFFFFFFFF] =	vst.msk vm0, v0  }
0x1a4: {  	[tilespmem:s21], [sflag:$0x2] =	stream.indirect.gather [hbm4b:s1+s22], $0x80, s3, s22, $0xb8;
	[tilespmem:$0x18880] =	vst v63  }
0x1a5: {  	s3 =	simm.s32 $0x580  }
0x1a6: {  	[tilespmem:s23], [sflag:$0x2] =	stream.indirect.gather [hbm4b:s1+s22], $0x80, s3, s22, $0xb8;
	[tilespmem:$0x18880] =	vst v63  }
0x1a7: {  	s3 =	simm.s32 $0x380  }
0x1a8: {  	[tilespmem:s24], [sflag:$0x2] =	stream.indirect.gather [hbm4b:s4+s22], $0x80, s3, s22, $0xb8;
	[tilespmem:$0x18880] =	vst v63  }
0x1a9: {  	_ =	swait.ge [sflag:s25], $0x4000  }
0x1aa: {  	[sflag:s25] =	ssyncset.done $0x0  }
0x1ab: {  	[sflag:s25] =	ssyncadd.s32 $0xFFFFC000  }
0x1ac: {  	_ =	swait.ge [sflag:s25], $0x4000  }
0x1ad: {  	[sflag:s25] =	ssyncset.done $0x0  }
0x1ae: {  	[sflag:s25] =	ssyncadd.s32 $0xFFFFC000  }
0x1af: {  	_ =	swait.ge [sflag:s25], $0x4000  }
0x1b0: {  	[sflag:s25] =	ssyncset.done $0x0  }
0x1b1: {  	s29 =	simm.s32 $0x680;
	[sflag:s25] =	ssyncadd.s32 $0xFFFFC000  }
0x1b2: {  	v0 =	vld [tilespmem:s29+$0x30]  }
0x1b3: {  	s0 =	simm.s32 $0x10680;
	v1 =	vld [tilespmem:s29+$0x70]  }
0x1b4: {  	v2 =	vld [tilespmem:s0+$0x30]  }
0x1b5: {  	v3 =	vld [tilespmem:s0+$0x70]  }
0x1b6: {  	v4 =	vld [tilespmem:s29+$0x20]  }
0x1b7: {  	v5 =	vld [tilespmem:s29+$0x60]  }
0x1b8: {  	v6 =	vld [tilespmem:s0+$0x20]  }
0x1b9: {  	v7 =	vld [tilespmem:s0+$0x60]  }
0x1ba: {  	v8 =	vld [tilespmem:s29+$0x0]  }
0x1bb: {  	v9 =	vld [tilespmem:s29+$0x40]  }
0x1bc: {  	v10 =	vld [tilespmem:s0+$0x0]  }
0x1bd: {  	v11 =	vld [tilespmem:s0+$0x40]  }
0x1be: {  	v12 =	vld [tilespmem:s29+$0x10]  }
0x1bf: {  	v13 =	vld [tilespmem:s29+$0x50]  }
0x1c0: {  	v14 =	vld [tilespmem:s0+$0x10]  }
0x1c1: {  	v15 =	vld [tilespmem:s0+$0x50]  }
0x1c2: {  	s3 =	simm.s32 $0x8680;
	v16 =	vld [tilespmem:s29+$0xFFFFFFC0]  }
0x1c3: {  	v17 =	vld [tilespmem:s3+$0x30]  }
0x1c4: {  	v18 =	vld [tilespmem:s3+$0x0]  }
0x1c5: {  	v19 =	vld [tilespmem:s3+$0x40]  }
0x1c6: {  	v20 =	vld [tilespmem:s3+$0x10]  }
0x1c7: {  	v21 =	vld [tilespmem:s3+$0x50]  }
0x1c8: {  	v22 =	vld [tilespmem:s3+$0x20]  }
0x1c9: {  	v23 =	vld [tilespmem:s3+$0x60]  }
0x1ca: {  	v24 =	vld [tilespmem:s3+$0x70]  }
0x1cb: {  	v25 =	vld [tilespmem:s0+$0xFFFFFF80]  }
0x1cc: {  	v26 =	vld [tilespmem:s0+$0xFFFFFFC0]  }
0x1cd: {  	v27 =	vld [tilespmem:s29+$0xFFFFFF90]  }
0x1ce: {  	v28 =	vld [tilespmem:s29+$0xFFFFFFD0]  }
0x1cf: {  	v29 =	vld [tilespmem:s0+$0xFFFFFF90]  }
0x1d0: {  	v30 =	vld [tilespmem:s0+$0xFFFFFFD0];
	v35 =	vmul.f32 v2, v0  }
0x1d1: {  	v31 =	vld [tilespmem:s29+$0xFFFFFF80];
	v36 =	vmul.f32 v3, v1;
	v38 =	vmul.f32 v6, v4  }
0x1d2: {  	v32 =	vld [tilespmem:s29+$0xFFFFFFA0];
	v39 =	vmul.f32 v7, v5;
	v41 =	vmul.f32 v10, v8  }
0x1d3: {  	v33 =	vld [tilespmem:s29+$0xFFFFFFE0];
	v42 =	vmul.f32 v11, v9;
	v8 =	vmul.f32 v11, v8  }
0x1d4: {  	v34 =	vld [tilespmem:s0+$0xFFFFFFA0];
	v9 =	vmul.f32 v10, v9;
	v11 =	vmul.f32 v14, v12  }
0x1d5: {  	v37 =	vld [tilespmem:s0+$0xFFFFFFE0];
	v12 =	vmul.f32 v15, v12;
	v15 =	vmul.f32 v15, v13  }
0x1d6: {  	v40 =	vld [tilespmem:s3+$0xFFFFFF80];
	v13 =	vmul.f32 v14, v13;
	v0 =	vmul.f32 v3, v0  }
0x1d7: {  	v43 =	vld [tilespmem:s3+$0xFFFFFFC0];
	v4 =	vmul.f32 v7, v4;
	v5 =	vmul.f32 v6, v5  }
0x1d8: {  	v52 =	vld [tilespmem:s3+$0xFFFFFFD0];
	v1 =	vmul.f32 v2, v1;
	v54 =	vmul.f32 v26, v16  }
0x1d9: {  	v53 =	vld [tilespmem:s29+$0xFFFFFFB0];
	v55 =	vmul.f32 v25, v31;
	v56 =	vmul.f32 v30, v28;
	v35 =	vsub.f32 v35, v36  }
0x1da: {  	v10 =	vld [tilespmem:s3+$0xFFFFFF90];
	v57 =	vmul.f32 v26, v31;
	v14 =	vsub.f32 v38, v39;
	v3 =	vsub.f32 v41, v42  }
0x1db: {  	v60 =	vmul.f32 v29, v28;
	v8 =	vadd.f32 v8, v9;
	v9 =	vld [tilespmem:s29+$0xFFFFFFF0];
	v7 =	vsub.f32 v11, v15  }
0x1dc: {  	v62 =	vmul.f32 v34, v32;
	v11 =	vadd.f32 v12, v13;
	v12 =	vld [tilespmem:s0+$0xFFFFFFB0];
	v4 =	vadd.f32 v4, v5;
	s29 =	simm.s32 $0x10780  }
0x1dd: {  	v63 =	vmul.f32 v37, v33;
	v0 =	vadd.f32 v0, v1;
	v61 =	vld [tilespmem:s29+$0x20];
	v3 =	vsub.f32 v3, v18  }
0x1de: {  	v39 =	vmul.f32 v34, v33;
	v44 =	vld [tilespmem:s29+$0x0];
	v6 =	vsub.f32 v8, v19;
	v2 =	vsub.f32 v7, v20  }
0x1df: {  	v46 =	vld [tilespmem:s29+$0x40];
	v7 =	vsub.f32 v11, v21;
	v4 =	vsub.f32 v4, v23;
	v3 =	vmul.f32 v3, v3  }
0x1e0: {  	v8 =	vld [tilespmem:s0+$0xFFFFFFF0];
	v0 =	vsub.f32 v0, v24;
	v5 =	vmul.f32 v6, v6;
	v1 =	vmul.f32 v2, v2  }
0x1e1: {  	v11 =	vld [tilespmem:s3+$0xFFFFFFA0];
	v13 =	vsub.f32 v14, v22;
	v2 =	vmul.f32 v7, v7;
	v4 =	vmul.f32 v4, v4  }
0x1e2: {  	v42 =	vsub.f32 v62, v63;
	v14 =	vld [tilespmem:s3+$0xFFFFFFF0];
	v0 =	vmul.f32 v0, v0;
	v45 =	vmul.f32 v12, v53  }
0x1e3: {  	v6 =	vld [tilespmem:s3+$0xFFFFFFE0];
	v3 =	vadd.f32 v5, v3;
	v1 =	vadd.f32 v2, v1;
	v5 =	vmul.f32 v13, v13  }
0x1e4: {  	v7 =	vld [tilespmem:s3+$0xFFFFFFB0];
	s3 =	simm.s32 $0x780;
	v12 =	vmul.f32 v12, v9;
	v13 =	vsub.f32 v35, v17;
	v17 =	vsub.f32 v55, v54  }
0x1e5: {  	v41 =	vld [tilespmem:s3+$0x0];
	v9 =	vmul.f32 v8, v9;
	v1 =	vadd.f32 v1, v3;
	v4 =	vadd.f32 v4, v5  }
0x1e6: {  	v2 =	vld [tilespmem:s3+$0x30];
	v11 =	vsub.f32 v42, v11;
	v3 =	vmul.f32 v25, v16;
	v5 =	vmul.f32 v29, v27  }
0x1e7: {  	v16 =	vld [tilespmem:s29+$0x30];
	v17 =	vsub.f32 v17, v40;
	v1 =	vadd.f32 v4, v1;
	v4 =	vmul.f32 v30, v27  }
0x1e8: {  	v19 =	vld [tilespmem:s29+$0x70];
	v40 =	vmul.f32 v37, v32;
	v9 =	vsub.f32 v45, v9;
	v5 =	vsub.f32 v5, v56  }
0x1e9: {  	v15 =	vld [tilespmem:s3+$0x70];
	v8 =	vmul.f32 v8, v53;
	v3 =	vadd.f32 v57, v3;
	v4 =	vadd.f32 v4, v60  }
0x1ea: {  	v58 =	vld [tilespmem:s3+$0x20];
	v11 =	vmul.f32 v11, v11;
	v5 =	vsub.f32 v5, v10;
	v10 =	vadd.f32 v40, v39  }
0x1eb: {  	v47 =	vld [tilespmem:s3+$0x10];
	v17 =	vmul.f32 v17, v17;
	v50 =	vmul.f32 v44, v41;
	v4 =	vsub.f32 v4, v52  }
0x1ec: {  	v3 =	vsub.f32 v3, v43;
	v57 =	vmul.f32 v16, v2;
	v6 =	vsub.f32 v10, v6;
	v10 =	vld [tilespmem:s29+$0x10]  }
0x1ed: {  	v48 =	vld [tilespmem:s3+$0x50];
	v5 =	vmul.f32 v5, v5;
	v4 =	vmul.f32 v4, v4  }
0x1ee: {  	v59 =	vld [tilespmem:s3+$0x60];
	v7 =	vsub.f32 v9, v7;
	v2 =	vmul.f32 v19, v2;
	v3 =	vmul.f32 v3, v3  }
0x1ef: {  	v35 =	vld [tilespmem:s29+$0x60];
	v19 =	vmul.f32 v19, v15;
	v4 =	vadd.f32 v4, v5;
	v5 =	vadd.f32 v8, v12  }
0x1f0: {  	v43 =	vld [tilespmem:s3+$0x40];
	v52 =	vmul.f32 v46, v41;
	v3 =	vadd.f32 v3, v17;
	v6 =	vmul.f32 v6, v6  }
0x1f1: {  	s30 =	simm.s32 $0x8780;
	v8 =	vld [tilespmem:s29+$0x50];
	v12 =	vmul.f32 v13, v13;
	v54 =	vmul.f32 v10, v47;
	v5 =	vsub.f32 v5, v14  }
0x1f2: {  	v49 =	vld [tilespmem:s30+$0x10];
	v10 =	vmul.f32 v10, v48;
	v3 =	vadd.f32 v4, v3;
	v4 =	vadd.f32 v6, v11  }
0x1f3: {  	v51 =	vld [tilespmem:s30+$0x50];
	v6 =	vmul.f32 v7, v7;
	v0 =	vadd.f32 v0, v12;
	v11 =	vmul.f32 v61, v58  }
0x1f4: {  	v55 =	vld [tilespmem:s30+$0x60];
	v14 =	vmul.f32 v35, v58;
	v5 =	vmul.f32 v5, v5;
	v3 =	vadd.f32 v4, v3  }
0x1f5: {  	v53 =	vld [tilespmem:s30+$0x20];
	v4 =	vmul.f32 v35, v59;
	v0 =	vadd.f32 v0, v1;
	v1 =	vmul.f32 v46, v43  }
0x1f6: {  	v7 =	vld [tilespmem:s30+$0x0];
	v17 =	vmul.f32 v8, v47;
	v8 =	vmul.f32 v8, v48;
	v5 =	vadd.f32 v5, v6  }
0x1f7: {  	v12 =	vld [tilespmem:s30+$0x40];
	v6 =	vmul.f32 v61, v59;
	v4 =	vsub.f32 v11, v4;
	v1 =	vsub.f32 v50, v1  }
0x1f8: {  	v56 =	vld [tilespmem:s29+$0xFFFFFFC0];
	v8 =	vsub.f32 v54, v8;
	v3 =	vadd.f32 v5, v3;
	v5 =	vmul.f32 v44, v43  }
0x1f9: {  	v9 =	vld [tilespmem:s3+$0xFFFFFFC0];
	v10 =	vadd.f32 v17, v10;
	v17 =	vsub.f32 v57, v19  }
0x1fa: {  	v13 =	vld [tilespmem:s30+$0x30];
	v6 =	vadd.f32 v14, v6;
	v5 =	vadd.f32 v52, v5  }
0x1fb: {  	v60 =	vld [tilespmem:s3+$0xFFFFFF80];
	v1 =	vsub.f32 v1, v7;
	v8 =	vsub.f32 v8, v49  }
0x1fc: {  	v15 =	vmul.f32 v16, v15;
	v11 =	vld [tilespmem:s30+$0x70];
	v10 =	vsub.f32 v10, v51;
	v5 =	vsub.f32 v5, v12  }
0x1fd: {  	v4 =	vsub.f32 v4, v53;
	v1 =	vmul.f32 v1, v1;
	v8 =	vmul.f32 v8, v8  }
0x1fe: {  	v14 =	vld [tilespmem:s29+$0xFFFFFF80];
	v6 =	vsub.f32 v6, v55;
	v10 =	vmul.f32 v10, v10;
	v5 =	vmul.f32 v5, v5  }
0x1ff: {  	v62 =	vld [tilespmem:s30+$0xFFFFFFD0];
	v2 =	vadd.f32 v2, v15;
	(xrf2) =	vadd.scan.msk.f32 $0xffff, v0;
	v0 =	vsub.f32 v17, v13;
	v4 =	vmul.f32 v4, v4  }
0x200: {  	v58 =	vld [tilespmem:s29+$0xFFFFFF90];
	v6 =	vmul.f32 v6, v6;
	v1 =	vadd.f32 v5, v1;
	v5 =	vadd.f32 v10, v8  }
0x201: {  	v59 =	vld [tilespmem:s29+$0xFFFFFFD0];
	v61 =	vmul.f32 v56, v60;
	(xrf2) =	vadd.scan.msk.f32 $0xffff, v3;
	v3 =	vmul.f32 v56, v9;
	v2 =	vsub.f32 v2, v11  }
0x202: {  	v7 =	vld [tilespmem:s3+$0xFFFFFF90];
	v0 =	vmul.f32 v0, v0;
	v4 =	vadd.f32 v6, v4;
	v1 =	vadd.f32 v5, v1  }
0x203: {  	v12 =	vld [tilespmem:s3+$0xFFFFFFD0];
	v2 =	vmul.f32 v2, v2;
	v9 =	vmul.f32 v14, v9  }
0x204: {  	v1 =	vadd.f32 v4, v1;
	v4 =	vld [tilespmem:s30+$0xFFFFFFC0]  }
0x205: {  	v15 =	vld [tilespmem:s3+$0xFFFFFFA0];
	v0 =	vadd.f32 v2, v0;
	v9 =	vadd.f32 v61, v9  }
0x206: {  	v6 =	vld [tilespmem:s30+$0xFFFFFF80]  }
0x207: {  	v8 =	vld [tilespmem:s3+$0xFFFFFFE0];
	v63 =	vadd.f32 v0, v1  }
0x208: {  	v11 =	vmul.f32 v58, v7;
	v10 =	vld [tilespmem:s29+$0xFFFFFFA0]  }
0x209: {  	v14 =	vmul.f32 v14, v60;
	v2 =	vmul.f32 v59, v12;
	v5 =	vld [tilespmem:s29+$0xFFFFFFE0];
	v4 =	vsub.f32 v9, v4;
	v9, _, _ =	vpop (xrf2);
	(xrf2) =	vadd.scan.msk.f32 $0xffff, v63  }
0x20a: {  	v13 =	vld [tilespmem:s30+$0xFFFFFF90];
	v7 =	vmul.f32 v59, v7  }
0x20b: {  	v3 =	vsub.f32 v14, v3;
	v14 =	vld [tilespmem:s29+$0xFFFFFFB0];
	v2 =	vsub.f32 v11, v2;
	v11 =	vmul.f32 v58, v12  }
0x20c: {  	v0 =	vld [tilespmem:s3+$0xFFFFFFB0]  }
0x20d: {  	v7 =	vadd.f32 v7, v11;
	v11 =	vmul.f32 v10, v15;
	v1 =	vld [tilespmem:s3+$0xFFFFFFF0]  }
0x20e: {  	v6 =	vsub.f32 v3, v6;
	v3 =	vld [tilespmem:s29+$0xFFFFFFF0];
	v10 =	vmul.f32 v10, v8;
	v8 =	vmul.f32 v5, v8  }
0x20f: {  	s31 =	simm.s32 $0x18701;
	v12 =	vsub.f32 v2, v13;
	v5 =	vmul.f32 v5, v15;
	v13 =	vsub.f32 v7, v62;
	v7 =	vld [tilespmem:s30+$0xFFFFFFA0]  }
0x210: {  	v6 =	vmul.f32 v6, v6;
	v2 =	vsub.f32 v11, v8;
	[tilespmem:s31+$0x0] =	vst.msk vm0, v9;
	v9 =	vld [tilespmem:s30+$0xFFFFFFE0];
	v8 =	vmul.f32 v4, v4  }
0x211: {  	v5 =	vadd.f32 v5, v10;
	v10 =	vmul.f32 v12, v12;
	v13 =	vmul.f32 v13, v13;
	v15, _, _ =	vpop (xrf2);
	v4 =	vld [tilespmem:s30+$0xFFFFFFB0]  }
0x212: {  	s0 =	simm.s32 $0x2;
	s3 =	simm.s32 $0x880;
	[tilespmem:s31+$0xFFFFFFFF] =	vst.msk vm0, v15;
	v12 =	vmul.f32 v14, v0;
	v11 =	vmul.f32 v14, v1;
	v8 =	vadd.f32 v8, v6;
	v6 =	vld [tilespmem:s30+$0xFFFFFFF0]  }
.LBB2_6:
0x213: {  	v14 =	vld [tilespmem:s3+$0x30];
	v10 =	vadd.f32 v13, v10;
	v1 =	vmul.f32 v3, v1;
	v0 =	vmul.f32 v3, v0;
	v3, _, _ =	vpop (xrf2);
	s31 =	sadd.s32 $0x2, s31  }
0x214: {  	s29 =	sadd.s32 $0x100, s29;
	v13 =	vld [tilespmem:s3+$0x70];
	v2 =	vsub.f32 v2, v7;
	[tilespmem:s31+$0x0] =	vst.msk vm0, v3  }
0x215: {  	v3 =	vld [tilespmem:s29+$0x30];
	v5 =	vsub.f32 v5, v9;
	v1 =	vsub.f32 v12, v1  }
0x216: {  	v8 =	vadd.f32 v10, v8;
	v0 =	vadd.f32 v0, v11;
	v7 =	vld [tilespmem:s29+$0x70];
	v2 =	vmul.f32 v2, v2  }
0x217: {  	v9 =	vld [tilespmem:s3+$0x20];
	v5 =	vmul.f32 v5, v5;
	v1 =	vsub.f32 v1, v4  }
0x218: {  	v0 =	vsub.f32 v0, v6;
	v4 =	vld [tilespmem:s3+$0x60]  }
0x219: {  	v6 =	vld [tilespmem:s29+$0x20];
	v2 =	vadd.f32 v5, v2;
	v1 =	vmul.f32 v1, v1  }
0x21a: {  	v0 =	vmul.f32 v0, v0;
	v5 =	vld [tilespmem:s29+$0x60]  }
0x21b: {  	v10 =	vld [tilespmem:s3+$0x0];
	v2 =	vadd.f32 v2, v8  }
0x21c: {  	v0 =	vadd.f32 v0, v1;
	v8 =	vld [tilespmem:s3+$0x40]  }
0x21d: {  	v1 =	vld [tilespmem:s29+$0x0]  }
0x21e: {  	v0 =	vadd.f32 v0, v2;
	v11 =	vld [tilespmem:s29+$0x40]  }
0x21f: {  	v2 =	vld [tilespmem:s3+$0x10]  }
0x220: {  	v12 =	vld [tilespmem:s3+$0x50];
	(xrf2) =	vadd.scan.msk.f32 $0xffff, v0  }
0x221: {  	v15 =	vmul.f32 v3, v14;
	v16 =	vmul.f32 v7, v13;
	v0 =	vld [tilespmem:s29+$0x10]  }
0x222: {  	v3 =	vmul.f32 v3, v13;
	v7 =	vmul.f32 v7, v14;
	v17 =	vld [tilespmem:s29+$0x50]  }
0x223: {  	s30 =	sadd.s32 $0x100, s30;
	v14 =	vmul.f32 v6, v9;
	v18 =	vmul.f32 v5, v4;
	v13 =	vld [tilespmem:s3+$0xFFFFFFC0]  }
0x224: {  	s0 =	sadd.s32 $0x2, s0;
	v5 =	vmul.f32 v5, v9;
	v4 =	vmul.f32 v6, v4;
	v6 =	vld [tilespmem:s30+$0x30]  }
0x225: {  	p0 =	slt.u32 s0, $0x7E;
	v19 =	vmul.f32 v1, v10;
	v20 =	vmul.f32 v11, v8;
	v9 =	vld [tilespmem:s30+$0x0]  }
0x226: {  	v1 =	vmul.f32 v1, v8;
	v10 =	vmul.f32 v11, v10;
	v21 =	vld [tilespmem:s30+$0x40]  }
0x227: {  	v11 =	vmul.f32 v0, v2;
	v8 =	vld [tilespmem:s30+$0x10];
	v22 =	vmul.f32 v17, v12  }
0x228: {  	v15 =	vsub.f32 v15, v16;
	v3 =	vadd.f32 v7, v3;
	v2 =	vmul.f32 v17, v2;
	v23 =	vld [tilespmem:s30+$0x50]  }
0x229: {  	v4 =	vadd.f32 v5, v4;
	v0 =	vmul.f32 v0, v12;
	v12 =	vsub.f32 v14, v18;
	v7 =	vld [tilespmem:s30+$0x20]  }
0x22a: {  	v5 =	vsub.f32 v19, v20;
	v1 =	vadd.f32 v10, v1;
	v10 =	vld [tilespmem:s30+$0x60];
	v14, _, _ =	vpop (xrf2)  }
0x22b: {  	v11 =	vsub.f32 v11, v22;
	v0 =	vadd.f32 v2, v0;
	v2 =	vld [tilespmem:s30+$0x70];
	[tilespmem:s31+$0xFFFFFFFF] =	vst.msk vm0, v14  }
0x22c: {  	v5 =	vsub.f32 v5, v9;
	v1 =	vsub.f32 v1, v21;
	v14 =	vld [tilespmem:s29+$0xFFFFFF80]  }
0x22d: {  	v8 =	vsub.f32 v11, v8;
	v9 =	vld [tilespmem:s29+$0xFFFFFFC0];
	v0 =	vsub.f32 v0, v23  }
0x22e: {  	v5 =	vmul.f32 v5, v5;
	v1 =	vmul.f32 v1, v1;
	v11 =	vld [tilespmem:s3+$0xFFFFFF90];
	v7 =	vsub.f32 v12, v7  }
0x22f: {  	v8 =	vmul.f32 v8, v8;
	v12 =	vld [tilespmem:s3+$0xFFFFFFD0];
	v0 =	vmul.f32 v0, v0;
	v4 =	vsub.f32 v4, v10  }
0x230: {  	v6 =	vsub.f32 v15, v6;
	v10 =	vld [tilespmem:s29+$0xFFFFFF90];
	v7 =	vmul.f32 v7, v7;
	v2 =	vsub.f32 v3, v2  }
0x231: {  	v1 =	vadd.f32 v1, v5;
	v3 =	vld [tilespmem:s29+$0xFFFFFFD0];
	v0 =	vadd.f32 v0, v8;
	v4 =	vmul.f32 v4, v4  }
0x232: {  	v6 =	vmul.f32 v6, v6;
	v5 =	vld [tilespmem:s3+$0xFFFFFF80];
	v8 =	vmul.f32 v9, v13  }
0x233: {  	v2 =	vmul.f32 v2, v2;
	v15 =	vld [tilespmem:s3+$0xFFFFFFA0];
	v0 =	vadd.f32 v0, v1;
	v1 =	vadd.f32 v4, v7  }
0x234: {  	v4 =	vmul.f32 v14, v13;
	v7 =	vld [tilespmem:s3+$0xFFFFFFE0]  }
0x235: {  	v13 =	vmul.f32 v10, v11;
	v16 =	vld [tilespmem:s29+$0xFFFFFFA0];
	v0 =	vadd.f32 v1, v0;
	v1 =	vadd.f32 v2, v6  }
0x236: {  	v2 =	vmul.f32 v3, v12;
	v3 =	vmul.f32 v3, v11;
	v6 =	vld [tilespmem:s29+$0xFFFFFFE0]  }
0x237: {  	v11 =	vld [tilespmem:s30+$0xFFFFFF80];
	v14 =	vmul.f32 v14, v5;
	v5 =	vmul.f32 v9, v5;
	v0 =	vadd.f32 v1, v0  }
0x238: {  	v1 =	vmul.f32 v10, v12;
	v9 =	vld [tilespmem:s30+$0xFFFFFFC0];
	v13 =	vsub.f32 v13, v2  }
0x239: {  	v2 =	vsub.f32 v14, v8;
	v4 =	vadd.f32 v5, v4;
	v5 =	vld [tilespmem:s30+$0xFFFFFF90];
	(xrf2) =	vadd.scan.msk.f32 $0xffff, v0  }
0x23a: {  	v10 =	vadd.f32 v3, v1;
	v8 =	vld [tilespmem:s30+$0xFFFFFFD0];
	v3 =	vmul.f32 v16, v15;
	v12 =	vmul.f32 v16, v7  }
0x23b: {  	v7 =	vmul.f32 v6, v7;
	v6 =	vmul.f32 v6, v15;
	v0 =	vld [tilespmem:s3+$0xFFFFFFB0]  }
0x23c: {  	v11 =	vsub.f32 v2, v11;
	v1 =	vld [tilespmem:s3+$0xFFFFFFF0]  }
0x23d: {  	v4 =	vsub.f32 v4, v9;
	v2 =	vsub.f32 v3, v7;
	v14 =	vld [tilespmem:s29+$0xFFFFFFB0]  }
.Ltmp2:
0x23e: {  	v11 =	vmul.f32 v11, v11;
	v9 =	vsub.f32 v13, v5;
	v5 =	vadd.f32 v6, v12;
	v3 =	vld [tilespmem:s29+$0xFFFFFFF0];
	(pc) =	sbr.rel @p0 .LBB2_6-.Ltmp2, $4  }
0x23f: {  	v4 =	vmul.f32 v4, v4;
	v6 =	vsub.f32 v10, v8;
	v7 =	vld [tilespmem:s30+$0xFFFFFFA0]  }
0x240: {  	v10 =	vmul.f32 v9, v9;
	v9 =	vld [tilespmem:s30+$0xFFFFFFE0]  }
0x241: {  	v8 =	vadd.f32 v4, v11;
	v13 =	vmul.f32 v6, v6;
	v4 =	vld [tilespmem:s30+$0xFFFFFFB0]  }
0x242: {  	s3 =	sadd.s32 $0x100, s3;
	v6 =	vld [tilespmem:s30+$0xFFFFFFF0];
	v12 =	vmul.f32 v14, v0;
	v11 =	vmul.f32 v14, v1  }
0x243: {  	_ = 	snop  }
0x244: {  	v1 =	vmul.f32 v3, v1;
	v0 =	vmul.f32 v3, v0  }
0x245: {  	v2 =	vsub.f32 v2, v7;
	v3 =	vsub.f32 v5, v9  }
0x246: {  	v1 =	vsub.f32 v12, v1;
	v0 =	vadd.f32 v0, v11  }
0x247: {  	v5 =	vadd.f32 v13, v10;
	v2 =	vmul.f32 v2, v2  }
0x248: {  	v3 =	vmul.f32 v3, v3;
	v1 =	vsub.f32 v1, v4;
	v0 =	vsub.f32 v0, v6  }
0x249: {  	v4 =	vadd.f32 v5, v8  }
0x24a: {  	v2 =	vadd.f32 v3, v2;
	v1 =	vmul.f32 v1, v1;
	v0 =	vmul.f32 v0, v0;
	_ =	sdelay $0x1  }
0x24b: {  	v2 =	vadd.f32 v2, v4;
	v0 =	vadd.f32 v0, v1;
	_ =	sdelay $0x1  }
0x24c: {  	v0 =	vadd.f32 v0, v2;
	_ =	sdelay $0x1  }
0x24d: {  	(xrf2) =	vadd.scan.msk.f32 $0xffff, v0;
	_ =	sdelay $0x8  }
0x24e: {  	s0 =	sadd.s32 $0x2, s31;
	v0, _, _ =	vpop (xrf2)  }
0x24f: {  	[tilespmem:s0+$0x0] =	vst.msk vm0, v0;
	v0, _, _ =	vpop (xrf2)  }
0x250: {  	[tilespmem:s0+$0xFFFFFFFF] =	vst.msk vm0, v0  }
0x251: {  	_ =	swait.ge [sflag:s26], $0x4000  }
0x252: {  	[sflag:s26] =	ssyncset.done $0x0  }
0x253: {  	[sflag:s26] =	ssyncadd.s32 $0xFFFFC000  }
0x254: {  	_ =	swait.ge [sflag:s26], $0x4000  }
0x255: {  	[sflag:s26] =	ssyncset.done $0x0  }
0x256: {  	[sflag:s26] =	ssyncadd.s32 $0xFFFFC000  }
0x257: {  	_ =	swait.ge [sflag:s26], $0x4000  }
0x258: {  	[sflag:s26] =	ssyncset.done $0x0  }
0x259: {  	s31 =	simm.s32 $0x0;
	[sflag:s26] =	ssyncadd.s32 $0xFFFFC000  }
0x25a: {  	v0 =	vld [tilespmem:s31+$0x46B0]  }
0x25b: {  	v1 =	vld [tilespmem:s31+$0x46F0]  }
0x25c: {  	v2 =	vld [tilespmem:s31+$0x146B0]  }
0x25d: {  	v3 =	vld [tilespmem:s31+$0x146F0]  }
0x25e: {  	v4 =	vld [tilespmem:s31+$0x46A0]  }
0x25f: {  	v5 =	vld [tilespmem:s31+$0x46E0]  }
0x260: {  	v6 =	vld [tilespmem:s31+$0x146A0]  }
0x261: {  	v7 =	vld [tilespmem:s31+$0x146E0]  }
0x262: {  	v8 =	vld [tilespmem:s31+$0x4680]  }
0x263: {  	v9 =	vld [tilespmem:s31+$0x46C0]  }
0x264: {  	v10 =	vld [tilespmem:s31+$0x14680]  }
0x265: {  	v11 =	vld [tilespmem:s31+$0x146C0]  }
0x266: {  	v61 =	vld [tilespmem:s31+$0x4690]  }
0x267: {  	v62 =	vld [tilespmem:s31+$0x46D0]  }
0x268: {  	v14 =	vld [tilespmem:s31+$0x14690]  }
0x269: {  	v15 =	vld [tilespmem:s31+$0x146D0]  }
0x26a: {  	v16 =	vld [tilespmem:s31+$0x4600]  }
0x26b: {  	v17 =	vld [tilespmem:s31+$0xC6B0]  }
0x26c: {  	v18 =	vld [tilespmem:s31+$0xC680]  }
0x26d: {  	v19 =	vld [tilespmem:s31+$0xC6C0]  }
0x26e: {  	v20 =	vld [tilespmem:s31+$0xC690]  }
0x26f: {  	v21 =	vld [tilespmem:s31+$0xC6D0]  }
0x270: {  	v22 =	vld [tilespmem:s31+$0xC6A0]  }
0x271: {  	v23 =	vld [tilespmem:s31+$0xC6E0]  }
0x272: {  	v24 =	vld [tilespmem:s31+$0xC6F0]  }
0x273: {  	v25 =	vld [tilespmem:s31+$0x4640]  }
0x274: {  	v26 =	vld [tilespmem:s31+$0x14600]  }
0x275: {  	v27 =	vld [tilespmem:s31+$0x14640]  }
0x276: {  	v28 =	vld [tilespmem:s31+$0x4610]  }
0x277: {  	v29 =	vld [tilespmem:s31+$0x4650]  }
0x278: {  	v30 =	vld [tilespmem:s31+$0x14610]  }
0x279: {  	v31 =	vld [tilespmem:s31+$0x14650];
	v33 =	vmul.f32 v2, v0  }
0x27a: {  	v32 =	vld [tilespmem:s31+$0x4620];
	v35 =	vmul.f32 v3, v1;
	v36 =	vmul.f32 v6, v4  }
0x27b: {  	v34 =	vld [tilespmem:s31+$0x4660];
	v38 =	vmul.f32 v7, v5;
	v4 =	vmul.f32 v7, v4  }
0x27c: {  	v37 =	vld [tilespmem:s31+$0x14620];
	v5 =	vmul.f32 v6, v5;
	v6 =	vmul.f32 v10, v8  }
0x27d: {  	v39 =	vld [tilespmem:s31+$0xC600];
	v40 =	vmul.f32 v11, v9;
	v8 =	vmul.f32 v11, v8  }
0x27e: {  	v41 =	vld [tilespmem:s31+$0xC610];
	v9 =	vmul.f32 v10, v9;
	v10 =	vmul.f32 v14, v61  }
0x27f: {  	v63 =	vld [tilespmem:s31+$0xC650];
	v12 =	vmul.f32 v15, v61;
	v15 =	vmul.f32 v15, v62  }
0x280: {  	v43 =	vld [tilespmem:s31+$0x14630];
	v13 =	vmul.f32 v14, v62;
	v0 =	vmul.f32 v3, v0  }
0x281: {  	v44 =	vld [tilespmem:s31+$0xC620];
	v1 =	vmul.f32 v2, v1;
	v49 =	vmul.f32 v27, v25;
	v33 =	vsub.f32 v33, v35  }
0x282: {  	v45 =	vld [tilespmem:s31+$0xC660];
	v50 =	vmul.f32 v26, v25;
	v42 =	vsub.f32 v36, v38;
	v4 =	vadd.f32 v4, v5  }
0x283: {  	v7 =	vld [tilespmem:s31+$0x14660];
	v51 =	vmul.f32 v31, v29;
	v6 =	vsub.f32 v6, v40;
	v8 =	vadd.f32 v8, v9  }
0x284: {  	v46 =	vld [tilespmem:s31+$0xC630];
	v53 =	vmul.f32 v30, v29;
	v10 =	vsub.f32 v10, v15;
	v12 =	vadd.f32 v12, v13  }
0x285: {  	s29 =	simm.s32 $0x100;
	v48 =	vld [tilespmem:s31+$0xC670];
	v54 =	vmul.f32 v31, v28;
	v0 =	vadd.f32 v0, v1;
	v3 =	vsub.f32 v6, v18  }
0x286: {  	v52 =	vld [tilespmem:s29+$0x146F0];
	v57 =	vmul.f32 v37, v32;
	v6 =	vsub.f32 v8, v19;
	v2 =	vsub.f32 v10, v20  }
0x287: {  	v55 =	vld [tilespmem:s29+$0x46A0];
	v60 =	vmul.f32 v37, v34;
	v10 =	vsub.f32 v12, v21;
	v14 =	vsub.f32 v42, v22  }
0x288: {  	v37 =	vld [tilespmem:s29+$0x46D0];
	v4 =	vsub.f32 v4, v23;
	v47 =	vsub.f32 v33, v17;
	v58 =	vmul.f32 v7, v34  }
0x289: {  	v35 =	vld [tilespmem:s29+$0x4690];
	v19 =	vadd.f32 v54, v53;
	v3 =	vmul.f32 v3, v3;
	v6 =	vmul.f32 v6, v6  }
0x28a: {  	v38 =	vld [tilespmem:s29+$0x146D0];
	v0 =	vsub.f32 v0, v24;
	v2 =	vmul.f32 v2, v2;
	v10 =	vmul.f32 v10, v10  }
0x28b: {  	v9 =	vld [tilespmem:s31+$0x4670];
	v7 =	vmul.f32 v7, v32;
	v1 =	vmul.f32 v14, v14;
	v19 =	vsub.f32 v19, v63  }
0x28c: {  	v8 =	vld [tilespmem:s31+$0x14670];
	v4 =	vmul.f32 v4, v4;
	v3 =	vadd.f32 v6, v3;
	v2 =	vadd.f32 v10, v2  }
0x28d: {  	v11 =	vld [tilespmem:s31+$0xC640];
	v14 =	vmul.f32 v47, v47;
	v0 =	vmul.f32 v0, v0;
	v22 =	vsub.f32 v57, v58  }
0x28e: {  	v20 =	vld [tilespmem:s29+$0x46F0];
	v10 =	vmul.f32 v26, v16;
	v2 =	vadd.f32 v2, v3;
	v3 =	vmul.f32 v27, v16  }
0x28f: {  	v61 =	vld [tilespmem:s29+$0x4680];
	v12 =	vmul.f32 v38, v35;
	v13 =	vmul.f32 v38, v37;
	v1 =	vadd.f32 v4, v1  }
0x290: {  	v34 =	vld [tilespmem:s29+$0x146C0];
	v4 =	vmul.f32 v30, v28;
	v10 =	vsub.f32 v10, v49;
	v3 =	vadd.f32 v3, v50  }
0x291: {  	v5 =	vld [tilespmem:s31+$0x4630];
	v7 =	vadd.f32 v7, v60;
	v36 =	vmul.f32 v19, v19;
	v33 =	vmul.f32 v8, v9  }
0x292: {  	v59 =	vld [tilespmem:s29+$0x146A0];
	v9 =	vmul.f32 v43, v9;
	v10 =	vsub.f32 v10, v39;
	v3 =	vsub.f32 v3, v11  }
0x293: {  	v62 =	vld [tilespmem:s29+$0x46C0];
	v7 =	vsub.f32 v7, v45;
	v40 =	vmul.f32 v52, v20;
	v4 =	vsub.f32 v4, v51  }
0x294: {  	v21 =	vld [tilespmem:s29+$0x146B0];
	v0 =	vadd.f32 v0, v14;
	v10 =	vmul.f32 v10, v10;
	v3 =	vmul.f32 v3, v3  }
0x295: {  	v63 =	vld [tilespmem:s29+$0x14680];
	v24 =	vmul.f32 v34, v61;
	v7 =	vmul.f32 v7, v7;
	v4 =	vsub.f32 v4, v41  }
0x296: {  	v6 =	vld [tilespmem:s29+$0x46B0];
	v1 =	vadd.f32 v1, v2;
	v3 =	vadd.f32 v3, v10;
	v10 =	vmul.f32 v43, v5  }
0x297: {  	v41 =	vmul.f32 v59, v55;
	v5 =	vmul.f32 v8, v5;
	v8 =	vsub.f32 v22, v44  }
0x298: {  	v56 =	vld [tilespmem:s29+$0x46E0];
	v4 =	vmul.f32 v4, v4;
	v0 =	vadd.f32 v0, v1;
	v10 =	vsub.f32 v10, v33  }
0x299: {  	v11 =	vld [tilespmem:s29+$0x146E0];
	v1 =	vmul.f32 v34, v62;
	v5 =	vadd.f32 v5, v9;
	v8 =	vmul.f32 v8, v8  }
0x29a: {  	v4 =	vadd.f32 v36, v4;
	v44 =	vmul.f32 v63, v61;
	v9 =	vld [tilespmem:s29+$0x14690];
	v10 =	vsub.f32 v10, v46  }
0x29b: {  	v42 =	vld [tilespmem:s29+$0xC6C0];
	v5 =	vsub.f32 v5, v48;
	v7 =	vadd.f32 v7, v8;
	v8 =	vmul.f32 v21, v6  }
0x29c: {  	v53 =	vld [tilespmem:s29+$0x4650];
	v2 =	vadd.f32 v4, v3;
	v6 =	vmul.f32 v52, v6;
	v52 =	vmul.f32 v21, v20  }
0x29d: {  	v45 =	vld [tilespmem:s29+$0xC6D0];
	v1 =	vsub.f32 v44, v1;
	v3 =	vmul.f32 v10, v10;
	v5 =	vmul.f32 v5, v5  }
0x29e: {  	v43 =	vld [tilespmem:s29+$0xC690];
	v2 =	vadd.f32 v7, v2;
	v7 =	vmul.f32 v11, v56;
	v11 =	vmul.f32 v11, v55  }
0x29f: {  	v10 =	vld [tilespmem:s29+$0xC680];
	v8 =	vsub.f32 v8, v40;
	v47 =	vmul.f32 v9, v35;
	v3 =	vadd.f32 v5, v3  }
0x2a0: {  	v49 =	vld [tilespmem:s29+$0xC6F0];
	v6 =	vadd.f32 v6, v52;
	v9 =	vmul.f32 v9, v37;
	v5 =	vmul.f32 v59, v56  }
0x2a1: {  	v46 =	vld [tilespmem:s29+$0xC6A0];
	v7 =	vsub.f32 v41, v7;
	v2 =	vadd.f32 v3, v2;
	v3 =	vmul.f32 v63, v62  }
0x2a2: {  	v48 =	vld [tilespmem:s29+$0xC6E0];
	v13 =	vsub.f32 v47, v13;
	v9 =	vadd.f32 v12, v9  }
0x2a3: {  	v4 =	vld [tilespmem:s29+$0xC6B0];
	v5 =	vadd.f32 v11, v5;
	v3 =	vadd.f32 v24, v3  }
0x2a4: {  	v54 =	vld [tilespmem:s29+$0x14610];
	v1 =	vsub.f32 v1, v10;
	v13 =	vsub.f32 v13, v43  }
0x2a5: {  	v58 =	vld [tilespmem:s29+$0xC640];
	v9 =	vsub.f32 v9, v45;
	v3 =	vsub.f32 v3, v42  }
0x2a6: {  	v51 =	vld [tilespmem:s29+$0x14640];
	v7 =	vsub.f32 v7, v46;
	v1 =	vmul.f32 v1, v1;
	v13 =	vmul.f32 v13, v13  }
0x2a7: {  	v39 =	vld [tilespmem:s29+$0x4600];
	(xrf2) =	vadd.scan.msk.f32 $0xffff, v0;
	v5 =	vsub.f32 v5, v48;
	v9 =	vmul.f32 v9, v9;
	v3 =	vmul.f32 v3, v3  }
0x2a8: {  	v50 =	vld [tilespmem:s29+$0x14600];
	v4 =	vsub.f32 v8, v4;
	v7 =	vmul.f32 v7, v7;
	(xrf2) =	vadd.scan.msk.f32 $0xffff, v2;
	v2 =	vsub.f32 v6, v49  }
0x2a9: {  	v55 =	vld [tilespmem:s29+$0x14650];
	v0 =	vadd.f32 v3, v1;
	v1 =	vadd.f32 v9, v13;
	v3 =	vmul.f32 v5, v5  }
0x2aa: {  	v8 =	vld [tilespmem:s29+$0x4620];
	v4 =	vmul.f32 v4, v4  }
0x2ab: {  	v11 =	vld [tilespmem:s29+$0x4640];
	v2 =	vmul.f32 v2, v2;
	v0 =	vadd.f32 v1, v0;
	v1 =	vadd.f32 v3, v7  }
0x2ac: {  	v10 =	vld [tilespmem:s29+$0x4610]  }
0x2ad: {  	v56 =	vld [tilespmem:s29+$0xC600];
	v4 =	vadd.f32 v2, v4;
	v57 =	vadd.f32 v1, v0  }
0x2ae: {  	v5 =	vld [tilespmem:s29+$0x4660]  }
0x2af: {  	v12 =	vmul.f32 v51, v39;
	v6 =	vmul.f32 v50, v39;
	v9 =	vld [tilespmem:s29+$0x14620];
	v14 =	vadd.f32 v4, v57  }
0x2b0: {  	v3 =	vld [tilespmem:s29+$0x14660];
	v7 =	vmul.f32 v51, v11;
	v11 =	vmul.f32 v50, v11  }
0x2b1: {  	v59 =	vld [tilespmem:s29+$0xC610];
	v62, _, _ =	vpop (xrf2);
	v0 =	vmul.f32 v54, v10;
	v1 =	vmul.f32 v55, v53;
	(xrf2) =	vadd.scan.msk.f32 $0xffff, v14  }
0x2b2: {  	v2 =	vsub.f32 v6, v7;
	v6 =	vmul.f32 v54, v53;
	v7 =	vmul.f32 v55, v10;
	v10 =	vld [tilespmem:s29+$0xC650]  }
0x2b3: {  	v11 =	vadd.f32 v12, v11;
	v60 =	vsub.f32 v0, v1;
	v0 =	vld [tilespmem:s29+$0x4630]  }
0x2b4: {  	v6 =	vadd.f32 v7, v6;
	v7 =	vmul.f32 v9, v8;
	v13 =	vsub.f32 v2, v56;
	v1 =	vld [tilespmem:s29+$0x4670]  }
0x2b5: {  	v9 =	vmul.f32 v9, v5;
	v11 =	vsub.f32 v11, v58;
	v2 =	vld [tilespmem:s29+$0x14630];
	v61 =	vmul.f32 v3, v5  }
0x2b6: {  	v4 =	vmul.f32 v3, v8;
	v5 =	vld [tilespmem:s29+$0x14670];
	v13 =	vmul.f32 v13, v13  }
0x2b7: {  	s30 =	simm.s32 $0x18781;
	v3, _, _ =	vpop (xrf2);
	v8 =	vld [tilespmem:s29+$0xC620];
	v12 =	vsub.f32 v60, v59;
	v11 =	vmul.f32 v11, v11;
	v63 =	vsub.f32 v6, v10  }
0x2b8: {  	[tilespmem:s30+$0xFFFFFFFF] =	vst.msk vm0, v3;
	v3 =	vsub.f32 v7, v61;
	v4 =	vadd.f32 v4, v9;
	v9 =	vld [tilespmem:s29+$0xC660]  }
0x2b9: {  	s3 =	simm.s32 $0x800;
	s0 =	simm.s32 $0x2;
	[tilespmem:s30+$0x0] =	vst.msk vm0, v62;
	v7 =	vld [tilespmem:s29+$0xC630];
	v10 =	vmul.f32 v12, v12;
	v6 =	vadd.f32 v11, v13;
	v11 =	vmul.f32 v63, v63  }
.LBB2_8:
0x2ba: {  	v12 =	vld [tilespmem:s29+$0xC670];
	s29 =	sshra.s32 s3, $0x2;
	v13 =	vmul.f32 v2, v0;
	v2 =	vmul.f32 v2, v1  }
0x2bb: {  	s30 =	sadd.s32 $0x2, s30;
	v14 =	vld [tilespmem:s29+$0x46B0];
	v10 =	vadd.f32 v11, v10;
	v1 =	vmul.f32 v5, v1;
	v0 =	vmul.f32 v5, v0;
	v5, _, _ =	vpop (xrf2)  }
0x2bc: {  	v11 =	vld [tilespmem:s29+$0x46F0];
	v3 =	vsub.f32 v3, v8;
	[tilespmem:s30+$0x0] =	vst.msk vm0, v5  }
0x2bd: {  	v5 =	vld [tilespmem:s29+$0x146B0];
	v4 =	vsub.f32 v4, v9;
	v1 =	vsub.f32 v13, v1  }
0x2be: {  	v6 =	vadd.f32 v10, v6;
	v0 =	vadd.f32 v0, v2;
	v8 =	vld [tilespmem:s29+$0x146F0];
	v3 =	vmul.f32 v3, v3  }
0x2bf: {  	v2 =	vld [tilespmem:s29+$0x46A0];
	v4 =	vmul.f32 v4, v4;
	v1 =	vsub.f32 v1, v7  }
0x2c0: {  	v0 =	vsub.f32 v0, v12;
	v7 =	vld [tilespmem:s29+$0x46E0]  }
0x2c1: {  	v9 =	vld [tilespmem:s29+$0x146A0];
	v3 =	vadd.f32 v4, v3;
	v1 =	vmul.f32 v1, v1  }
0x2c2: {  	v0 =	vmul.f32 v0, v0;
	v4 =	vld [tilespmem:s29+$0x146E0]  }
0x2c3: {  	v10 =	vld [tilespmem:s29+$0x4680];
	v3 =	vadd.f32 v3, v6  }
0x2c4: {  	v0 =	vadd.f32 v0, v1;
	v6 =	vld [tilespmem:s29+$0x46C0]  }
0x2c5: {  	v1 =	vld [tilespmem:s29+$0x14680]  }
0x2c6: {  	v0 =	vadd.f32 v0, v3;
	v12 =	vld [tilespmem:s29+$0x146C0]  }
0x2c7: {  	v3 =	vld [tilespmem:s29+$0x4690]  }
0x2c8: {  	v13 =	vld [tilespmem:s29+$0x46D0];
	(xrf2) =	vadd.scan.msk.f32 $0xffff, v0  }
0x2c9: {  	v15 =	vmul.f32 v5, v14;
	v16 =	vmul.f32 v8, v11;
	v0 =	vld [tilespmem:s29+$0x14690]  }
0x2ca: {  	v5 =	vmul.f32 v5, v11;
	v8 =	vmul.f32 v8, v14;
	v17 =	vld [tilespmem:s29+$0x146D0]  }
0x2cb: {  	s0 =	sadd.s32 $0x2, s0;
	v14 =	vmul.f32 v9, v2;
	v18 =	vmul.f32 v4, v7;
	v11 =	vld [tilespmem:s29+$0x4600]  }
0x2cc: {  	p0 =	slt.u32 s0, $0x7E;
	v2 =	vmul.f32 v4, v2;
	v4 =	vmul.f32 v9, v7;
	v7 =	vld [tilespmem:s29+$0xC6B0]  }
0x2cd: {  	v19 =	vmul.f32 v1, v10;
	v20 =	vmul.f32 v12, v6;
	v9 =	vld [tilespmem:s29+$0xC680]  }
0x2ce: {  	v1 =	vmul.f32 v1, v6;
	v10 =	vmul.f32 v12, v10;
	v21 =	vld [tilespmem:s29+$0xC6C0]  }
0x2cf: {  	v12 =	vmul.f32 v0, v3;
	v6 =	vld [tilespmem:s29+$0xC690];
	v22 =	vmul.f32 v17, v13  }
0x2d0: {  	v15 =	vsub.f32 v15, v16;
	v5 =	vadd.f32 v8, v5;
	v3 =	vmul.f32 v17, v3;
	v23 =	vld [tilespmem:s29+$0xC6D0]  }
0x2d1: {  	v2 =	vadd.f32 v2, v4;
	v0 =	vmul.f32 v0, v13;
	v13 =	vsub.f32 v14, v18;
	v8 =	vld [tilespmem:s29+$0xC6A0]  }
0x2d2: {  	v4 =	vsub.f32 v19, v20;
	v1 =	vadd.f32 v10, v1;
	v10 =	vld [tilespmem:s29+$0xC6E0];
	v14, _, _ =	vpop (xrf2)  }
0x2d3: {  	v12 =	vsub.f32 v12, v22;
	v0 =	vadd.f32 v3, v0;
	v3 =	vld [tilespmem:s29+$0xC6F0];
	[tilespmem:s30+$0xFFFFFFFF] =	vst.msk vm0, v14  }
0x2d4: {  	v4 =	vsub.f32 v4, v9;
	v1 =	vsub.f32 v1, v21;
	v14 =	vld [tilespmem:s29+$0x4640]  }
0x2d5: {  	v6 =	vsub.f32 v12, v6;
	v9 =	vld [tilespmem:s29+$0x14600];
	v0 =	vsub.f32 v0, v23  }
0x2d6: {  	v4 =	vmul.f32 v4, v4;
	v1 =	vmul.f32 v1, v1;
	v12 =	vld [tilespmem:s29+$0x14640];
	v8 =	vsub.f32 v13, v8  }
0x2d7: {  	v6 =	vmul.f32 v6, v6;
	v13 =	vld [tilespmem:s29+$0x4610];
	v0 =	vmul.f32 v0, v0;
	v2 =	vsub.f32 v2, v10  }
0x2d8: {  	v7 =	vsub.f32 v15, v7;
	v10 =	vld [tilespmem:s29+$0x4650];
	v8 =	vmul.f32 v8, v8;
	v3 =	vsub.f32 v5, v3  }
0x2d9: {  	v1 =	vadd.f32 v1, v4;
	v5 =	vld [tilespmem:s29+$0x14610];
	v0 =	vadd.f32 v0, v6;
	v2 =	vmul.f32 v2, v2  }
0x2da: {  	v7 =	vmul.f32 v7, v7;
	v4 =	vmul.f32 v9, v11;
	v6 =	vld [tilespmem:s29+$0x14650]  }
0x2db: {  	v15 =	vld [tilespmem:s29+$0x4620];
	v0 =	vadd.f32 v0, v1;
	v1 =	vadd.f32 v2, v8;
	v2 =	vmul.f32 v3, v3  }
0x2dc: {  	v3 =	vmul.f32 v12, v14;
	v8 =	vmul.f32 v12, v11;
	v11 =	vld [tilespmem:s29+$0x4660]  }
0x2dd: {  	v9 =	vmul.f32 v9, v14;
	v12 =	vld [tilespmem:s29+$0x14620];
	v0 =	vadd.f32 v1, v0;
	v1 =	vadd.f32 v2, v7  }
0x2de: {  	v2 =	vsub.f32 v4, v3;
	v3 =	vmul.f32 v5, v13;
	v4 =	vmul.f32 v5, v10;
	v5 =	vld [tilespmem:s29+$0x14660]  }
0x2df: {  	v7 =	vld [tilespmem:s29+$0xC600];
	v10 =	vmul.f32 v6, v10;
	v6 =	vmul.f32 v6, v13;
	v0 =	vadd.f32 v1, v0  }
0x2e0: {  	v8 =	vadd.f32 v8, v9;
	v13 =	vld [tilespmem:s29+$0xC640]  }
0x2e1: {  	v9 =	vld [tilespmem:s29+$0xC610];
	v10 =	vsub.f32 v3, v10;
	v6 =	vadd.f32 v6, v4;
	(xrf2) =	vadd.scan.msk.f32 $0xffff, v0  }
0x2e2: {  	v14 =	vld [tilespmem:s29+$0xC650];
	v3 =	vmul.f32 v12, v15;
	v4 =	vmul.f32 v12, v11  }
0x2e3: {  	v11 =	vmul.f32 v5, v11;
	v5 =	vmul.f32 v5, v15;
	v0 =	vld [tilespmem:s29+$0x4630]  }
0x2e4: {  	v7 =	vsub.f32 v2, v7;
	v1 =	vld [tilespmem:s29+$0x4670]  }
.Ltmp3:
0x2e5: {  	v8 =	vsub.f32 v8, v13;
	v3 =	vsub.f32 v3, v11;
	v2 =	vld [tilespmem:s29+$0x14630];
	(pc) =	sbr.rel @p0 .LBB2_8-.Ltmp3, $4  }
0x2e6: {  	v4 =	vadd.f32 v5, v4;
	v7 =	vmul.f32 v7, v7;
	v9 =	vsub.f32 v10, v9;
	v5 =	vld [tilespmem:s29+$0x14670]  }
0x2e7: {  	v11 =	vmul.f32 v8, v8;
	v12 =	vsub.f32 v6, v14;
	v8 =	vld [tilespmem:s29+$0xC620]  }
0x2e8: {  	v10 =	vmul.f32 v9, v9;
	v9 =	vld [tilespmem:s29+$0xC660]  }
0x2e9: {  	s3 =	sadd.s32 $0x400, s3;
	v6 =	vadd.f32 v11, v7;
	v11 =	vmul.f32 v12, v12;
	v7 =	vld [tilespmem:s29+$0xC630]  }
0x2ea: {  	_ = 	snop  }
0x2eb: {  	v12 =	vld [tilespmem:s29+$0xC670];
	v13 =	vmul.f32 v2, v0;
	v58 =	vmul.f32 v2, v1  }
0x2ec: {  	v59 =	vmul.f32 v5, v1;
	v60 =	vmul.f32 v5, v0  }
0x2ed: {  	v3 =	vsub.f32 v3, v8;
	v4 =	vsub.f32 v4, v9  }
0x2ee: {  	v1 =	vsub.f32 v13, v59;
	v0 =	vadd.f32 v60, v58  }
0x2ef: {  	v61 =	vadd.f32 v11, v10;
	v3 =	vmul.f32 v3, v3  }
0x2f0: {  	v4 =	vmul.f32 v4, v4;
	v1 =	vsub.f32 v1, v7;
	v0 =	vsub.f32 v0, v12  }
0x2f1: {  	v2 =	vadd.f32 v61, v6  }
0x2f2: {  	v3 =	vadd.f32 v4, v3;
	v1 =	vmul.f32 v1, v1;
	v0 =	vmul.f32 v0, v0;
	_ =	sdelay $0x1  }
0x2f3: {  	v2 =	vadd.f32 v3, v2;
	v0 =	vadd.f32 v0, v1;
	_ =	sdelay $0x1  }
0x2f4: {  	v0 =	vadd.f32 v0, v2;
	_ =	sdelay $0x1  }
0x2f5: {  	(xrf2) =	vadd.scan.msk.f32 $0xffff, v0;
	_ =	sdelay $0x8  }
0x2f6: {  	s0 =	sadd.s32 $0x2, s30;
	s28 =	sadd.s32 $0x1, s28;
	v62, _, _ =	vpop (xrf2)  }
0x2f7: {  	p0 =	sne.s32 s28, s18;
	[tilespmem:s0+$0x0] =	vst.msk vm0, v62;
	v63, _, _ =	vpop (xrf2)  }
.Ltmp4:
0x2f8: {  	s31 =	simm.s32 $0x18600;
	[tilespmem:s0+$0xFFFFFFFF] =	vst.msk vm0, v63;
	(pc) =	sbr.rel @p0 .LBB2_1-.Ltmp4, $4  }
0x2f9: {  	[hbm4b:s17+s2] =	stream.linear.scatter [tilespmem:s31], [sflag:$0x3], $0x200, $0x38;
	[tilespmem:$0x18880] =	vst v63  }
0x2fa: {  	_ =	swait.ge [sflag:s19], $0x200  }
0x2fb: {  	[sflag:s19] =	ssyncset.done $0x0  }
0x2fc: {  	[sflag:s19] =	ssyncadd.s32 $0xFFFFFE00  }
0x2fd: {  	_ =	sfence.sel $0x180000  }
0x2fe: {  	[bflag:$0x0] =	sbarrier.arrive $0xFFFF  }
0x2ff: {  	_ =	strace $0x90000047  }
0x300: {  	s0 =	stileid.u32;
	[bflag:$0x2] =	sbarrier.arrive $0xFFFF  }
0x301: {  	p0 =	sne.s32 s0, $0x0;
	s0 =	rddreg [dreg:$0x6]  }
0x302: {  	s0 =	sadd.s32 @!p0 $0x100000, s0  }
0x303: {  	[sflag:s0] =	ssyncadd.tile.s32 @!p0 $0x1;
	_ =	shalt  }
.Lfunc_end2:
_tile_overlayer_lowered:
.L_overlay_start_2:
0x304: {  	(tag) =	ssettag $0x2  }
0x305: {  	s0 =	rddreg [dreg:$0x0];
	s2 =	stileid.u32  }
0x306: {  	s1 =	rddreg [dreg:$0x1];
	p0 =	sne.s32 s2, $0x0  }
0x307: {  	s3 =	rddreg [dreg:$0x2];
	[bflag:$0x3] =	sbarrier.arrive $0xFFFF;
	s2 =	simm.s32 @!p0 $0x1C03  }
0x308: {  	[timem:s3], [sflag:s2] =	dma.local @!p0 [hbm:s0], s1  }
0x309: {  	s0 =	simm.s32 @!p0 $0x3  }
0x30a: {  	_ =	swait.ge @!p0 [sflag:s0], s1  }
0x30b: {  	s1 =	ssub.s32 @!p0 $0x0, s1;
	[sflag:s0] =	ssyncset.done @!p0 $0x0  }
0x30c: {  	[sflag:s0] =	ssyncadd.s32 @!p0 s1  }
0x30d: {  	[bflag:$0x3] =	sbarrier.arrive $0xFFFF  }
0x30e: {  	_ =	shalt  }

</sc_bundles>
